<compile_context>
chip_gen: v7x
topology: tpu7x:2x2x1
jax: 0.10.2.dev20260603
libtpu: 0.0.44.dev20260713+nightly
codegen_flags: <defaults>
</compile_context>

<pallas_src>
import jax
import jax.numpy as jnp
from jax import lax
from jax.experimental import pallas as pl
from jax.experimental.pallas import tpu as pltpu
from jax.experimental.pallas import tpu_sc as plsc

_N = 1000000
_D = 16
_TOT = _N * _D
_NC = 1
_NS = 16
_NW = _NC * _NS
_CHUNK = 2000
_NCHUNKS = _N // _CHUNK
_PER_W = -(-_NCHUNKS // _NW)


def _copy_body(x, o, vmem0, vmem1, in_sems, out_sems):
    wid = lax.axis_index("s") * _NC + lax.axis_index("c")
    bufs = (vmem0, vmem1)

    def chunk_id(k):
        return wid + _NW * k

    def in_dma(k):
        b = k % 2
        sl = pl.ds(chunk_id(k) * _CHUNK, _CHUNK)
        return pltpu.make_async_copy(x.at[sl], bufs[b], in_sems.at[b])

    def out_dma(k):
        b = k % 2
        sl = pl.ds(chunk_id(k) * _CHUNK, _CHUNK)
        return pltpu.make_async_copy(bufs[b], o.at[sl], out_sems.at[b])

    @pl.when(chunk_id(0) < _NCHUNKS)
    def _():
        in_dma(0).start()

    for k in range(_PER_W):
        @pl.when(chunk_id(k) < _NCHUNKS)
        def _():
            if k + 1 < _PER_W:
                @pl.when(chunk_id(k + 1) < _NCHUNKS)
                def _():
                    if k - 1 >= 0:
                        out_dma(k - 1).wait()
                    in_dma(k + 1).start()
            in_dma(k).wait()
            out_dma(k).start()

    for k in (_PER_W - 2, _PER_W - 1):
        if k >= 0:
            @pl.when(chunk_id(k) < _NCHUNKS)
            def _():
                out_dma(k).wait()


def kernel(embeddings):
    fn = pl.kernel(
        _copy_body,
        out_type=jax.ShapeDtypeStruct((_N, _D), jnp.float32),
        mesh=plsc.VectorSubcoreMesh(
            core_axis_name="c", subcore_axis_name="s",
            num_cores=_NC, num_subcores=_NS,
        ),
        compiler_params=pltpu.CompilerParams(use_tc_tiling_on_sc=False),
        scratch_types=[
            pltpu.VMEM((_CHUNK, _D), jnp.float32),
            pltpu.VMEM((_CHUNK, _D), jnp.float32),
            pltpu.SemaphoreType.DMA((2,)),
            pltpu.SemaphoreType.DMA((2,)),
        ],
    )
    return fn(embeddings)

# --- scband reference (transcript-rebuilt; emitter-appended) ---
"""Pipeline reference for scband-poincare-embedding-49237505081989 (READ-ONLY COPY).

The authoritative reference and input builder live on the scoring server;
editing this copy changes nothing except your own understanding.
"""

import jax, jax.numpy as jnp
import numpy as np

NUM_EMBEDDINGS = 1000000
EMBEDDING_DIM = 16

def setup_inputs(seed: int = 0) -> dict:
    key = jax.random.key(seed)
    # learned parameter: nn.Parameter(torch.randn(num_embeddings, embedding_dim) * 0.1)
    embeddings = jax.random.normal(key, (NUM_EMBEDDINGS, EMBEDDING_DIM), dtype=jnp.float32) * 0.1
    return {"embeddings": embeddings}

def reference(embeddings):
    # PoincareEmbedding.forward(): simply returns the embedding table parameter.
    return embeddings

if __name__ == "__main__":
    import jax
    _d = setup_inputs()
    print(jax.jit(kernel)(*tuple(_d.values())))

</pallas_src>

<mosaic_0001>
#map = affine_map<(d0, d1) -> (0, 0)>
module attributes {stable_mosaic.version = 14 : i64} {
  func.func @_copy_body(%arg0: i32, %arg1: i32, %arg2: memref<1000000x16xf32, #tpu.memory_space<hbm>>, %arg3: memref<1000000x16xf32, #tpu.memory_space<hbm>>, %arg4: memref<2000x16xf32, #tpu.memory_space<vmem>>, %arg5: memref<2000x16xf32, #tpu.memory_space<vmem>>, %arg6: memref<2x!tpu.dma_semaphore, #tpu.memory_space<semaphore_mem>>, %arg7: memref<2x!tpu.dma_semaphore, #tpu.memory_space<semaphore_mem>>) attributes {dimension_semantics = [#tpu.dimension_semantics<core_parallel>, #tpu.dimension_semantics<subcore_parallel>], iteration_bounds = array<i64: 1, 16>, scalar_prefetch = 0 : i64, scratch_operands = 4 : i64, tpu.core_type = #tpu.core_type<sc_vector_subcore>, window_params = [{transform_indices = #map}, {transform_indices = #map}]} {
    %mul3A = arith.constant 1 : i32
    %mul3A_0 = arith.muli %arg1, %mul3A : i32
    %add3A = arith.addi %mul3A_0, %arg0 : i32
    %add3A_1 = arith.constant 0 : i32
    %add3A_2 = arith.addi %add3A, %add3A_1 : i32
    %lt3A = arith.constant 500 : i32
    %lt3A_3 = arith.cmpi slt, %add3A_2, %lt3A : i32
    %convert_element_type3A = arith.extui %lt3A_3 : i1 to i32
    %cond3A = arith.constant 0 : i32
    %cond3A_4 = arith.cmpi ne, %convert_element_type3A, %cond3A : i32
    scf.if %cond3A_4 {
      %add3A_243 = arith.constant 0 : i32
      %add3A_244 = arith.addi %add3A, %add3A_243 : i32
      %mul3A_245 = arith.constant 2000 : i32
      %mul3A_246 = arith.muli %add3A_244, %mul3A_245 : i32
      %dma_start3A = arith.constant 0 : i32
      %dma_start3A_247 = arith.constant 0 : i32
      %dma_start3A_248 = tpu.memref_slice %arg2[%mul3A_246, %dma_start3A_247] : memref<1000000x16xf32, #tpu.memory_space<hbm>> -> memref<2000x16xf32, #tpu.memory_space<hbm>>
      %dma_start3A_249 = tpu.memref_slice %arg6[%dma_start3A] : memref<2x!tpu.dma_semaphore, #tpu.memory_space<semaphore_mem>> -> memref<1x!tpu.dma_semaphore, #tpu.memory_space<semaphore_mem>>
      %dma_start3A_250 = tpu.memref_squeeze %dma_start3A_249 : memref<1x!tpu.dma_semaphore, #tpu.memory_space<semaphore_mem>> -> memref<!tpu.dma_semaphore, #tpu.memory_space<semaphore_mem>>
      %dma_start3A_251 = arith.constant 0 : i32
      %dma_start3A_252 = tpu.memref_slice %arg2[%mul3A_246, %dma_start3A_251] : memref<1000000x16xf32, #tpu.memory_space<hbm>> -> memref<2000x16xf32, #tpu.memory_space<hbm>>
      tpu.enqueue_dma source(%dma_start3A_252 : memref<2000x16xf32, #tpu.memory_space<hbm>>) target(%arg4 : memref<2000x16xf32, #tpu.memory_space<vmem>>) target_semaphore(%dma_start3A_250 : memref<!tpu.dma_semaphore, #tpu.memory_space<semaphore_mem>>)
    } else {
    }
    %add3A_5 = arith.constant 0 : i32
    %add3A_6 = arith.addi %add3A, %add3A_5 : i32
    %lt3A_7 = arith.constant 500 : i32
    %lt3A_8 = arith.cmpi slt, %add3A_6, %lt3A_7 : i32
    %convert_element_type3A_9 = arith.extui %lt3A_8 : i1 to i32
    %cond3A_10 = arith.constant 0 : i32
    %cond3A_11 = arith.cmpi ne, %convert_element_type3A_9, %cond3A_10 : i32
    scf.if %cond3A_11 {
      %add3A_243 = arith.constant 16 : i32
      %add3A_244 = arith.addi %add3A, %add3A_243 : i32
      %lt3A_245 = arith.constant 500 : i32
      %lt3A_246 = arith.cmpi slt, %add3A_244, %lt3A_245 : i32
      %convert_element_type3A_247 = arith.extui %lt3A_246 : i1 to i32
      %cond3A_248 = arith.constant 0 : i32
      %cond3A_249 = arith.cmpi ne, %convert_element_type3A_247, %cond3A_248 : i32
      scf.if %cond3A_249 {
        %add3A_270 = arith.constant 16 : i32
        %add3A_271 = arith.addi %add3A, %add3A_270 : i32
        %mul3A_272 = arith.constant 2000 : i32
        %mul3A_273 = arith.muli %add3A_271, %mul3A_272 : i32
        %dma_start3A_274 = arith.constant 1 : i32
        %dma_start3A_275 = arith.constant 0 : i32
        %dma_start3A_276 = tpu.memref_slice %arg2[%mul3A_273, %dma_start3A_275] : memref<1000000x16xf32, #tpu.memory_space<hbm>> -> memref<2000x16xf32, #tpu.memory_space<hbm>>
        %dma_start3A_277 = tpu.memref_slice %arg6[%dma_start3A_274] : memref<2x!tpu.dma_semaphore, #tpu.memory_space<semaphore_mem>> -> memref<1x!tpu.dma_semaphore, #tpu.memory_space<semaphore_mem>>
        %dma_start3A_278 = tpu.memref_squeeze %dma_start3A_277 : memref<1x!tpu.dma_semaphore, #tpu.memory_space<semaphore_mem>> -> memref<!tpu.dma_semaphore, #tpu.memory_space<semaphore_mem>>
        %dma_start3A_279 = arith.constant 0 : i32
        %dma_start3A_280 = tpu.memref_slice %arg2[%mul3A_273, %dma_start3A_279] : memref<1000000x16xf32, #tpu.memory_space<hbm>> -> memref<2000x16xf32, #tpu.memory_space<hbm>>
        tpu.enqueue_dma source(%dma_start3A_280 : memref<2000x16xf32, #tpu.memory_space<hbm>>) target(%arg5 : memref<2000x16xf32, #tpu.memory_space<vmem>>) target_semaphore(%dma_start3A_278 : memref<!tpu.dma_semaphore, #tpu.memory_space<semaphore_mem>>)
      } else {
      }
      %add3A_250 = arith.constant 0 : i32
      %add3A_251 = arith.addi %add3A, %add3A_250 : i32
      %mul3A_252 = arith.constant 2000 : i32
      %mul3A_253 = arith.muli %add3A_251, %mul3A_252 : i32
      %dma_wait3A = arith.constant 0 : i32
      %dma_wait3A_254 = arith.constant 0 : i32
      %dma_wait3A_255 = tpu.memref_slice %arg2[%mul3A_253, %dma_wait3A_254] : memref<1000000x16xf32, #tpu.memory_space<hbm>> -> memref<2000x16xf32, #tpu.memory_space<hbm>>
      %dma_wait3A_256 = tpu.memref_slice %arg6[%dma_wait3A] : memref<2x!tpu.dma_semaphore, #tpu.memory_space<semaphore_mem>> -> memref<1x!tpu.dma_semaphore, #tpu.memory_space<semaphore_mem>>
      %dma_wait3A_257 = tpu.memref_squeeze %dma_wait3A_256 : memref<1x!tpu.dma_semaphore, #tpu.memory_space<semaphore_mem>> -> memref<!tpu.dma_semaphore, #tpu.memory_space<semaphore_mem>>
      %dma_wait3A_258 = arith.constant 0 : i32
      %dma_wait3A_259 = tpu.memref_slice %arg2[%mul3A_253, %dma_wait3A_258] : memref<1000000x16xf32, #tpu.memory_space<hbm>> -> memref<2000x16xf32, #tpu.memory_space<hbm>>
      tpu.wait_dma2 semaphore(%dma_wait3A_257 : memref<!tpu.dma_semaphore, #tpu.memory_space<semaphore_mem>>) src(%dma_wait3A_259 : memref<2000x16xf32, #tpu.memory_space<hbm>>) dst(%arg4 : memref<2000x16xf32, #tpu.memory_space<vmem>>)
      %add3A_260 = arith.constant 0 : i32
      %add3A_261 = arith.addi %add3A, %add3A_260 : i32
      %mul3A_262 = arith.constant 2000 : i32
      %mul3A_263 = arith.muli %add3A_261, %mul3A_262 : i32
      %dma_start3A = arith.constant 0 : i32
      %dma_start3A_264 = arith.constant 0 : i32
      %dma_start3A_265 = tpu.memref_slice %arg3[%mul3A_263, %dma_start3A_264] : memref<1000000x16xf32, #tpu.memory_space<hbm>> -> memref<2000x16xf32, #tpu.memory_space<hbm>>
      %dma_start3A_266 = tpu.memref_slice %arg7[%dma_start3A] : memref<2x!tpu.dma_semaphore, #tpu.memory_space<semaphore_mem>> -> memref<1x!tpu.dma_semaphore, #tpu.memory_space<semaphore_mem>>
      %dma_start3A_267 = tpu.memref_squeeze %dma_start3A_266 : memref<1x!tpu.dma_semaphore, #tpu.memory_space<semaphore_mem>> -> memref<!tpu.dma_semaphore, #tpu.memory_space<semaphore_mem>>
      %dma_start3A_268 = arith.constant 0 : i32
      %dma_start3A_269 = tpu.memref_slice %arg3[%mul3A_263, %dma_start3A_268] : memref<1000000x16xf32, #tpu.memory_space<hbm>> -> memref<2000x16xf32, #tpu.memory_space<hbm>>
      tpu.enqueue_dma source(%arg4 : memref<2000x16xf32, #tpu.memory_space<vmem>>) target(%dma_start3A_269 : memref<2000x16xf32, #tpu.memory_space<hbm>>) target_semaphore(%dma_start3A_267 : memref<!tpu.dma_semaphore, #tpu.memory_space<semaphore_mem>>)
    } else {
    }
    %add3A_12 = arith.constant 16 : i32
    %add3A_13 = arith.addi %add3A, %add3A_12 : i32
    %lt3A_14 = arith.constant 500 : i32
    %lt3A_15 = arith.cmpi slt, %add3A_13, %lt3A_14 : i32
    %convert_element_type3A_16 = arith.extui %lt3A_15 : i1 to i32
    %cond3A_17 = arith.constant 0 : i32
    %cond3A_18 = arith.cmpi ne, %convert_element_type3A_16, %cond3A_17 : i32
    scf.if %cond3A_18 {
      %add3A_243 = arith.constant 32 : i32
      %add3A_244 = arith.addi %add3A, %add3A_243 : i32
      %lt3A_245 = arith.constant 500 : i32
      %lt3A_246 = arith.cmpi slt, %add3A_244, %lt3A_245 : i32
      %convert_element_type3A_247 = arith.extui %lt3A_246 : i1 to i32
      %cond3A_248 = arith.constant 0 : i32
      %cond3A_249 = arith.cmpi ne, %convert_element_type3A_247, %cond3A_248 : i32
      scf.if %cond3A_249 {
        %add3A_270 = arith.constant 0 : i32
        %add3A_271 = arith.addi %add3A, %add3A_270 : i32
        %mul3A_272 = arith.constant 2000 : i32
        %mul3A_273 = arith.muli %add3A_271, %mul3A_272 : i32
        %dma_wait3A_274 = arith.constant 0 : i32
        %dma_wait3A_275 = arith.constant 0 : i32
        %dma_wait3A_276 = tpu.memref_slice %arg3[%mul3A_273, %dma_wait3A_275] : memref<1000000x16xf32, #tpu.memory_space<hbm>> -> memref<2000x16xf32, #tpu.memory_space<hbm>>
        %dma_wait3A_277 = tpu.memref_slice %arg7[%dma_wait3A_274] : memref<2x!tpu.dma_semaphore, #tpu.memory_space<semaphore_mem>> -> memref<1x!tpu.dma_semaphore, #tpu.memory_space<semaphore_mem>>
        %dma_wait3A_278 = tpu.memref_squeeze %dma_wait3A_277 : memref<1x!tpu.dma_semaphore, #tpu.memory_space<semaphore_mem>> -> memref<!tpu.dma_semaphore, #tpu.memory_space<semaphore_mem>>
        %dma_wait3A_279 = arith.constant 0 : i32
        %dma_wait3A_280 = tpu.memref_slice %arg3[%mul3A_273, %dma_wait3A_279] : memref<1000000x16xf32, #tpu.memory_space<hbm>> -> memref<2000x16xf32, #tpu.memory_space<hbm>>
        tpu.wait_dma2 semaphore(%dma_wait3A_278 : memref<!tpu.dma_semaphore, #tpu.memory_space<semaphore_mem>>) src(%arg4 : memref<2000x16xf32, #tpu.memory_space<vmem>>) dst(%dma_wait3A_280 : memref<2000x16xf32, #tpu.memory_space<hbm>>)
        %add3A_281 = arith.constant 32 : i32
        %add3A_282 = arith.addi %add3A, %add3A_281 : i32
        %mul3A_283 = arith.constant 2000 : i32
        %mul3A_284 = arith.muli %add3A_282, %mul3A_283 : i32
        %dma_start3A_285 = arith.constant 0 : i32
        %dma_start3A_286 = arith.constant 0 : i32
        %dma_start3A_287 = tpu.memref_slice %arg2[%mul3A_284, %dma_start3A_286] : memref<1000000x16xf32, #tpu.memory_space<hbm>> -> memref<2000x16xf32, #tpu.memory_space<hbm>>
        %dma_start3A_288 = tpu.memref_slice %arg6[%dma_start3A_285] : memref<2x!tpu.dma_semaphore, #tpu.memory_space<semaphore_mem>> -> memref<1x!tpu.dma_semaphore, #tpu.memory_space<semaphore_mem>>
        %dma_start3A_289 = tpu.memref_squeeze %dma_start3A_288 : memref<1x!tpu.dma_semaphore, #tpu.memory_space<semaphore_mem>> -> memref<!tpu.dma_semaphore, #tpu.memory_space<semaphore_mem>>
        %dma_start3A_290 = arith.constant 0 : i32
        %dma_start3A_291 = tpu.memref_slice %arg2[%mul3A_284, %dma_start3A_290] : memref<1000000x16xf32, #tpu.memory_space<hbm>> -> memref<2000x16xf32, #tpu.memory_space<hbm>>
        tpu.enqueue_dma source(%dma_start3A_291 : memref<2000x16xf32, #tpu.memory_space<hbm>>) target(%arg4 : memref<2000x16xf32, #tpu.memory_space<vmem>>) target_semaphore(%dma_start3A_289 : memref<!tpu.dma_semaphore, #tpu.memory_space<semaphore_mem>>)
      } else {
      }
      %add3A_250 = arith.constant 16 : i32
      %add3A_251 = arith.addi %add3A, %add3A_250 : i32
      %mul3A_252 = arith.constant 2000 : i32
      %mul3A_253 = arith.muli %add3A_251, %mul3A_252 : i32
      %dma_wait3A = arith.constant 1 : i32
      %dma_wait3A_254 = arith.constant 0 : i32
      %dma_wait3A_255 = tpu.memref_slice %arg2[%mul3A_253, %dma_wait3A_254] : memref<1000000x16xf32, #tpu.memory_space<hbm>> -> memref<2000x16xf32, #tpu.memory_space<hbm>>
      %dma_wait3A_256 = tpu.memref_slice %arg6[%dma_wait3A] : memref<2x!tpu.dma_semaphore, #tpu.memory_space<semaphore_mem>> -> memref<1x!tpu.dma_semaphore, #tpu.memory_space<semaphore_mem>>
      %dma_wait3A_257 = tpu.memref_squeeze %dma_wait3A_256 : memref<1x!tpu.dma_semaphore, #tpu.memory_space<semaphore_mem>> -> memref<!tpu.dma_semaphore, #tpu.memory_space<semaphore_mem>>
      %dma_wait3A_258 = arith.constant 0 : i32
      %dma_wait3A_259 = tpu.memref_slice %arg2[%mul3A_253, %dma_wait3A_258] : memref<1000000x16xf32, #tpu.memory_space<hbm>> -> memref<2000x16xf32, #tpu.memory_space<hbm>>
      tpu.wait_dma2 semaphore(%dma_wait3A_257 : memref<!tpu.dma_semaphore, #tpu.memory_space<semaphore_mem>>) src(%dma_wait3A_259 : memref<2000x16xf32, #tpu.memory_space<hbm>>) dst(%arg5 : memref<2000x16xf32, #tpu.memory_space<vmem>>)
      %add3A_260 = arith.constant 16 : i32
      %add3A_261 = arith.addi %add3A, %add3A_260 : i32
      %mul3A_262 = arith.constant 2000 : i32
      %mul3A_263 = arith.muli %add3A_261, %mul3A_262 : i32
      %dma_start3A = arith.constant 1 : i32
      %dma_start3A_264 = arith.constant 0 : i32
      %dma_start3A_265 = tpu.memref_slice %arg3[%mul3A_263, %dma_start3A_264] : memref<1000000x16xf32, #tpu.memory_space<hbm>> -> memref<2000x16xf32, #tpu.memory_space<hbm>>
      %dma_start3A_266 = tpu.memref_slice %arg7[%dma_start3A] : memref<2x!tpu.dma_semaphore, #tpu.memory_space<semaphore_mem>> -> memref<1x!tpu.dma_semaphore, #tpu.memory_space<semaphore_mem>>
      %dma_start3A_267 = tpu.memref_squeeze %dma_start3A_266 : memref<1x!tpu.dma_semaphore, #tpu.memory_space<semaphore_mem>> -> memref<!tpu.dma_semaphore, #tpu.memory_space<semaphore_mem>>
      %dma_start3A_268 = arith.constant 0 : i32
      %dma_start3A_269 = tpu.memref_slice %arg3[%mul3A_263, %dma_start3A_268] : memref<1000000x16xf32, #tpu.memory_space<hbm>> -> memref<2000x16xf32, #tpu.memory_space<hbm>>
      tpu.enqueue_dma source(%arg5 : memref<2000x16xf32, #tpu.memory_space<vmem>>) target(%dma_start3A_269 : memref<2000x16xf32, #tpu.memory_space<hbm>>) target_semaphore(%dma_start3A_267 : memref<!tpu.dma_semaphore, #tpu.memory_space<semaphore_mem>>)
    } else {
    }
    %add3A_19 = arith.constant 32 : i32
    %add3A_20 = arith.addi %add3A, %add3A_19 : i32
    %lt3A_21 = arith.constant 500 : i32
    %lt3A_22 = arith.cmpi slt, %add3A_20, %lt3A_21 : i32
    %convert_element_type3A_23 = arith.extui %lt3A_22 : i1 to i32
    %cond3A_24 = arith.constant 0 : i32
    %cond3A_25 = arith.cmpi ne, %convert_element_type3A_23, %cond3A_24 : i32
    scf.if %cond3A_25 {
      %add3A_243 = arith.constant 48 : i32
      %add3A_244 = arith.addi %add3A, %add3A_243 : i32
      %lt3A_245 = arith.constant 500 : i32
      %lt3A_246 = arith.cmpi slt, %add3A_244, %lt3A_245 : i32
      %convert_element_type3A_247 = arith.extui %lt3A_246 : i1 to i32
      %cond3A_248 = arith.constant 0 : i32
      %cond3A_249 = arith.cmpi ne, %convert_element_type3A_247, %cond3A_248 : i32
      scf.if %cond3A_249 {
        %add3A_270 = arith.constant 16 : i32
        %add3A_271 = arith.addi %add3A, %add3A_270 : i32
        %mul3A_272 = arith.constant 2000 : i32
        %mul3A_273 = arith.muli %add3A_271, %mul3A_272 : i32
        %dma_wait3A_274 = arith.constant 1 : i32
        %dma_wait3A_275 = arith.constant 0 : i32
        %dma_wait3A_276 = tpu.memref_slice %arg3[%mul3A_273, %dma_wait3A_275] : memref<1000000x16xf32, #tpu.memory_space<hbm>> -> memref<2000x16xf32, #tpu.memory_space<hbm>>
        %dma_wait3A_277 = tpu.memref_slice %arg7[%dma_wait3A_274] : memref<2x!tpu.dma_semaphore, #tpu.memory_space<semaphore_mem>> -> memref<1x!tpu.dma_semaphore, #tpu.memory_space<semaphore_mem>>
        %dma_wait3A_278 = tpu.memref_squeeze %dma_wait3A_277 : memref<1x!tpu.dma_semaphore, #tpu.memory_space<semaphore_mem>> -> memref<!tpu.dma_semaphore, #tpu.memory_space<semaphore_mem>>
        %dma_wait3A_279 = arith.constant 0 : i32
        %dma_wait3A_280 = tpu.memref_slice %arg3[%mul3A_273, %dma_wait3A_279] : memref<1000000x16xf32, #tpu.memory_space<hbm>> -> memref<2000x16xf32, #tpu.memory_space<hbm>>
        tpu.wait_dma2 semaphore(%dma_wait3A_278 : memref<!tpu.dma_semaphore, #tpu.memory_space<semaphore_mem>>) src(%arg5 : memref<2000x16xf32, #tpu.memory_space<vmem>>) dst(%dma_wait3A_280 : memref<2000x16xf32, #tpu.memory_space<hbm>>)
        %add3A_281 = arith.constant 48 : i32
        %add3A_282 = arith.addi %add3A, %add3A_281 : i32
        %mul3A_283 = arith.constant 2000 : i32
        %mul3A_284 = arith.muli %add3A_282, %mul3A_283 : i32
        %dma_start3A_285 = arith.constant 1 : i32
        %dma_start3A_286 = arith.constant 0 : i32
        %dma_start3A_287 = tpu.memref_slice %arg2[%mul3A_284, %dma_start3A_286] : memref<1000000x16xf32, #tpu.memory_space<hbm>> -> memref<2000x16xf32, #tpu.memory_space<hbm>>
        %dma_start3A_288 = tpu.memref_slice %arg6[%dma_start3A_285] : memref<2x!tpu.dma_semaphore, #tpu.memory_space<semaphore_mem>> -> memref<1x!tpu.dma_semaphore, #tpu.memory_space<semaphore_mem>>
        %dma_start3A_289 = tpu.memref_squeeze %dma_start3A_288 : memref<1x!tpu.dma_semaphore, #tpu.memory_space<semaphore_mem>> -> memref<!tpu.dma_semaphore, #tpu.memory_space<semaphore_mem>>
        %dma_start3A_290 = arith.constant 0 : i32
        %dma_start3A_291 = tpu.memref_slice %arg2[%mul3A_284, %dma_start3A_290] : memref<1000000x16xf32, #tpu.memory_space<hbm>> -> memref<2000x16xf32, #tpu.memory_space<hbm>>
        tpu.enqueue_dma source(%dma_start3A_291 : memref<2000x16xf32, #tpu.memory_space<hbm>>) target(%arg5 : memref<2000x16xf32, #tpu.memory_space<vmem>>) target_semaphore(%dma_start3A_289 : memref<!tpu.dma_semaphore, #tpu.memory_space<semaphore_mem>>)
      } else {
      }
      %add3A_250 = arith.constant 32 : i32
      %add3A_251 = arith.addi %add3A, %add3A_250 : i32
      %mul3A_252 = arith.constant 2000 : i32
      %mul3A_253 = arith.muli %add3A_251, %mul3A_252 : i32
      %dma_wait3A = arith.constant 0 : i32
      %dma_wait3A_254 = arith.constant 0 : i32
      %dma_wait3A_255 = tpu.memref_slice %arg2[%mul3A_253, %dma_wait3A_254] : memref<1000000x16xf32, #tpu.memory_space<hbm>> -> memref<2000x16xf32, #tpu.memory_space<hbm>>
      %dma_wait3A_256 = tpu.memref_slice %arg6[%dma_wait3A] : memref<2x!tpu.dma_semaphore, #tpu.memory_space<semaphore_mem>> -> memref<1x!tpu.dma_semaphore, #tpu.memory_space<semaphore_mem>>
      %dma_wait3A_257 = tpu.memref_squeeze %dma_wait3A_256 : memref<1x!tpu.dma_semaphore, #tpu.memory_space<semaphore_mem>> -> memref<!tpu.dma_semaphore, #tpu.memory_space<semaphore_mem>>
      %dma_wait3A_258 = arith.constant 0 : i32
      %dma_wait3A_259 = tpu.memref_slice %arg2[%mul3A_253, %dma_wait3A_258] : memref<1000000x16xf32, #tpu.memory_space<hbm>> -> memref<2000x16xf32, #tpu.memory_space<hbm>>
      tpu.wait_dma2 semaphore(%dma_wait3A_257 : memref<!tpu.dma_semaphore, #tpu.memory_space<semaphore_mem>>) src(%dma_wait3A_259 : memref<2000x16xf32, #tpu.memory_space<hbm>>) dst(%arg4 : memref<2000x16xf32, #tpu.memory_space<vmem>>)
      %add3A_260 = arith.constant 32 : i32
      %add3A_261 = arith.addi %add3A, %add3A_260 : i32
      %mul3A_262 = arith.constant 2000 : i32
      %mul3A_263 = arith.muli %add3A_261, %mul3A_262 : i32
      %dma_start3A = arith.constant 0 : i32
      %dma_start3A_264 = arith.constant 0 : i32
      %dma_start3A_265 = tpu.memref_slice %arg3[%mul3A_263, %dma_start3A_264] : memref<1000000x16xf32, #tpu.memory_space<hbm>> -> memref<2000x16xf32, #tpu.memory_space<hbm>>
      %dma_start3A_266 = tpu.memref_slice %arg7[%dma_start3A] : memref<2x!tpu.dma_semaphore, #tpu.memory_space<semaphore_mem>> -> memref<1x!tpu.dma_semaphore, #tpu.memory_space<semaphore_mem>>
      %dma_start3A_267 = tpu.memref_squeeze %dma_start3A_266 : memref<1x!tpu.dma_semaphore, #tpu.memory_space<semaphore_mem>> -> memref<!tpu.dma_semaphore, #tpu.memory_space<semaphore_mem>>
      %dma_start3A_268 = arith.constant 0 : i32
      %dma_start3A_269 = tpu.memref_slice %arg3[%mul3A_263, %dma_start3A_268] : memref<1000000x16xf32, #tpu.memory_space<hbm>> -> memref<2000x16xf32, #tpu.memory_space<hbm>>
      tpu.enqueue_dma source(%arg4 : memref<2000x16xf32, #tpu.memory_space<vmem>>) target(%dma_start3A_269 : memref<2000x16xf32, #tpu.memory_space<hbm>>) target_semaphore(%dma_start3A_267 : memref<!tpu.dma_semaphore, #tpu.memory_space<semaphore_mem>>)
    } else {
    }
    %add3A_26 = arith.constant 48 : i32
    %add3A_27 = arith.addi %add3A, %add3A_26 : i32
    %lt3A_28 = arith.constant 500 : i32
    %lt3A_29 = arith.cmpi slt, %add3A_27, %lt3A_28 : i32
    %convert_element_type3A_30 = arith.extui %lt3A_29 : i1 to i32
    %cond3A_31 = arith.constant 0 : i32
    %cond3A_32 = arith.cmpi ne, %convert_element_type3A_30, %cond3A_31 : i32
    scf.if %cond3A_32 {
      %add3A_243 = arith.constant 64 : i32
      %add3A_244 = arith.addi %add3A, %add3A_243 : i32
      %lt3A_245 = arith.constant 500 : i32
      %lt3A_246 = arith.cmpi slt, %add3A_244, %lt3A_245 : i32
      %convert_element_type3A_247 = arith.extui %lt3A_246 : i1 to i32
      %cond3A_248 = arith.constant 0 : i32
      %cond3A_249 = arith.cmpi ne, %convert_element_type3A_247, %cond3A_248 : i32
      scf.if %cond3A_249 {
        %add3A_270 = arith.constant 32 : i32
        %add3A_271 = arith.addi %add3A, %add3A_270 : i32
        %mul3A_272 = arith.constant 2000 : i32
        %mul3A_273 = arith.muli %add3A_271, %mul3A_272 : i32
        %dma_wait3A_274 = arith.constant 0 : i32
        %dma_wait3A_275 = arith.constant 0 : i32
        %dma_wait3A_276 = tpu.memref_slice %arg3[%mul3A_273, %dma_wait3A_275] : memref<1000000x16xf32, #tpu.memory_space<hbm>> -> memref<2000x16xf32, #tpu.memory_space<hbm>>
        %dma_wait3A_277 = tpu.memref_slice %arg7[%dma_wait3A_274] : memref<2x!tpu.dma_semaphore, #tpu.memory_space<semaphore_mem>> -> memref<1x!tpu.dma_semaphore, #tpu.memory_space<semaphore_mem>>
        %dma_wait3A_278 = tpu.memref_squeeze %dma_wait3A_277 : memref<1x!tpu.dma_semaphore, #tpu.memory_space<semaphore_mem>> -> memref<!tpu.dma_semaphore, #tpu.memory_space<semaphore_mem>>
        %dma_wait3A_279 = arith.constant 0 : i32
        %dma_wait3A_280 = tpu.memref_slice %arg3[%mul3A_273, %dma_wait3A_279] : memref<1000000x16xf32, #tpu.memory_space<hbm>> -> memref<2000x16xf32, #tpu.memory_space<hbm>>
        tpu.wait_dma2 semaphore(%dma_wait3A_278 : memref<!tpu.dma_semaphore, #tpu.memory_space<semaphore_mem>>) src(%arg4 : memref<2000x16xf32, #tpu.memory_space<vmem>>) dst(%dma_wait3A_280 : memref<2000x16xf32, #tpu.memory_space<hbm>>)
        %add3A_281 = arith.constant 64 : i32
        %add3A_282 = arith.addi %add3A, %add3A_281 : i32
        %mul3A_283 = arith.constant 2000 : i32
        %mul3A_284 = arith.muli %add3A_282, %mul3A_283 : i32
        %dma_start3A_285 = arith.constant 0 : i32
        %dma_start3A_286 = arith.constant 0 : i32
        %dma_start3A_287 = tpu.memref_slice %arg2[%mul3A_284, %dma_start3A_286] : memref<1000000x16xf32, #tpu.memory_space<hbm>> -> memref<2000x16xf32, #tpu.memory_space<hbm>>
        %dma_start3A_288 = tpu.memref_slice %arg6[%dma_start3A_285] : memref<2x!tpu.dma_semaphore, #tpu.memory_space<semaphore_mem>> -> memref<1x!tpu.dma_semaphore, #tpu.memory_space<semaphore_mem>>
        %dma_start3A_289 = tpu.memref_squeeze %dma_start3A_288 : memref<1x!tpu.dma_semaphore, #tpu.memory_space<semaphore_mem>> -> memref<!tpu.dma_semaphore, #tpu.memory_space<semaphore_mem>>
        %dma_start3A_290 = arith.constant 0 : i32
        %dma_start3A_291 = tpu.memref_slice %arg2[%mul3A_284, %dma_start3A_290] : memref<1000000x16xf32, #tpu.memory_space<hbm>> -> memref<2000x16xf32, #tpu.memory_space<hbm>>
        tpu.enqueue_dma source(%dma_start3A_291 : memref<2000x16xf32, #tpu.memory_space<hbm>>) target(%arg4 : memref<2000x16xf32, #tpu.memory_space<vmem>>) target_semaphore(%dma_start3A_289 : memref<!tpu.dma_semaphore, #tpu.memory_space<semaphore_mem>>)
      } else {
      }
      %add3A_250 = arith.constant 48 : i32
      %add3A_251 = arith.addi %add3A, %add3A_250 : i32
      %mul3A_252 = arith.constant 2000 : i32
      %mul3A_253 = arith.muli %add3A_251, %mul3A_252 : i32
      %dma_wait3A = arith.constant 1 : i32
      %dma_wait3A_254 = arith.constant 0 : i32
      %dma_wait3A_255 = tpu.memref_slice %arg2[%mul3A_253, %dma_wait3A_254] : memref<1000000x16xf32, #tpu.memory_space<hbm>> -> memref<2000x16xf32, #tpu.memory_space<hbm>>
      %dma_wait3A_256 = tpu.memref_slice %arg6[%dma_wait3A] : memref<2x!tpu.dma_semaphore, #tpu.memory_space<semaphore_mem>> -> memref<1x!tpu.dma_semaphore, #tpu.memory_space<semaphore_mem>>
      %dma_wait3A_257 = tpu.memref_squeeze %dma_wait3A_256 : memref<1x!tpu.dma_semaphore, #tpu.memory_space<semaphore_mem>> -> memref<!tpu.dma_semaphore, #tpu.memory_space<semaphore_mem>>
      %dma_wait3A_258 = arith.constant 0 : i32
      %dma_wait3A_259 = tpu.memref_slice %arg2[%mul3A_253, %dma_wait3A_258] : memref<1000000x16xf32, #tpu.memory_space<hbm>> -> memref<2000x16xf32, #tpu.memory_space<hbm>>
      tpu.wait_dma2 semaphore(%dma_wait3A_257 : memref<!tpu.dma_semaphore, #tpu.memory_space<semaphore_mem>>) src(%dma_wait3A_259 : memref<2000x16xf32, #tpu.memory_space<hbm>>) dst(%arg5 : memref<2000x16xf32, #tpu.memory_space<vmem>>)
      %add3A_260 = arith.constant 48 : i32
      %add3A_261 = arith.addi %add3A, %add3A_260 : i32
      %mul3A_262 = arith.constant 2000 : i32
      %mul3A_263 = arith.muli %add3A_261, %mul3A_262 : i32
      %dma_start3A = arith.constant 1 : i32
      %dma_start3A_264 = arith.constant 0 : i32
      %dma_start3A_265 = tpu.memref_slice %arg3[%mul3A_263, %dma_start3A_264] : memref<1000000x16xf32, #tpu.memory_space<hbm>> -> memref<2000x16xf32, #tpu.memory_space<hbm>>
      %dma_start3A_266 = tpu.memref_slice %arg7[%dma_start3A] : memref<2x!tpu.dma_semaphore, #tpu.memory_space<semaphore_mem>> -> memref<1x!tpu.dma_semaphore, #tpu.memory_space<semaphore_mem>>
      %dma_start3A_267 = tpu.memref_squeeze %dma_start3A_266 : memref<1x!tpu.dma_semaphore, #tpu.memory_space<semaphore_mem>> -> memref<!tpu.dma_semaphore, #tpu.memory_space<semaphore_mem>>
      %dma_start3A_268 = arith.constant 0 : i32
      %dma_start3A_269 = tpu.memref_slice %arg3[%mul3A_263, %dma_start3A_268] : memref<1000000x16xf32, #tpu.memory_space<hbm>> -> memref<2000x16xf32, #tpu.memory_space<hbm>>
      tpu.enqueue_dma source(%arg5 : memref<2000x16xf32, #tpu.memory_space<vmem>>) target(%dma_start3A_269 : memref<2000x16xf32, #tpu.memory_space<hbm>>) target_semaphore(%dma_start3A_267 : memref<!tpu.dma_semaphore, #tpu.memory_space<semaphore_mem>>)
    } else {
    }
    %add3A_33 = arith.constant 64 : i32
    %add3A_34 = arith.addi %add3A, %add3A_33 : i32
    %lt3A_35 = arith.constant 500 : i32
    %lt3A_36 = arith.cmpi slt, %add3A_34, %lt3A_35 : i32
    %convert_element_type3A_37 = arith.extui %lt3A_36 : i1 to i32
    %cond3A_38 = arith.constant 0 : i32
    %cond3A_39 = arith.cmpi ne, %convert_element_type3A_37, %cond3A_38 : i32
    scf.if %cond3A_39 {
      %add3A_243 = arith.constant 80 : i32
      %add3A_244 = arith.addi %add3A, %add3A_243 : i32
      %lt3A_245 = arith.constant 500 : i32
      %lt3A_246 = arith.cmpi slt, %add3A_244, %lt3A_245 : i32
      %convert_element_type3A_247 = arith.extui %lt3A_246 : i1 to i32
      %cond3A_248 = arith.constant 0 : i32
      %cond3A_249 = arith.cmpi ne, %convert_element_type3A_247, %cond3A_248 : i32
      scf.if %cond3A_249 {
        %add3A_270 = arith.constant 48 : i32
        %add3A_271 = arith.addi %add3A, %add3A_270 : i32
        %mul3A_272 = arith.constant 2000 : i32
        %mul3A_273 = arith.muli %add3A_271, %mul3A_272 : i32
        %dma_wait3A_274 = arith.constant 1 : i32
        %dma_wait3A_275 = arith.constant 0 : i32
        %dma_wait3A_276 = tpu.memref_slice %arg3[%mul3A_273, %dma_wait3A_275] : memref<1000000x16xf32, #tpu.memory_space<hbm>> -> memref<2000x16xf32, #tpu.memory_space<hbm>>
        %dma_wait3A_277 = tpu.memref_slice %arg7[%dma_wait3A_274] : memref<2x!tpu.dma_semaphore, #tpu.memory_space<semaphore_mem>> -> memref<1x!tpu.dma_semaphore, #tpu.memory_space<semaphore_mem>>
        %dma_wait3A_278 = tpu.memref_squeeze %dma_wait3A_277 : memref<1x!tpu.dma_semaphore, #tpu.memory_space<semaphore_mem>> -> memref<!tpu.dma_semaphore, #tpu.memory_space<semaphore_mem>>
        %dma_wait3A_279 = arith.constant 0 : i32
        %dma_wait3A_280 = tpu.memref_slice %arg3[%mul3A_273, %dma_wait3A_279] : memref<1000000x16xf32, #tpu.memory_space<hbm>> -> memref<2000x16xf32, #tpu.memory_space<hbm>>
        tpu.wait_dma2 semaphore(%dma_wait3A_278 : memref<!tpu.dma_semaphore, #tpu.memory_space<semaphore_mem>>) src(%arg5 : memref<2000x16xf32, #tpu.memory_space<vmem>>) dst(%dma_wait3A_280 : memref<2000x16xf32, #tpu.memory_space<hbm>>)
        %add3A_281 = arith.constant 80 : i32
        %add3A_282 = arith.addi %add3A, %add3A_281 : i32
        %mul3A_283 = arith.constant 2000 : i32
        %mul3A_284 = arith.muli %add3A_282, %mul3A_283 : i32
        %dma_start3A_285 = arith.constant 1 : i32
        %dma_start3A_286 = arith.constant 0 : i32
        %dma_start3A_287 = tpu.memref_slice %arg2[%mul3A_284, %dma_start3A_286] : memref<1000000x16xf32, #tpu.memory_space<hbm>> -> memref<2000x16xf32, #tpu.memory_space<hbm>>
        %dma_start3A_288 = tpu.memref_slice %arg6[%dma_start3A_285] : memref<2x!tpu.dma_semaphore, #tpu.memory_space<semaphore_mem>> -> memref<1x!tpu.dma_semaphore, #tpu.memory_space<semaphore_mem>>
        %dma_start3A_289 = tpu.memref_squeeze %dma_start3A_288 : memref<1x!tpu.dma_semaphore, #tpu.memory_space<semaphore_mem>> -> memref<!tpu.dma_semaphore, #tpu.memory_space<semaphore_mem>>
        %dma_start3A_290 = arith.constant 0 : i32
        %dma_start3A_291 = tpu.memref_slice %arg2[%mul3A_284, %dma_start3A_290] : memref<1000000x16xf32, #tpu.memory_space<hbm>> -> memref<2000x16xf32, #tpu.memory_space<hbm>>
        tpu.enqueue_dma source(%dma_start3A_291 : memref<2000x16xf32, #tpu.memory_space<hbm>>) target(%arg5 : memref<2000x16xf32, #tpu.memory_space<vmem>>) target_semaphore(%dma_start3A_289 : memref<!tpu.dma_semaphore, #tpu.memory_space<semaphore_mem>>)
      } else {
      }
      %add3A_250 = arith.constant 64 : i32
      %add3A_251 = arith.addi %add3A, %add3A_250 : i32
      %mul3A_252 = arith.constant 2000 : i32
      %mul3A_253 = arith.muli %add3A_251, %mul3A_252 : i32
      %dma_wait3A = arith.constant 0 : i32
      %dma_wait3A_254 = arith.constant 0 : i32
      %dma_wait3A_255 = tpu.memref_slice %arg2[%mul3A_253, %dma_wait3A_254] : memref<1000000x16xf32, #tpu.memory_space<hbm>> -> memref<2000x16xf32, #tpu.memory_space<hbm>>
      %dma_wait3A_256 = tpu.memref_slice %arg6[%dma_wait3A] : memref<2x!tpu.dma_semaphore, #tpu.memory_space<semaphore_mem>> -> memref<1x!tpu.dma_semaphore, #tpu.memory_space<semaphore_mem>>
      %dma_wait3A_257 = tpu.memref_squeeze %dma_wait3A_256 : memref<1x!tpu.dma_semaphore, #tpu.memory_space<semaphore_mem>> -> memref<!tpu.dma_semaphore, #tpu.memory_space<semaphore_mem>>
      %dma_wait3A_258 = arith.constant 0 : i32
      %dma_wait3A_259 = tpu.memref_slice %arg2[%mul3A_253, %dma_wait3A_258] : memref<1000000x16xf32, #tpu.memory_space<hbm>> -> memref<2000x16xf32, #tpu.memory_space<hbm>>
      tpu.wait_dma2 semaphore(%dma_wait3A_257 : memref<!tpu.dma_semaphore, #tpu.memory_space<semaphore_mem>>) src(%dma_wait3A_259 : memref<2000x16xf32, #tpu.memory_space<hbm>>) dst(%arg4 : memref<2000x16xf32, #tpu.memory_space<vmem>>)
      %add3A_260 = arith.constant 64 : i32
      %add3A_261 = arith.addi %add3A, %add3A_260 : i32
      %mul3A_262 = arith.constant 2000 : i32
      %mul3A_263 = arith.muli %add3A_261, %mul3A_262 : i32
      %dma_start3A = arith.constant 0 : i32
      %dma_start3A_264 = arith.constant 0 : i32
      %dma_start3A_265 = tpu.memref_slice %arg3[%mul3A_263, %dma_start3A_264] : memref<1000000x16xf32, #tpu.memory_space<hbm>> -> memref<2000x16xf32, #tpu.memory_space<hbm>>
      %dma_start3A_266 = tpu.memref_slice %arg7[%dma_start3A] : memref<2x!tpu.dma_semaphore, #tpu.memory_space<semaphore_mem>> -> memref<1x!tpu.dma_semaphore, #tpu.memory_space<semaphore_mem>>
      %dma_start3A_267 = tpu.memref_squeeze %dma_start3A_266 : memref<1x!tpu.dma_semaphore, #tpu.memory_space<semaphore_mem>> -> memref<!tpu.dma_semaphore, #tpu.memory_space<semaphore_mem>>
      %dma_start3A_268 = arith.constant 0 : i32
      %dma_start3A_269 = tpu.memref_slice %arg3[%mul3A_263, %dma_start3A_268] : memref<1000000x16xf32, #tpu.memory_space<hbm>> -> memref<2000x16xf32, #tpu.memory_space<hbm>>
      tpu.enqueue_dma source(%arg4 : memref<2000x16xf32, #tpu.memory_space<vmem>>) target(%dma_start3A_269 : memref<2000x16xf32, #tpu.memory_space<hbm>>) target_semaphore(%dma_start3A_267 : memref<!tpu.dma_semaphore, #tpu.memory_space<semaphore_mem>>)
    } else {
    }
    %add3A_40 = arith.constant 80 : i32
    %add3A_41 = arith.addi %add3A, %add3A_40 : i32
    %lt3A_42 = arith.constant 500 : i32
    %lt3A_43 = arith.cmpi slt, %add3A_41, %lt3A_42 : i32
    %convert_element_type3A_44 = arith.extui %lt3A_43 : i1 to i32
    %cond3A_45 = arith.constant 0 : i32
    %cond3A_46 = arith.cmpi ne, %convert_element_type3A_44, %cond3A_45 : i32
    scf.if %cond3A_46 {
      %add3A_243 = arith.constant 96 : i32
      %add3A_244 = arith.addi %add3A, %add3A_243 : i32
      %lt3A_245 = arith.constant 500 : i32
      %lt3A_246 = arith.cmpi slt, %add3A_244, %lt3A_245 : i32
      %convert_element_type3A_247 = arith.extui %lt3A_246 : i1 to i32
      %cond3A_248 = arith.constant 0 : i32
      %cond3A_249 = arith.cmpi ne, %convert_element_type3A_247, %cond3A_248 : i32
      scf.if %cond3A_249 {
        %add3A_270 = arith.constant 64 : i32
        %add3A_271 = arith.addi %add3A, %add3A_270 : i32
        %mul3A_272 = arith.constant 2000 : i32
        %mul3A_273 = arith.muli %add3A_271, %mul3A_272 : i32
        %dma_wait3A_274 = arith.constant 0 : i32
        %dma_wait3A_275 = arith.constant 0 : i32
        %dma_wait3A_276 = tpu.memref_slice %arg3[%mul3A_273, %dma_wait3A_275] : memref<1000000x16xf32, #tpu.memory_space<hbm>> -> memref<2000x16xf32, #tpu.memory_space<hbm>>
        %dma_wait3A_277 = tpu.memref_slice %arg7[%dma_wait3A_274] : memref<2x!tpu.dma_semaphore, #tpu.memory_space<semaphore_mem>> -> memref<1x!tpu.dma_semaphore, #tpu.memory_space<semaphore_mem>>
        %dma_wait3A_278 = tpu.memref_squeeze %dma_wait3A_277 : memref<1x!tpu.dma_semaphore, #tpu.memory_space<semaphore_mem>> -> memref<!tpu.dma_semaphore, #tpu.memory_space<semaphore_mem>>
        %dma_wait3A_279 = arith.constant 0 : i32
        %dma_wait3A_280 = tpu.memref_slice %arg3[%mul3A_273, %dma_wait3A_279] : memref<1000000x16xf32, #tpu.memory_space<hbm>> -> memref<2000x16xf32, #tpu.memory_space<hbm>>
        tpu.wait_dma2 semaphore(%dma_wait3A_278 : memref<!tpu.dma_semaphore, #tpu.memory_space<semaphore_mem>>) src(%arg4 : memref<2000x16xf32, #tpu.memory_space<vmem>>) dst(%dma_wait3A_280 : memref<2000x16xf32, #tpu.memory_space<hbm>>)
        %add3A_281 = arith.constant 96 : i32
        %add3A_282 = arith.addi %add3A, %add3A_281 : i32
        %mul3A_283 = arith.constant 2000 : i32
        %mul3A_284 = arith.muli %add3A_282, %mul3A_283 : i32
        %dma_start3A_285 = arith.constant 0 : i32
        %dma_start3A_286 = arith.constant 0 : i32
        %dma_start3A_287 = tpu.memref_slice %arg2[%mul3A_284, %dma_start3A_286] : memref<1000000x16xf32, #tpu.memory_space<hbm>> -> memref<2000x16xf32, #tpu.memory_space<hbm>>
        %dma_start3A_288 = tpu.memref_slice %arg6[%dma_start3A_285] : memref<2x!tpu.dma_semaphore, #tpu.memory_space<semaphore_mem>> -> memref<1x!tpu.dma_semaphore, #tpu.memory_space<semaphore_mem>>
        %dma_start3A_289 = tpu.memref_squeeze %dma_start3A_288 : memref<1x!tpu.dma_semaphore, #tpu.memory_space<semaphore_mem>> -> memref<!tpu.dma_semaphore, #tpu.memory_space<semaphore_mem>>
        %dma_start3A_290 = arith.constant 0 : i32
        %dma_start3A_291 = tpu.memref_slice %arg2[%mul3A_284, %dma_start3A_290] : memref<1000000x16xf32, #tpu.memory_space<hbm>> -> memref<2000x16xf32, #tpu.memory_space<hbm>>
        tpu.enqueue_dma source(%dma_start3A_291 : memref<2000x16xf32, #tpu.memory_space<hbm>>) target(%arg4 : memref<2000x16xf32, #tpu.memory_space<vmem>>) target_semaphore(%dma_start3A_289 : memref<!tpu.dma_semaphore, #tpu.memory_space<semaphore_mem>>)
      } else {
      }
      %add3A_250 = arith.constant 80 : i32
      %add3A_251 = arith.addi %add3A, %add3A_250 : i32
      %mul3A_252 = arith.constant 2000 : i32
      %mul3A_253 = arith.muli %add3A_251, %mul3A_252 : i32
      %dma_wait3A = arith.constant 1 : i32
      %dma_wait3A_254 = arith.constant 0 : i32
      %dma_wait3A_255 = tpu.memref_slice %arg2[%mul3A_253, %dma_wait3A_254] : memref<1000000x16xf32, #tpu.memory_space<hbm>> -> memref<2000x16xf32, #tpu.memory_space<hbm>>
      %dma_wait3A_256 = tpu.memref_slice %arg6[%dma_wait3A] : memref<2x!tpu.dma_semaphore, #tpu.memory_space<semaphore_mem>> -> memref<1x!tpu.dma_semaphore, #tpu.memory_space<semaphore_mem>>
      %dma_wait3A_257 = tpu.memref_squeeze %dma_wait3A_256 : memref<1x!tpu.dma_semaphore, #tpu.memory_space<semaphore_mem>> -> memref<!tpu.dma_semaphore, #tpu.memory_space<semaphore_mem>>
      %dma_wait3A_258 = arith.constant 0 : i32
      %dma_wait3A_259 = tpu.memref_slice %arg2[%mul3A_253, %dma_wait3A_258] : memref<1000000x16xf32, #tpu.memory_space<hbm>> -> memref<2000x16xf32, #tpu.memory_space<hbm>>
      tpu.wait_dma2 semaphore(%dma_wait3A_257 : memref<!tpu.dma_semaphore, #tpu.memory_space<semaphore_mem>>) src(%dma_wait3A_259 : memref<2000x16xf32, #tpu.memory_space<hbm>>) dst(%arg5 : memref<2000x16xf32, #tpu.memory_space<vmem>>)
      %add3A_260 = arith.constant 80 : i32
      %add3A_261 = arith.addi %add3A, %add3A_260 : i32
      %mul3A_262 = arith.constant 2000 : i32
      %mul3A_263 = arith.muli %add3A_261, %mul3A_262 : i32
      %dma_start3A = arith.constant 1 : i32
      %dma_start3A_264 = arith.constant 0 : i32
      %dma_start3A_265 = tpu.memref_slice %arg3[%mul3A_263, %dma_start3A_264] : memref<1000000x16xf32, #tpu.memory_space<hbm>> -> memref<2000x16xf32, #tpu.memory_space<hbm>>
      %dma_start3A_266 = tpu.memref_slice %arg7[%dma_start3A] : memref<2x!tpu.dma_semaphore, #tpu.memory_space<semaphore_mem>> -> memref<1x!tpu.dma_semaphore, #tpu.memory_space<semaphore_mem>>
      %dma_start3A_267 = tpu.memref_squeeze %dma_start3A_266 : memref<1x!tpu.dma_semaphore, #tpu.memory_space<semaphore_mem>> -> memref<!tpu.dma_semaphore, #tpu.memory_space<semaphore_mem>>
      %dma_start3A_268 = arith.constant 0 : i32
      %dma_start3A_269 = tpu.memref_slice %arg3[%mul3A_263, %dma_start3A_268] : memref<1000000x16xf32, #tpu.memory_space<hbm>> -> memref<2000x16xf32, #tpu.memory_space<hbm>>
      tpu.enqueue_dma source(%arg5 : memref<2000x16xf32, #tpu.memory_space<vmem>>) target(%dma_start3A_269 : memref<2000x16xf32, #tpu.memory_space<hbm>>) target_semaphore(%dma_start3A_267 : memref<!tpu.dma_semaphore, #tpu.memory_space<semaphore_mem>>)
    } else {
    }
    %add3A_47 = arith.constant 96 : i32
    %add3A_48 = arith.addi %add3A, %add3A_47 : i32
    %lt3A_49 = arith.constant 500 : i32
    %lt3A_50 = arith.cmpi slt, %add3A_48, %lt3A_49 : i32
    %convert_element_type3A_51 = arith.extui %lt3A_50 : i1 to i32
    %cond3A_52 = arith.constant 0 : i32
    %cond3A_53 = arith.cmpi ne, %convert_element_type3A_51, %cond3A_52 : i32
    scf.if %cond3A_53 {
      %add3A_243 = arith.constant 112 : i32
      %add3A_244 = arith.addi %add3A, %add3A_243 : i32
      %lt3A_245 = arith.constant 500 : i32
      %lt3A_246 = arith.cmpi slt, %add3A_244, %lt3A_245 : i32
      %convert_element_type3A_247 = arith.extui %lt3A_246 : i1 to i32
      %cond3A_248 = arith.constant 0 : i32
      %cond3A_249 = arith.cmpi ne, %convert_element_type3A_247, %cond3A_248 : i32
      scf.if %cond3A_249 {
        %add3A_270 = arith.constant 80 : i32
        %add3A_271 = arith.addi %add3A, %add3A_270 : i32
        %mul3A_272 = arith.constant 2000 : i32
        %mul3A_273 = arith.muli %add3A_271, %mul3A_272 : i32
        %dma_wait3A_274 = arith.constant 1 : i32
        %dma_wait3A_275 = arith.constant 0 : i32
        %dma_wait3A_276 = tpu.memref_slice %arg3[%mul3A_273, %dma_wait3A_275] : memref<1000000x16xf32, #tpu.memory_space<hbm>> -> memref<2000x16xf32, #tpu.memory_space<hbm>>
        %dma_wait3A_277 = tpu.memref_slice %arg7[%dma_wait3A_274] : memref<2x!tpu.dma_semaphore, #tpu.memory_space<semaphore_mem>> -> memref<1x!tpu.dma_semaphore, #tpu.memory_space<semaphore_mem>>
        %dma_wait3A_278 = tpu.memref_squeeze %dma_wait3A_277 : memref<1x!tpu.dma_semaphore, #tpu.memory_space<semaphore_mem>> -> memref<!tpu.dma_semaphore, #tpu.memory_space<semaphore_mem>>
        %dma_wait3A_279 = arith.constant 0 : i32
        %dma_wait3A_280 = tpu.memref_slice %arg3[%mul3A_273, %dma_wait3A_279] : memref<1000000x16xf32, #tpu.memory_space<hbm>> -> memref<2000x16xf32, #tpu.memory_space<hbm>>
        tpu.wait_dma2 semaphore(%dma_wait3A_278 : memref<!tpu.dma_semaphore, #tpu.memory_space<semaphore_mem>>) src(%arg5 : memref<2000x16xf32, #tpu.memory_space<vmem>>) dst(%dma_wait3A_280 : memref<2000x16xf32, #tpu.memory_space<hbm>>)
        %add3A_281 = arith.constant 112 : i32
        %add3A_282 = arith.addi %add3A, %add3A_281 : i32
        %mul3A_283 = arith.constant 2000 : i32
        %mul3A_284 = arith.muli %add3A_282, %mul3A_283 : i32
        %dma_start3A_285 = arith.constant 1 : i32
        %dma_start3A_286 = arith.constant 0 : i32
        %dma_start3A_287 = tpu.memref_slice %arg2[%mul3A_284, %dma_start3A_286] : memref<1000000x16xf32, #tpu.memory_space<hbm>> -> memref<2000x16xf32, #tpu.memory_space<hbm>>
        %dma_start3A_288 = tpu.memref_slice %arg6[%dma_start3A_285] : memref<2x!tpu.dma_semaphore, #tpu.memory_space<semaphore_mem>> -> memref<1x!tpu.dma_semaphore, #tpu.memory_space<semaphore_mem>>
        %dma_start3A_289 = tpu.memref_squeeze %dma_start3A_288 : memref<1x!tpu.dma_semaphore, #tpu.memory_space<semaphore_mem>> -> memref<!tpu.dma_semaphore, #tpu.memory_space<semaphore_mem>>
        %dma_start3A_290 = arith.constant 0 : i32
        %dma_start3A_291 = tpu.memref_slice %arg2[%mul3A_284, %dma_start3A_290] : memref<1000000x16xf32, #tpu.memory_space<hbm>> -> memref<2000x16xf32, #tpu.memory_space<hbm>>
        tpu.enqueue_dma source(%dma_start3A_291 : memref<2000x16xf32, #tpu.memory_space<hbm>>) target(%arg5 : memref<2000x16xf32, #tpu.memory_space<vmem>>) target_semaphore(%dma_start3A_289 : memref<!tpu.dma_semaphore, #tpu.memory_space<semaphore_mem>>)
      } else {
      }
      %add3A_250 = arith.constant 96 : i32
      %add3A_251 = arith.addi %add3A, %add3A_250 : i32
      %mul3A_252 = arith.constant 2000 : i32
      %mul3A_253 = arith.muli %add3A_251, %mul3A_252 : i32
      %dma_wait3A = arith.constant 0 : i32
      %dma_wait3A_254 = arith.constant 0 : i32
      %dma_wait3A_255 = tpu.memref_slice %arg2[%mul3A_253, %dma_wait3A_254] : memref<1000000x16xf32, #tpu.memory_space<hbm>> -> memref<2000x16xf32, #tpu.memory_space<hbm>>
      %dma_wait3A_256 = tpu.memref_slice %arg6[%dma_wait3A] : memref<2x!tpu.dma_semaphore, #tpu.memory_space<semaphore_mem>> -> memref<1x!tpu.dma_semaphore, #tpu.memory_space<semaphore_mem>>
      %dma_wait3A_257 = tpu.memref_squeeze %dma_wait3A_256 : memref<1x!tpu.dma_semaphore, #tpu.memory_space<semaphore_mem>> -> memref<!tpu.dma_semaphore, #tpu.memory_space<semaphore_mem>>
      %dma_wait3A_258 = arith.constant 0 : i32
      %dma_wait3A_259 = tpu.memref_slice %arg2[%mul3A_253, %dma_wait3A_258] : memref<1000000x16xf32, #tpu.memory_space<hbm>> -> memref<2000x16xf32, #tpu.memory_space<hbm>>
      tpu.wait_dma2 semaphore(%dma_wait3A_257 : memref<!tpu.dma_semaphore, #tpu.memory_space<semaphore_mem>>) src(%dma_wait3A_259 : memref<2000x16xf32, #tpu.memory_space<hbm>>) dst(%arg4 : memref<2000x16xf32, #tpu.memory_space<vmem>>)
      %add3A_260 = arith.constant 96 : i32
      %add3A_261 = arith.addi %add3A, %add3A_260 : i32
      %mul3A_262 = arith.constant 2000 : i32
      %mul3A_263 = arith.muli %add3A_261, %mul3A_262 : i32
      %dma_start3A = arith.constant 0 : i32
      %dma_start3A_264 = arith.constant 0 : i32
      %dma_start3A_265 = tpu.memref_slice %arg3[%mul3A_263, %dma_start3A_264] : memref<1000000x16xf32, #tpu.memory_space<hbm>> -> memref<2000x16xf32, #tpu.memory_space<hbm>>
      %dma_start3A_266 = tpu.memref_slice %arg7[%dma_start3A] : memref<2x!tpu.dma_semaphore, #tpu.memory_space<semaphore_mem>> -> memref<1x!tpu.dma_semaphore, #tpu.memory_space<semaphore_mem>>
      %dma_start3A_267 = tpu.memref_squeeze %dma_start3A_266 : memref<1x!tpu.dma_semaphore, #tpu.memory_space<semaphore_mem>> -> memref<!tpu.dma_semaphore, #tpu.memory_space<semaphore_mem>>
      %dma_start3A_268 = arith.constant 0 : i32
      %dma_start3A_269 = tpu.memref_slice %arg3[%mul3A_263, %dma_start3A_268] : memref<1000000x16xf32, #tpu.memory_space<hbm>> -> memref<2000x16xf32, #tpu.memory_space<hbm>>
      tpu.enqueue_dma source(%arg4 : memref<2000x16xf32, #tpu.memory_space<vmem>>) target(%dma_start3A_269 : memref<2000x16xf32, #tpu.memory_space<hbm>>) target_semaphore(%dma_start3A_267 : memref<!tpu.dma_semaphore, #tpu.memory_space<semaphore_mem>>)
    } else {
    }
    %add3A_54 = arith.constant 112 : i32
    %add3A_55 = arith.addi %add3A, %add3A_54 : i32
    %lt3A_56 = arith.constant 500 : i32
    %lt3A_57 = arith.cmpi slt, %add3A_55, %lt3A_56 : i32
    %convert_element_type3A_58 = arith.extui %lt3A_57 : i1 to i32
    %cond3A_59 = arith.constant 0 : i32
    %cond3A_60 = arith.cmpi ne, %convert_element_type3A_58, %cond3A_59 : i32
    scf.if %cond3A_60 {
      %add3A_243 = arith.constant 128 : i32
      %add3A_244 = arith.addi %add3A, %add3A_243 : i32
      %lt3A_245 = arith.constant 500 : i32
      %lt3A_246 = arith.cmpi slt, %add3A_244, %lt3A_245 : i32
      %convert_element_type3A_247 = arith.extui %lt3A_246 : i1 to i32
      %cond3A_248 = arith.constant 0 : i32
      %cond3A_249 = arith.cmpi ne, %convert_element_type3A_247, %cond3A_248 : i32
      scf.if %cond3A_249 {
        %add3A_270 = arith.constant 96 : i32
        %add3A_271 = arith.addi %add3A, %add3A_270 : i32
        %mul3A_272 = arith.constant 2000 : i32
        %mul3A_273 = arith.muli %add3A_271, %mul3A_272 : i32
        %dma_wait3A_274 = arith.constant 0 : i32
        %dma_wait3A_275 = arith.constant 0 : i32
        %dma_wait3A_276 = tpu.memref_slice %arg3[%mul3A_273, %dma_wait3A_275] : memref<1000000x16xf32, #tpu.memory_space<hbm>> -> memref<2000x16xf32, #tpu.memory_space<hbm>>
        %dma_wait3A_277 = tpu.memref_slice %arg7[%dma_wait3A_274] : memref<2x!tpu.dma_semaphore, #tpu.memory_space<semaphore_mem>> -> memref<1x!tpu.dma_semaphore, #tpu.memory_space<semaphore_mem>>
        %dma_wait3A_278 = tpu.memref_squeeze %dma_wait3A_277 : memref<1x!tpu.dma_semaphore, #tpu.memory_space<semaphore_mem>> -> memref<!tpu.dma_semaphore, #tpu.memory_space<semaphore_mem>>
        %dma_wait3A_279 = arith.constant 0 : i32
        %dma_wait3A_280 = tpu.memref_slice %arg3[%mul3A_273, %dma_wait3A_279] : memref<1000000x16xf32, #tpu.memory_space<hbm>> -> memref<2000x16xf32, #tpu.memory_space<hbm>>
        tpu.wait_dma2 semaphore(%dma_wait3A_278 : memref<!tpu.dma_semaphore, #tpu.memory_space<semaphore_mem>>) src(%arg4 : memref<2000x16xf32, #tpu.memory_space<vmem>>) dst(%dma_wait3A_280 : memref<2000x16xf32, #tpu.memory_space<hbm>>)
        %add3A_281 = arith.constant 128 : i32
        %add3A_282 = arith.addi %add3A, %add3A_281 : i32
        %mul3A_283 = arith.constant 2000 : i32
        %mul3A_284 = arith.muli %add3A_282, %mul3A_283 : i32
        %dma_start3A_285 = arith.constant 0 : i32
        %dma_start3A_286 = arith.constant 0 : i32
        %dma_start3A_287 = tpu.memref_slice %arg2[%mul3A_284, %dma_start3A_286] : memref<1000000x16xf32, #tpu.memory_space<hbm>> -> memref<2000x16xf32, #tpu.memory_space<hbm>>
        %dma_start3A_288 = tpu.memref_slice %arg6[%dma_start3A_285] : memref<2x!tpu.dma_semaphore, #tpu.memory_space<semaphore_mem>> -> memref<1x!tpu.dma_semaphore, #tpu.memory_space<semaphore_mem>>
        %dma_start3A_289 = tpu.memref_squeeze %dma_start3A_288 : memref<1x!tpu.dma_semaphore, #tpu.memory_space<semaphore_mem>> -> memref<!tpu.dma_semaphore, #tpu.memory_space<semaphore_mem>>
        %dma_start3A_290 = arith.constant 0 : i32
        %dma_start3A_291 = tpu.memref_slice %arg2[%mul3A_284, %dma_start3A_290] : memref<1000000x16xf32, #tpu.memory_space<hbm>> -> memref<2000x16xf32, #tpu.memory_space<hbm>>
        tpu.enqueue_dma source(%dma_start3A_291 : memref<2000x16xf32, #tpu.memory_space<hbm>>) target(%arg4 : memref<2000x16xf32, #tpu.memory_space<vmem>>) target_semaphore(%dma_start3A_289 : memref<!tpu.dma_semaphore, #tpu.memory_space<semaphore_mem>>)
      } else {
      }
      %add3A_250 = arith.constant 112 : i32
      %add3A_251 = arith.addi %add3A, %add3A_250 : i32
      %mul3A_252 = arith.constant 2000 : i32
      %mul3A_253 = arith.muli %add3A_251, %mul3A_252 : i32
      %dma_wait3A = arith.constant 1 : i32
      %dma_wait3A_254 = arith.constant 0 : i32
      %dma_wait3A_255 = tpu.memref_slice %arg2[%mul3A_253, %dma_wait3A_254] : memref<1000000x16xf32, #tpu.memory_space<hbm>> -> memref<2000x16xf32, #tpu.memory_space<hbm>>
      %dma_wait3A_256 = tpu.memref_slice %arg6[%dma_wait3A] : memref<2x!tpu.dma_semaphore, #tpu.memory_space<semaphore_mem>> -> memref<1x!tpu.dma_semaphore, #tpu.memory_space<semaphore_mem>>
      %dma_wait3A_257 = tpu.memref_squeeze %dma_wait3A_256 : memref<1x!tpu.dma_semaphore, #tpu.memory_space<semaphore_mem>> -> memref<!tpu.dma_semaphore, #tpu.memory_space<semaphore_mem>>
      %dma_wait3A_258 = arith.constant 0 : i32
      %dma_wait3A_259 = tpu.memref_slice %arg2[%mul3A_253, %dma_wait3A_258] : memref<1000000x16xf32, #tpu.memory_space<hbm>> -> memref<2000x16xf32, #tpu.memory_space<hbm>>
      tpu.wait_dma2 semaphore(%dma_wait3A_257 : memref<!tpu.dma_semaphore, #tpu.memory_space<semaphore_mem>>) src(%dma_wait3A_259 : memref<2000x16xf32, #tpu.memory_space<hbm>>) dst(%arg5 : memref<2000x16xf32, #tpu.memory_space<vmem>>)
      %add3A_260 = arith.constant 112 : i32
      %add3A_261 = arith.addi %add3A, %add3A_260 : i32
      %mul3A_262 = arith.constant 2000 : i32
      %mul3A_263 = arith.muli %add3A_261, %mul3A_262 : i32
      %dma_start3A = arith.constant 1 : i32
      %dma_start3A_264 = arith.constant 0 : i32
      %dma_start3A_265 = tpu.memref_slice %arg3[%mul3A_263, %dma_start3A_264] : memref<1000000x16xf32, #tpu.memory_space<hbm>> -> memref<2000x16xf32, #tpu.memory_space<hbm>>
      %dma_start3A_266 = tpu.memref_slice %arg7[%dma_start3A] : memref<2x!tpu.dma_semaphore, #tpu.memory_space<semaphore_mem>> -> memref<1x!tpu.dma_semaphore, #tpu.memory_space<semaphore_mem>>
      %dma_start3A_267 = tpu.memref_squeeze %dma_start3A_266 : memref<1x!tpu.dma_semaphore, #tpu.memory_space<semaphore_mem>> -> memref<!tpu.dma_semaphore, #tpu.memory_space<semaphore_mem>>
      %dma_start3A_268 = arith.constant 0 : i32
      %dma_start3A_269 = tpu.memref_slice %arg3[%mul3A_263, %dma_start3A_268] : memref<1000000x16xf32, #tpu.memory_space<hbm>> -> memref<2000x16xf32, #tpu.memory_space<hbm>>
      tpu.enqueue_dma source(%arg5 : memref<2000x16xf32, #tpu.memory_space<vmem>>) target(%dma_start3A_269 : memref<2000x16xf32, #tpu.memory_space<hbm>>) target_semaphore(%dma_start3A_267 : memref<!tpu.dma_semaphore, #tpu.memory_space<semaphore_mem>>)
    } else {
    }
    %add3A_61 = arith.constant 128 : i32
    %add3A_62 = arith.addi %add3A, %add3A_61 : i32
    %lt3A_63 = arith.constant 500 : i32
    %lt3A_64 = arith.cmpi slt, %add3A_62, %lt3A_63 : i32
    %convert_element_type3A_65 = arith.extui %lt3A_64 : i1 to i32
    %cond3A_66 = arith.constant 0 : i32
    %cond3A_67 = arith.cmpi ne, %convert_element_type3A_65, %cond3A_66 : i32
    scf.if %cond3A_67 {
      %add3A_243 = arith.constant 144 : i32
      %add3A_244 = arith.addi %add3A, %add3A_243 : i32
      %lt3A_245 = arith.constant 500 : i32
      %lt3A_246 = arith.cmpi slt, %add3A_244, %lt3A_245 : i32
      %convert_element_type3A_247 = arith.extui %lt3A_246 : i1 to i32
      %cond3A_248 = arith.constant 0 : i32
      %cond3A_249 = arith.cmpi ne, %convert_element_type3A_247, %cond3A_248 : i32
      scf.if %cond3A_249 {
        %add3A_270 = arith.constant 112 : i32
        %add3A_271 = arith.addi %add3A, %add3A_270 : i32
        %mul3A_272 = arith.constant 2000 : i32
        %mul3A_273 = arith.muli %add3A_271, %mul3A_272 : i32
        %dma_wait3A_274 = arith.constant 1 : i32
        %dma_wait3A_275 = arith.constant 0 : i32
        %dma_wait3A_276 = tpu.memref_slice %arg3[%mul3A_273, %dma_wait3A_275] : memref<1000000x16xf32, #tpu.memory_space<hbm>> -> memref<2000x16xf32, #tpu.memory_space<hbm>>
        %dma_wait3A_277 = tpu.memref_slice %arg7[%dma_wait3A_274] : memref<2x!tpu.dma_semaphore, #tpu.memory_space<semaphore_mem>> -> memref<1x!tpu.dma_semaphore, #tpu.memory_space<semaphore_mem>>
        %dma_wait3A_278 = tpu.memref_squeeze %dma_wait3A_277 : memref<1x!tpu.dma_semaphore, #tpu.memory_space<semaphore_mem>> -> memref<!tpu.dma_semaphore, #tpu.memory_space<semaphore_mem>>
        %dma_wait3A_279 = arith.constant 0 : i32
        %dma_wait3A_280 = tpu.memref_slice %arg3[%mul3A_273, %dma_wait3A_279] : memref<1000000x16xf32, #tpu.memory_space<hbm>> -> memref<2000x16xf32, #tpu.memory_space<hbm>>
        tpu.wait_dma2 semaphore(%dma_wait3A_278 : memref<!tpu.dma_semaphore, #tpu.memory_space<semaphore_mem>>) src(%arg5 : memref<2000x16xf32, #tpu.memory_space<vmem>>) dst(%dma_wait3A_280 : memref<2000x16xf32, #tpu.memory_space<hbm>>)
        %add3A_281 = arith.constant 144 : i32
        %add3A_282 = arith.addi %add3A, %add3A_281 : i32
        %mul3A_283 = arith.constant 2000 : i32
        %mul3A_284 = arith.muli %add3A_282, %mul3A_283 : i32
        %dma_start3A_285 = arith.constant 1 : i32
        %dma_start3A_286 = arith.constant 0 : i32
        %dma_start3A_287 = tpu.memref_slice %arg2[%mul3A_284, %dma_start3A_286] : memref<1000000x16xf32, #tpu.memory_space<hbm>> -> memref<2000x16xf32, #tpu.memory_space<hbm>>
        %dma_start3A_288 = tpu.memref_slice %arg6[%dma_start3A_285] : memref<2x!tpu.dma_semaphore, #tpu.memory_space<semaphore_mem>> -> memref<1x!tpu.dma_semaphore, #tpu.memory_space<semaphore_mem>>
        %dma_start3A_289 = tpu.memref_squeeze %dma_start3A_288 : memref<1x!tpu.dma_semaphore, #tpu.memory_space<semaphore_mem>> -> memref<!tpu.dma_semaphore, #tpu.memory_space<semaphore_mem>>
        %dma_start3A_290 = arith.constant 0 : i32
        %dma_start3A_291 = tpu.memref_slice %arg2[%mul3A_284, %dma_start3A_290] : memref<1000000x16xf32, #tpu.memory_space<hbm>> -> memref<2000x16xf32, #tpu.memory_space<hbm>>
        tpu.enqueue_dma source(%dma_start3A_291 : memref<2000x16xf32, #tpu.memory_space<hbm>>) target(%arg5 : memref<2000x16xf32, #tpu.memory_space<vmem>>) target_semaphore(%dma_start3A_289 : memref<!tpu.dma_semaphore, #tpu.memory_space<semaphore_mem>>)
      } else {
      }
      %add3A_250 = arith.constant 128 : i32
      %add3A_251 = arith.addi %add3A, %add3A_250 : i32
      %mul3A_252 = arith.constant 2000 : i32
      %mul3A_253 = arith.muli %add3A_251, %mul3A_252 : i32
      %dma_wait3A = arith.constant 0 : i32
      %dma_wait3A_254 = arith.constant 0 : i32
      %dma_wait3A_255 = tpu.memref_slice %arg2[%mul3A_253, %dma_wait3A_254] : memref<1000000x16xf32, #tpu.memory_space<hbm>> -> memref<2000x16xf32, #tpu.memory_space<hbm>>
      %dma_wait3A_256 = tpu.memref_slice %arg6[%dma_wait3A] : memref<2x!tpu.dma_semaphore, #tpu.memory_space<semaphore_mem>> -> memref<1x!tpu.dma_semaphore, #tpu.memory_space<semaphore_mem>>
      %dma_wait3A_257 = tpu.memref_squeeze %dma_wait3A_256 : memref<1x!tpu.dma_semaphore, #tpu.memory_space<semaphore_mem>> -> memref<!tpu.dma_semaphore, #tpu.memory_space<semaphore_mem>>
      %dma_wait3A_258 = arith.constant 0 : i32
      %dma_wait3A_259 = tpu.memref_slice %arg2[%mul3A_253, %dma_wait3A_258] : memref<1000000x16xf32, #tpu.memory_space<hbm>> -> memref<2000x16xf32, #tpu.memory_space<hbm>>
      tpu.wait_dma2 semaphore(%dma_wait3A_257 : memref<!tpu.dma_semaphore, #tpu.memory_space<semaphore_mem>>) src(%dma_wait3A_259 : memref<2000x16xf32, #tpu.memory_space<hbm>>) dst(%arg4 : memref<2000x16xf32, #tpu.memory_space<vmem>>)
      %add3A_260 = arith.constant 128 : i32
      %add3A_261 = arith.addi %add3A, %add3A_260 : i32
      %mul3A_262 = arith.constant 2000 : i32
      %mul3A_263 = arith.muli %add3A_261, %mul3A_262 : i32
      %dma_start3A = arith.constant 0 : i32
      %dma_start3A_264 = arith.constant 0 : i32
      %dma_start3A_265 = tpu.memref_slice %arg3[%mul3A_263, %dma_start3A_264] : memref<1000000x16xf32, #tpu.memory_space<hbm>> -> memref<2000x16xf32, #tpu.memory_space<hbm>>
      %dma_start3A_266 = tpu.memref_slice %arg7[%dma_start3A] : memref<2x!tpu.dma_semaphore, #tpu.memory_space<semaphore_mem>> -> memref<1x!tpu.dma_semaphore, #tpu.memory_space<semaphore_mem>>
      %dma_start3A_267 = tpu.memref_squeeze %dma_start3A_266 : memref<1x!tpu.dma_semaphore, #tpu.memory_space<semaphore_mem>> -> memref<!tpu.dma_semaphore, #tpu.memory_space<semaphore_mem>>
      %dma_start3A_268 = arith.constant 0 : i32
      %dma_start3A_269 = tpu.memref_slice %arg3[%mul3A_263, %dma_start3A_268] : memref<1000000x16xf32, #tpu.memory_space<hbm>> -> memref<2000x16xf32, #tpu.memory_space<hbm>>
      tpu.enqueue_dma source(%arg4 : memref<2000x16xf32, #tpu.memory_space<vmem>>) target(%dma_start3A_269 : memref<2000x16xf32, #tpu.memory_space<hbm>>) target_semaphore(%dma_start3A_267 : memref<!tpu.dma_semaphore, #tpu.memory_space<semaphore_mem>>)
    } else {
    }
    %add3A_68 = arith.constant 144 : i32
    %add3A_69 = arith.addi %add3A, %add3A_68 : i32
    %lt3A_70 = arith.constant 500 : i32
    %lt3A_71 = arith.cmpi slt, %add3A_69, %lt3A_70 : i32
    %convert_element_type3A_72 = arith.extui %lt3A_71 : i1 to i32
    %cond3A_73 = arith.constant 0 : i32
    %cond3A_74 = arith.cmpi ne, %convert_element_type3A_72, %cond3A_73 : i32
    scf.if %cond3A_74 {
      %add3A_243 = arith.constant 160 : i32
      %add3A_244 = arith.addi %add3A, %add3A_243 : i32
      %lt3A_245 = arith.constant 500 : i32
      %lt3A_246 = arith.cmpi slt, %add3A_244, %lt3A_245 : i32
      %convert_element_type3A_247 = arith.extui %lt3A_246 : i1 to i32
      %cond3A_248 = arith.constant 0 : i32
      %cond3A_249 = arith.cmpi ne, %convert_element_type3A_247, %cond3A_248 : i32
      scf.if %cond3A_249 {
        %add3A_270 = arith.constant 128 : i32
        %add3A_271 = arith.addi %add3A, %add3A_270 : i32
        %mul3A_272 = arith.constant 2000 : i32
        %mul3A_273 = arith.muli %add3A_271, %mul3A_272 : i32
        %dma_wait3A_274 = arith.constant 0 : i32
        %dma_wait3A_275 = arith.constant 0 : i32
        %dma_wait3A_276 = tpu.memref_slice %arg3[%mul3A_273, %dma_wait3A_275] : memref<1000000x16xf32, #tpu.memory_space<hbm>> -> memref<2000x16xf32, #tpu.memory_space<hbm>>
        %dma_wait3A_277 = tpu.memref_slice %arg7[%dma_wait3A_274] : memref<2x!tpu.dma_semaphore, #tpu.memory_space<semaphore_mem>> -> memref<1x!tpu.dma_semaphore, #tpu.memory_space<semaphore_mem>>
        %dma_wait3A_278 = tpu.memref_squeeze %dma_wait3A_277 : memref<1x!tpu.dma_semaphore, #tpu.memory_space<semaphore_mem>> -> memref<!tpu.dma_semaphore, #tpu.memory_space<semaphore_mem>>
        %dma_wait3A_279 = arith.constant 0 : i32
        %dma_wait3A_280 = tpu.memref_slice %arg3[%mul3A_273, %dma_wait3A_279] : memref<1000000x16xf32, #tpu.memory_space<hbm>> -> memref<2000x16xf32, #tpu.memory_space<hbm>>
        tpu.wait_dma2 semaphore(%dma_wait3A_278 : memref<!tpu.dma_semaphore, #tpu.memory_space<semaphore_mem>>) src(%arg4 : memref<2000x16xf32, #tpu.memory_space<vmem>>) dst(%dma_wait3A_280 : memref<2000x16xf32, #tpu.memory_space<hbm>>)
        %add3A_281 = arith.constant 160 : i32
        %add3A_282 = arith.addi %add3A, %add3A_281 : i32
        %mul3A_283 = arith.constant 2000 : i32
        %mul3A_284 = arith.muli %add3A_282, %mul3A_283 : i32
        %dma_start3A_285 = arith.constant 0 : i32
        %dma_start3A_286 = arith.constant 0 : i32
        %dma_start3A_287 = tpu.memref_slice %arg2[%mul3A_284, %dma_start3A_286] : memref<1000000x16xf32, #tpu.memory_space<hbm>> -> memref<2000x16xf32, #tpu.memory_space<hbm>>
        %dma_start3A_288 = tpu.memref_slice %arg6[%dma_start3A_285] : memref<2x!tpu.dma_semaphore, #tpu.memory_space<semaphore_mem>> -> memref<1x!tpu.dma_semaphore, #tpu.memory_space<semaphore_mem>>
        %dma_start3A_289 = tpu.memref_squeeze %dma_start3A_288 : memref<1x!tpu.dma_semaphore, #tpu.memory_space<semaphore_mem>> -> memref<!tpu.dma_semaphore, #tpu.memory_space<semaphore_mem>>
        %dma_start3A_290 = arith.constant 0 : i32
        %dma_start3A_291 = tpu.memref_slice %arg2[%mul3A_284, %dma_start3A_290] : memref<1000000x16xf32, #tpu.memory_space<hbm>> -> memref<2000x16xf32, #tpu.memory_space<hbm>>
        tpu.enqueue_dma source(%dma_start3A_291 : memref<2000x16xf32, #tpu.memory_space<hbm>>) target(%arg4 : memref<2000x16xf32, #tpu.memory_space<vmem>>) target_semaphore(%dma_start3A_289 : memref<!tpu.dma_semaphore, #tpu.memory_space<semaphore_mem>>)
      } else {
      }
      %add3A_250 = arith.constant 144 : i32
      %add3A_251 = arith.addi %add3A, %add3A_250 : i32
      %mul3A_252 = arith.constant 2000 : i32
      %mul3A_253 = arith.muli %add3A_251, %mul3A_252 : i32
      %dma_wait3A = arith.constant 1 : i32
      %dma_wait3A_254 = arith.constant 0 : i32
      %dma_wait3A_255 = tpu.memref_slice %arg2[%mul3A_253, %dma_wait3A_254] : memref<1000000x16xf32, #tpu.memory_space<hbm>> -> memref<2000x16xf32, #tpu.memory_space<hbm>>
      %dma_wait3A_256 = tpu.memref_slice %arg6[%dma_wait3A] : memref<2x!tpu.dma_semaphore, #tpu.memory_space<semaphore_mem>> -> memref<1x!tpu.dma_semaphore, #tpu.memory_space<semaphore_mem>>
      %dma_wait3A_257 = tpu.memref_squeeze %dma_wait3A_256 : memref<1x!tpu.dma_semaphore, #tpu.memory_space<semaphore_mem>> -> memref<!tpu.dma_semaphore, #tpu.memory_space<semaphore_mem>>
      %dma_wait3A_258 = arith.constant 0 : i32
      %dma_wait3A_259 = tpu.memref_slice %arg2[%mul3A_253, %dma_wait3A_258] : memref<1000000x16xf32, #tpu.memory_space<hbm>> -> memref<2000x16xf32, #tpu.memory_space<hbm>>
      tpu.wait_dma2 semaphore(%dma_wait3A_257 : memref<!tpu.dma_semaphore, #tpu.memory_space<semaphore_mem>>) src(%dma_wait3A_259 : memref<2000x16xf32, #tpu.memory_space<hbm>>) dst(%arg5 : memref<2000x16xf32, #tpu.memory_space<vmem>>)
      %add3A_260 = arith.constant 144 : i32
      %add3A_261 = arith.addi %add3A, %add3A_260 : i32
      %mul3A_262 = arith.constant 2000 : i32
      %mul3A_263 = arith.muli %add3A_261, %mul3A_262 : i32
      %dma_start3A = arith.constant 1 : i32
      %dma_start3A_264 = arith.constant 0 : i32
      %dma_start3A_265 = tpu.memref_slice %arg3[%mul3A_263, %dma_start3A_264] : memref<1000000x16xf32, #tpu.memory_space<hbm>> -> memref<2000x16xf32, #tpu.memory_space<hbm>>
      %dma_start3A_266 = tpu.memref_slice %arg7[%dma_start3A] : memref<2x!tpu.dma_semaphore, #tpu.memory_space<semaphore_mem>> -> memref<1x!tpu.dma_semaphore, #tpu.memory_space<semaphore_mem>>
      %dma_start3A_267 = tpu.memref_squeeze %dma_start3A_266 : memref<1x!tpu.dma_semaphore, #tpu.memory_space<semaphore_mem>> -> memref<!tpu.dma_semaphore, #tpu.memory_space<semaphore_mem>>
      %dma_start3A_268 = arith.constant 0 : i32
      %dma_start3A_269 = tpu.memref_slice %arg3[%mul3A_263, %dma_start3A_268] : memref<1000000x16xf32, #tpu.memory_space<hbm>> -> memref<2000x16xf32, #tpu.memory_space<hbm>>
      tpu.enqueue_dma source(%arg5 : memref<2000x16xf32, #tpu.memory_space<vmem>>) target(%dma_start3A_269 : memref<2000x16xf32, #tpu.memory_space<hbm>>) target_semaphore(%dma_start3A_267 : memref<!tpu.dma_semaphore, #tpu.memory_space<semaphore_mem>>)
    } else {
    }
    %add3A_75 = arith.constant 160 : i32
    %add3A_76 = arith.addi %add3A, %add3A_75 : i32
    %lt3A_77 = arith.constant 500 : i32
    %lt3A_78 = arith.cmpi slt, %add3A_76, %lt3A_77 : i32
    %convert_element_type3A_79 = arith.extui %lt3A_78 : i1 to i32
    %cond3A_80 = arith.constant 0 : i32
    %cond3A_81 = arith.cmpi ne, %convert_element_type3A_79, %cond3A_80 : i32
    scf.if %cond3A_81 {
      %add3A_243 = arith.constant 176 : i32
      %add3A_244 = arith.addi %add3A, %add3A_243 : i32
      %lt3A_245 = arith.constant 500 : i32
      %lt3A_246 = arith.cmpi slt, %add3A_244, %lt3A_245 : i32
      %convert_element_type3A_247 = arith.extui %lt3A_246 : i1 to i32
      %cond3A_248 = arith.constant 0 : i32
      %cond3A_249 = arith.cmpi ne, %convert_element_type3A_247, %cond3A_248 : i32
      scf.if %cond3A_249 {
        %add3A_270 = arith.constant 144 : i32
        %add3A_271 = arith.addi %add3A, %add3A_270 : i32
        %mul3A_272 = arith.constant 2000 : i32
        %mul3A_273 = arith.muli %add3A_271, %mul3A_272 : i32
        %dma_wait3A_274 = arith.constant 1 : i32
        %dma_wait3A_275 = arith.constant 0 : i32
        %dma_wait3A_276 = tpu.memref_slice %arg3[%mul3A_273, %dma_wait3A_275] : memref<1000000x16xf32, #tpu.memory_space<hbm>> -> memref<2000x16xf32, #tpu.memory_space<hbm>>
        %dma_wait3A_277 = tpu.memref_slice %arg7[%dma_wait3A_274] : memref<2x!tpu.dma_semaphore, #tpu.memory_space<semaphore_mem>> -> memref<1x!tpu.dma_semaphore, #tpu.memory_space<semaphore_mem>>
        %dma_wait3A_278 = tpu.memref_squeeze %dma_wait3A_277 : memref<1x!tpu.dma_semaphore, #tpu.memory_space<semaphore_mem>> -> memref<!tpu.dma_semaphore, #tpu.memory_space<semaphore_mem>>
        %dma_wait3A_279 = arith.constant 0 : i32
        %dma_wait3A_280 = tpu.memref_slice %arg3[%mul3A_273, %dma_wait3A_279] : memref<1000000x16xf32, #tpu.memory_space<hbm>> -> memref<2000x16xf32, #tpu.memory_space<hbm>>
        tpu.wait_dma2 semaphore(%dma_wait3A_278 : memref<!tpu.dma_semaphore, #tpu.memory_space<semaphore_mem>>) src(%arg5 : memref<2000x16xf32, #tpu.memory_space<vmem>>) dst(%dma_wait3A_280 : memref<2000x16xf32, #tpu.memory_space<hbm>>)
        %add3A_281 = arith.constant 176 : i32
        %add3A_282 = arith.addi %add3A, %add3A_281 : i32
        %mul3A_283 = arith.constant 2000 : i32
        %mul3A_284 = arith.muli %add3A_282, %mul3A_283 : i32
        %dma_start3A_285 = arith.constant 1 : i32
        %dma_start3A_286 = arith.constant 0 : i32
        %dma_start3A_287 = tpu.memref_slice %arg2[%mul3A_284, %dma_start3A_286] : memref<1000000x16xf32, #tpu.memory_space<hbm>> -> memref<2000x16xf32, #tpu.memory_space<hbm>>
        %dma_start3A_288 = tpu.memref_slice %arg6[%dma_start3A_285] : memref<2x!tpu.dma_semaphore, #tpu.memory_space<semaphore_mem>> -> memref<1x!tpu.dma_semaphore, #tpu.memory_space<semaphore_mem>>
        %dma_start3A_289 = tpu.memref_squeeze %dma_start3A_288 : memref<1x!tpu.dma_semaphore, #tpu.memory_space<semaphore_mem>> -> memref<!tpu.dma_semaphore, #tpu.memory_space<semaphore_mem>>
        %dma_start3A_290 = arith.constant 0 : i32
        %dma_start3A_291 = tpu.memref_slice %arg2[%mul3A_284, %dma_start3A_290] : memref<1000000x16xf32, #tpu.memory_space<hbm>> -> memref<2000x16xf32, #tpu.memory_space<hbm>>
        tpu.enqueue_dma source(%dma_start3A_291 : memref<2000x16xf32, #tpu.memory_space<hbm>>) target(%arg5 : memref<2000x16xf32, #tpu.memory_space<vmem>>) target_semaphore(%dma_start3A_289 : memref<!tpu.dma_semaphore, #tpu.memory_space<semaphore_mem>>)
      } else {
      }
      %add3A_250 = arith.constant 160 : i32
      %add3A_251 = arith.addi %add3A, %add3A_250 : i32
      %mul3A_252 = arith.constant 2000 : i32
      %mul3A_253 = arith.muli %add3A_251, %mul3A_252 : i32
      %dma_wait3A = arith.constant 0 : i32
      %dma_wait3A_254 = arith.constant 0 : i32
      %dma_wait3A_255 = tpu.memref_slice %arg2[%mul3A_253, %dma_wait3A_254] : memref<1000000x16xf32, #tpu.memory_space<hbm>> -> memref<2000x16xf32, #tpu.memory_space<hbm>>
      %dma_wait3A_256 = tpu.memref_slice %arg6[%dma_wait3A] : memref<2x!tpu.dma_semaphore, #tpu.memory_space<semaphore_mem>> -> memref<1x!tpu.dma_semaphore, #tpu.memory_space<semaphore_mem>>
      %dma_wait3A_257 = tpu.memref_squeeze %dma_wait3A_256 : memref<1x!tpu.dma_semaphore, #tpu.memory_space<semaphore_mem>> -> memref<!tpu.dma_semaphore, #tpu.memory_space<semaphore_mem>>
      %dma_wait3A_258 = arith.constant 0 : i32
      %dma_wait3A_259 = tpu.memref_slice %arg2[%mul3A_253, %dma_wait3A_258] : memref<1000000x16xf32, #tpu.memory_space<hbm>> -> memref<2000x16xf32, #tpu.memory_space<hbm>>
      tpu.wait_dma2 semaphore(%dma_wait3A_257 : memref<!tpu.dma_semaphore, #tpu.memory_space<semaphore_mem>>) src(%dma_wait3A_259 : memref<2000x16xf32, #tpu.memory_space<hbm>>) dst(%arg4 : memref<2000x16xf32, #tpu.memory_space<vmem>>)
      %add3A_260 = arith.constant 160 : i32
      %add3A_261 = arith.addi %add3A, %add3A_260 : i32
      %mul3A_262 = arith.constant 2000 : i32
      %mul3A_263 = arith.muli %add3A_261, %mul3A_262 : i32
      %dma_start3A = arith.constant 0 : i32
      %dma_start3A_264 = arith.constant 0 : i32
      %dma_start3A_265 = tpu.memref_slice %arg3[%mul3A_263, %dma_start3A_264] : memref<1000000x16xf32, #tpu.memory_space<hbm>> -> memref<2000x16xf32, #tpu.memory_space<hbm>>
      %dma_start3A_266 = tpu.memref_slice %arg7[%dma_start3A] : memref<2x!tpu.dma_semaphore, #tpu.memory_space<semaphore_mem>> -> memref<1x!tpu.dma_semaphore, #tpu.memory_space<semaphore_mem>>
      %dma_start3A_267 = tpu.memref_squeeze %dma_start3A_266 : memref<1x!tpu.dma_semaphore, #tpu.memory_space<semaphore_mem>> -> memref<!tpu.dma_semaphore, #tpu.memory_space<semaphore_mem>>
      %dma_start3A_268 = arith.constant 0 : i32
      %dma_start3A_269 = tpu.memref_slice %arg3[%mul3A_263, %dma_start3A_268] : memref<1000000x16xf32, #tpu.memory_space<hbm>> -> memref<2000x16xf32, #tpu.memory_space<hbm>>
      tpu.enqueue_dma source(%arg4 : memref<2000x16xf32, #tpu.memory_space<vmem>>) target(%dma_start3A_269 : memref<2000x16xf32, #tpu.memory_space<hbm>>) target_semaphore(%dma_start3A_267 : memref<!tpu.dma_semaphore, #tpu.memory_space<semaphore_mem>>)
    } else {
    }
    %add3A_82 = arith.constant 176 : i32
    %add3A_83 = arith.addi %add3A, %add3A_82 : i32
    %lt3A_84 = arith.constant 500 : i32
    %lt3A_85 = arith.cmpi slt, %add3A_83, %lt3A_84 : i32
    %convert_element_type3A_86 = arith.extui %lt3A_85 : i1 to i32
    %cond3A_87 = arith.constant 0 : i32
    %cond3A_88 = arith.cmpi ne, %convert_element_type3A_86, %cond3A_87 : i32
    scf.if %cond3A_88 {
      %add3A_243 = arith.constant 192 : i32
      %add3A_244 = arith.addi %add3A, %add3A_243 : i32
      %lt3A_245 = arith.constant 500 : i32
      %lt3A_246 = arith.cmpi slt, %add3A_244, %lt3A_245 : i32
      %convert_element_type3A_247 = arith.extui %lt3A_246 : i1 to i32
      %cond3A_248 = arith.constant 0 : i32
      %cond3A_249 = arith.cmpi ne, %convert_element_type3A_247, %cond3A_248 : i32
      scf.if %cond3A_249 {
        %add3A_270 = arith.constant 160 : i32
        %add3A_271 = arith.addi %add3A, %add3A_270 : i32
        %mul3A_272 = arith.constant 2000 : i32
        %mul3A_273 = arith.muli %add3A_271, %mul3A_272 : i32
        %dma_wait3A_274 = arith.constant 0 : i32
        %dma_wait3A_275 = arith.constant 0 : i32
        %dma_wait3A_276 = tpu.memref_slice %arg3[%mul3A_273, %dma_wait3A_275] : memref<1000000x16xf32, #tpu.memory_space<hbm>> -> memref<2000x16xf32, #tpu.memory_space<hbm>>
        %dma_wait3A_277 = tpu.memref_slice %arg7[%dma_wait3A_274] : memref<2x!tpu.dma_semaphore, #tpu.memory_space<semaphore_mem>> -> memref<1x!tpu.dma_semaphore, #tpu.memory_space<semaphore_mem>>
        %dma_wait3A_278 = tpu.memref_squeeze %dma_wait3A_277 : memref<1x!tpu.dma_semaphore, #tpu.memory_space<semaphore_mem>> -> memref<!tpu.dma_semaphore, #tpu.memory_space<semaphore_mem>>
        %dma_wait3A_279 = arith.constant 0 : i32
        %dma_wait3A_280 = tpu.memref_slice %arg3[%mul3A_273, %dma_wait3A_279] : memref<1000000x16xf32, #tpu.memory_space<hbm>> -> memref<2000x16xf32, #tpu.memory_space<hbm>>
        tpu.wait_dma2 semaphore(%dma_wait3A_278 : memref<!tpu.dma_semaphore, #tpu.memory_space<semaphore_mem>>) src(%arg4 : memref<2000x16xf32, #tpu.memory_space<vmem>>) dst(%dma_wait3A_280 : memref<2000x16xf32, #tpu.memory_space<hbm>>)
        %add3A_281 = arith.constant 192 : i32
        %add3A_282 = arith.addi %add3A, %add3A_281 : i32
        %mul3A_283 = arith.constant 2000 : i32
        %mul3A_284 = arith.muli %add3A_282, %mul3A_283 : i32
        %dma_start3A_285 = arith.constant 0 : i32
        %dma_start3A_286 = arith.constant 0 : i32
        %dma_start3A_287 = tpu.memref_slice %arg2[%mul3A_284, %dma_start3A_286] : memref<1000000x16xf32, #tpu.memory_space<hbm>> -> memref<2000x16xf32, #tpu.memory_space<hbm>>
        %dma_start3A_288 = tpu.memref_slice %arg6[%dma_start3A_285] : memref<2x!tpu.dma_semaphore, #tpu.memory_space<semaphore_mem>> -> memref<1x!tpu.dma_semaphore, #tpu.memory_space<semaphore_mem>>
        %dma_start3A_289 = tpu.memref_squeeze %dma_start3A_288 : memref<1x!tpu.dma_semaphore, #tpu.memory_space<semaphore_mem>> -> memref<!tpu.dma_semaphore, #tpu.memory_space<semaphore_mem>>
        %dma_start3A_290 = arith.constant 0 : i32
        %dma_start3A_291 = tpu.memref_slice %arg2[%mul3A_284, %dma_start3A_290] : memref<1000000x16xf32, #tpu.memory_space<hbm>> -> memref<2000x16xf32, #tpu.memory_space<hbm>>
        tpu.enqueue_dma source(%dma_start3A_291 : memref<2000x16xf32, #tpu.memory_space<hbm>>) target(%arg4 : memref<2000x16xf32, #tpu.memory_space<vmem>>) target_semaphore(%dma_start3A_289 : memref<!tpu.dma_semaphore, #tpu.memory_space<semaphore_mem>>)
      } else {
      }
      %add3A_250 = arith.constant 176 : i32
      %add3A_251 = arith.addi %add3A, %add3A_250 : i32
      %mul3A_252 = arith.constant 2000 : i32
      %mul3A_253 = arith.muli %add3A_251, %mul3A_252 : i32
      %dma_wait3A = arith.constant 1 : i32
      %dma_wait3A_254 = arith.constant 0 : i32
      %dma_wait3A_255 = tpu.memref_slice %arg2[%mul3A_253, %dma_wait3A_254] : memref<1000000x16xf32, #tpu.memory_space<hbm>> -> memref<2000x16xf32, #tpu.memory_space<hbm>>
      %dma_wait3A_256 = tpu.memref_slice %arg6[%dma_wait3A] : memref<2x!tpu.dma_semaphore, #tpu.memory_space<semaphore_mem>> -> memref<1x!tpu.dma_semaphore, #tpu.memory_space<semaphore_mem>>
      %dma_wait3A_257 = tpu.memref_squeeze %dma_wait3A_256 : memref<1x!tpu.dma_semaphore, #tpu.memory_space<semaphore_mem>> -> memref<!tpu.dma_semaphore, #tpu.memory_space<semaphore_mem>>
      %dma_wait3A_258 = arith.constant 0 : i32
      %dma_wait3A_259 = tpu.memref_slice %arg2[%mul3A_253, %dma_wait3A_258] : memref<1000000x16xf32, #tpu.memory_space<hbm>> -> memref<2000x16xf32, #tpu.memory_space<hbm>>
      tpu.wait_dma2 semaphore(%dma_wait3A_257 : memref<!tpu.dma_semaphore, #tpu.memory_space<semaphore_mem>>) src(%dma_wait3A_259 : memref<2000x16xf32, #tpu.memory_space<hbm>>) dst(%arg5 : memref<2000x16xf32, #tpu.memory_space<vmem>>)
      %add3A_260 = arith.constant 176 : i32
      %add3A_261 = arith.addi %add3A, %add3A_260 : i32
      %mul3A_262 = arith.constant 2000 : i32
      %mul3A_263 = arith.muli %add3A_261, %mul3A_262 : i32
      %dma_start3A = arith.constant 1 : i32
      %dma_start3A_264 = arith.constant 0 : i32
      %dma_start3A_265 = tpu.memref_slice %arg3[%mul3A_263, %dma_start3A_264] : memref<1000000x16xf32, #tpu.memory_space<hbm>> -> memref<2000x16xf32, #tpu.memory_space<hbm>>
      %dma_start3A_266 = tpu.memref_slice %arg7[%dma_start3A] : memref<2x!tpu.dma_semaphore, #tpu.memory_space<semaphore_mem>> -> memref<1x!tpu.dma_semaphore, #tpu.memory_space<semaphore_mem>>
      %dma_start3A_267 = tpu.memref_squeeze %dma_start3A_266 : memref<1x!tpu.dma_semaphore, #tpu.memory_space<semaphore_mem>> -> memref<!tpu.dma_semaphore, #tpu.memory_space<semaphore_mem>>
      %dma_start3A_268 = arith.constant 0 : i32
      %dma_start3A_269 = tpu.memref_slice %arg3[%mul3A_263, %dma_start3A_268] : memref<1000000x16xf32, #tpu.memory_space<hbm>> -> memref<2000x16xf32, #tpu.memory_space<hbm>>
      tpu.enqueue_dma source(%arg5 : memref<2000x16xf32, #tpu.memory_space<vmem>>) target(%dma_start3A_269 : memref<2000x16xf32, #tpu.memory_space<hbm>>) target_semaphore(%dma_start3A_267 : memref<!tpu.dma_semaphore, #tpu.memory_space<semaphore_mem>>)
    } else {
    }
    %add3A_89 = arith.constant 192 : i32
    %add3A_90 = arith.addi %add3A, %add3A_89 : i32
    %lt3A_91 = arith.constant 500 : i32
    %lt3A_92 = arith.cmpi slt, %add3A_90, %lt3A_91 : i32
    %convert_element_type3A_93 = arith.extui %lt3A_92 : i1 to i32
    %cond3A_94 = arith.constant 0 : i32
    %cond3A_95 = arith.cmpi ne, %convert_element_type3A_93, %cond3A_94 : i32
    scf.if %cond3A_95 {
      %add3A_243 = arith.constant 208 : i32
      %add3A_244 = arith.addi %add3A, %add3A_243 : i32
      %lt3A_245 = arith.constant 500 : i32
      %lt3A_246 = arith.cmpi slt, %add3A_244, %lt3A_245 : i32
      %convert_element_type3A_247 = arith.extui %lt3A_246 : i1 to i32
      %cond3A_248 = arith.constant 0 : i32
      %cond3A_249 = arith.cmpi ne, %convert_element_type3A_247, %cond3A_248 : i32
      scf.if %cond3A_249 {
        %add3A_270 = arith.constant 176 : i32
        %add3A_271 = arith.addi %add3A, %add3A_270 : i32
        %mul3A_272 = arith.constant 2000 : i32
        %mul3A_273 = arith.muli %add3A_271, %mul3A_272 : i32
        %dma_wait3A_274 = arith.constant 1 : i32
        %dma_wait3A_275 = arith.constant 0 : i32
        %dma_wait3A_276 = tpu.memref_slice %arg3[%mul3A_273, %dma_wait3A_275] : memref<1000000x16xf32, #tpu.memory_space<hbm>> -> memref<2000x16xf32, #tpu.memory_space<hbm>>
        %dma_wait3A_277 = tpu.memref_slice %arg7[%dma_wait3A_274] : memref<2x!tpu.dma_semaphore, #tpu.memory_space<semaphore_mem>> -> memref<1x!tpu.dma_semaphore, #tpu.memory_space<semaphore_mem>>
        %dma_wait3A_278 = tpu.memref_squeeze %dma_wait3A_277 : memref<1x!tpu.dma_semaphore, #tpu.memory_space<semaphore_mem>> -> memref<!tpu.dma_semaphore, #tpu.memory_space<semaphore_mem>>
        %dma_wait3A_279 = arith.constant 0 : i32
        %dma_wait3A_280 = tpu.memref_slice %arg3[%mul3A_273, %dma_wait3A_279] : memref<1000000x16xf32, #tpu.memory_space<hbm>> -> memref<2000x16xf32, #tpu.memory_space<hbm>>
        tpu.wait_dma2 semaphore(%dma_wait3A_278 : memref<!tpu.dma_semaphore, #tpu.memory_space<semaphore_mem>>) src(%arg5 : memref<2000x16xf32, #tpu.memory_space<vmem>>) dst(%dma_wait3A_280 : memref<2000x16xf32, #tpu.memory_space<hbm>>)
        %add3A_281 = arith.constant 208 : i32
        %add3A_282 = arith.addi %add3A, %add3A_281 : i32
        %mul3A_283 = arith.constant 2000 : i32
        %mul3A_284 = arith.muli %add3A_282, %mul3A_283 : i32
        %dma_start3A_285 = arith.constant 1 : i32
        %dma_start3A_286 = arith.constant 0 : i32
        %dma_start3A_287 = tpu.memref_slice %arg2[%mul3A_284, %dma_start3A_286] : memref<1000000x16xf32, #tpu.memory_space<hbm>> -> memref<2000x16xf32, #tpu.memory_space<hbm>>
        %dma_start3A_288 = tpu.memref_slice %arg6[%dma_start3A_285] : memref<2x!tpu.dma_semaphore, #tpu.memory_space<semaphore_mem>> -> memref<1x!tpu.dma_semaphore, #tpu.memory_space<semaphore_mem>>
        %dma_start3A_289 = tpu.memref_squeeze %dma_start3A_288 : memref<1x!tpu.dma_semaphore, #tpu.memory_space<semaphore_mem>> -> memref<!tpu.dma_semaphore, #tpu.memory_space<semaphore_mem>>
        %dma_start3A_290 = arith.constant 0 : i32
        %dma_start3A_291 = tpu.memref_slice %arg2[%mul3A_284, %dma_start3A_290] : memref<1000000x16xf32, #tpu.memory_space<hbm>> -> memref<2000x16xf32, #tpu.memory_space<hbm>>
        tpu.enqueue_dma source(%dma_start3A_291 : memref<2000x16xf32, #tpu.memory_space<hbm>>) target(%arg5 : memref<2000x16xf32, #tpu.memory_space<vmem>>) target_semaphore(%dma_start3A_289 : memref<!tpu.dma_semaphore, #tpu.memory_space<semaphore_mem>>)
      } else {
      }
      %add3A_250 = arith.constant 192 : i32
      %add3A_251 = arith.addi %add3A, %add3A_250 : i32
      %mul3A_252 = arith.constant 2000 : i32
      %mul3A_253 = arith.muli %add3A_251, %mul3A_252 : i32
      %dma_wait3A = arith.constant 0 : i32
      %dma_wait3A_254 = arith.constant 0 : i32
      %dma_wait3A_255 = tpu.memref_slice %arg2[%mul3A_253, %dma_wait3A_254] : memref<1000000x16xf32, #tpu.memory_space<hbm>> -> memref<2000x16xf32, #tpu.memory_space<hbm>>
      %dma_wait3A_256 = tpu.memref_slice %arg6[%dma_wait3A] : memref<2x!tpu.dma_semaphore, #tpu.memory_space<semaphore_mem>> -> memref<1x!tpu.dma_semaphore, #tpu.memory_space<semaphore_mem>>
      %dma_wait3A_257 = tpu.memref_squeeze %dma_wait3A_256 : memref<1x!tpu.dma_semaphore, #tpu.memory_space<semaphore_mem>> -> memref<!tpu.dma_semaphore, #tpu.memory_space<semaphore_mem>>
      %dma_wait3A_258 = arith.constant 0 : i32
      %dma_wait3A_259 = tpu.memref_slice %arg2[%mul3A_253, %dma_wait3A_258] : memref<1000000x16xf32, #tpu.memory_space<hbm>> -> memref<2000x16xf32, #tpu.memory_space<hbm>>
      tpu.wait_dma2 semaphore(%dma_wait3A_257 : memref<!tpu.dma_semaphore, #tpu.memory_space<semaphore_mem>>) src(%dma_wait3A_259 : memref<2000x16xf32, #tpu.memory_space<hbm>>) dst(%arg4 : memref<2000x16xf32, #tpu.memory_space<vmem>>)
      %add3A_260 = arith.constant 192 : i32
      %add3A_261 = arith.addi %add3A, %add3A_260 : i32
      %mul3A_262 = arith.constant 2000 : i32
      %mul3A_263 = arith.muli %add3A_261, %mul3A_262 : i32
      %dma_start3A = arith.constant 0 : i32
      %dma_start3A_264 = arith.constant 0 : i32
      %dma_start3A_265 = tpu.memref_slice %arg3[%mul3A_263, %dma_start3A_264] : memref<1000000x16xf32, #tpu.memory_space<hbm>> -> memref<2000x16xf32, #tpu.memory_space<hbm>>
      %dma_start3A_266 = tpu.memref_slice %arg7[%dma_start3A] : memref<2x!tpu.dma_semaphore, #tpu.memory_space<semaphore_mem>> -> memref<1x!tpu.dma_semaphore, #tpu.memory_space<semaphore_mem>>
      %dma_start3A_267 = tpu.memref_squeeze %dma_start3A_266 : memref<1x!tpu.dma_semaphore, #tpu.memory_space<semaphore_mem>> -> memref<!tpu.dma_semaphore, #tpu.memory_space<semaphore_mem>>
      %dma_start3A_268 = arith.constant 0 : i32
      %dma_start3A_269 = tpu.memref_slice %arg3[%mul3A_263, %dma_start3A_268] : memref<1000000x16xf32, #tpu.memory_space<hbm>> -> memref<2000x16xf32, #tpu.memory_space<hbm>>
      tpu.enqueue_dma source(%arg4 : memref<2000x16xf32, #tpu.memory_space<vmem>>) target(%dma_start3A_269 : memref<2000x16xf32, #tpu.memory_space<hbm>>) target_semaphore(%dma_start3A_267 : memref<!tpu.dma_semaphore, #tpu.memory_space<semaphore_mem>>)
    } else {
    }
    %add3A_96 = arith.constant 208 : i32
    %add3A_97 = arith.addi %add3A, %add3A_96 : i32
    %lt3A_98 = arith.constant 500 : i32
    %lt3A_99 = arith.cmpi slt, %add3A_97, %lt3A_98 : i32
    %convert_element_type3A_100 = arith.extui %lt3A_99 : i1 to i32
    %cond3A_101 = arith.constant 0 : i32
    %cond3A_102 = arith.cmpi ne, %convert_element_type3A_100, %cond3A_101 : i32
    scf.if %cond3A_102 {
      %add3A_243 = arith.constant 224 : i32
      %add3A_244 = arith.addi %add3A, %add3A_243 : i32
      %lt3A_245 = arith.constant 500 : i32
      %lt3A_246 = arith.cmpi slt, %add3A_244, %lt3A_245 : i32
      %convert_element_type3A_247 = arith.extui %lt3A_246 : i1 to i32
      %cond3A_248 = arith.constant 0 : i32
      %cond3A_249 = arith.cmpi ne, %convert_element_type3A_247, %cond3A_248 : i32
      scf.if %cond3A_249 {
        %add3A_270 = arith.constant 192 : i32
        %add3A_271 = arith.addi %add3A, %add3A_270 : i32
        %mul3A_272 = arith.constant 2000 : i32
        %mul3A_273 = arith.muli %add3A_271, %mul3A_272 : i32
        %dma_wait3A_274 = arith.constant 0 : i32
        %dma_wait3A_275 = arith.constant 0 : i32
        %dma_wait3A_276 = tpu.memref_slice %arg3[%mul3A_273, %dma_wait3A_275] : memref<1000000x16xf32, #tpu.memory_space<hbm>> -> memref<2000x16xf32, #tpu.memory_space<hbm>>
        %dma_wait3A_277 = tpu.memref_slice %arg7[%dma_wait3A_274] : memref<2x!tpu.dma_semaphore, #tpu.memory_space<semaphore_mem>> -> memref<1x!tpu.dma_semaphore, #tpu.memory_space<semaphore_mem>>
        %dma_wait3A_278 = tpu.memref_squeeze %dma_wait3A_277 : memref<1x!tpu.dma_semaphore, #tpu.memory_space<semaphore_mem>> -> memref<!tpu.dma_semaphore, #tpu.memory_space<semaphore_mem>>
        %dma_wait3A_279 = arith.constant 0 : i32
        %dma_wait3A_280 = tpu.memref_slice %arg3[%mul3A_273, %dma_wait3A_279] : memref<1000000x16xf32, #tpu.memory_space<hbm>> -> memref<2000x16xf32, #tpu.memory_space<hbm>>
        tpu.wait_dma2 semaphore(%dma_wait3A_278 : memref<!tpu.dma_semaphore, #tpu.memory_space<semaphore_mem>>) src(%arg4 : memref<2000x16xf32, #tpu.memory_space<vmem>>) dst(%dma_wait3A_280 : memref<2000x16xf32, #tpu.memory_space<hbm>>)
        %add3A_281 = arith.constant 224 : i32
        %add3A_282 = arith.addi %add3A, %add3A_281 : i32
        %mul3A_283 = arith.constant 2000 : i32
        %mul3A_284 = arith.muli %add3A_282, %mul3A_283 : i32
        %dma_start3A_285 = arith.constant 0 : i32
        %dma_start3A_286 = arith.constant 0 : i32
        %dma_start3A_287 = tpu.memref_slice %arg2[%mul3A_284, %dma_start3A_286] : memref<1000000x16xf32, #tpu.memory_space<hbm>> -> memref<2000x16xf32, #tpu.memory_space<hbm>>
        %dma_start3A_288 = tpu.memref_slice %arg6[%dma_start3A_285] : memref<2x!tpu.dma_semaphore, #tpu.memory_space<semaphore_mem>> -> memref<1x!tpu.dma_semaphore, #tpu.memory_space<semaphore_mem>>
        %dma_start3A_289 = tpu.memref_squeeze %dma_start3A_288 : memref<1x!tpu.dma_semaphore, #tpu.memory_space<semaphore_mem>> -> memref<!tpu.dma_semaphore, #tpu.memory_space<semaphore_mem>>
        %dma_start3A_290 = arith.constant 0 : i32
        %dma_start3A_291 = tpu.memref_slice %arg2[%mul3A_284, %dma_start3A_290] : memref<1000000x16xf32, #tpu.memory_space<hbm>> -> memref<2000x16xf32, #tpu.memory_space<hbm>>
        tpu.enqueue_dma source(%dma_start3A_291 : memref<2000x16xf32, #tpu.memory_space<hbm>>) target(%arg4 : memref<2000x16xf32, #tpu.memory_space<vmem>>) target_semaphore(%dma_start3A_289 : memref<!tpu.dma_semaphore, #tpu.memory_space<semaphore_mem>>)
      } else {
      }
      %add3A_250 = arith.constant 208 : i32
      %add3A_251 = arith.addi %add3A, %add3A_250 : i32
      %mul3A_252 = arith.constant 2000 : i32
      %mul3A_253 = arith.muli %add3A_251, %mul3A_252 : i32
      %dma_wait3A = arith.constant 1 : i32
      %dma_wait3A_254 = arith.constant 0 : i32
      %dma_wait3A_255 = tpu.memref_slice %arg2[%mul3A_253, %dma_wait3A_254] : memref<1000000x16xf32, #tpu.memory_space<hbm>> -> memref<2000x16xf32, #tpu.memory_space<hbm>>
      %dma_wait3A_256 = tpu.memref_slice %arg6[%dma_wait3A] : memref<2x!tpu.dma_semaphore, #tpu.memory_space<semaphore_mem>> -> memref<1x!tpu.dma_semaphore, #tpu.memory_space<semaphore_mem>>
      %dma_wait3A_257 = tpu.memref_squeeze %dma_wait3A_256 : memref<1x!tpu.dma_semaphore, #tpu.memory_space<semaphore_mem>> -> memref<!tpu.dma_semaphore, #tpu.memory_space<semaphore_mem>>
      %dma_wait3A_258 = arith.constant 0 : i32
      %dma_wait3A_259 = tpu.memref_slice %arg2[%mul3A_253, %dma_wait3A_258] : memref<1000000x16xf32, #tpu.memory_space<hbm>> -> memref<2000x16xf32, #tpu.memory_space<hbm>>
      tpu.wait_dma2 semaphore(%dma_wait3A_257 : memref<!tpu.dma_semaphore, #tpu.memory_space<semaphore_mem>>) src(%dma_wait3A_259 : memref<2000x16xf32, #tpu.memory_space<hbm>>) dst(%arg5 : memref<2000x16xf32, #tpu.memory_space<vmem>>)
      %add3A_260 = arith.constant 208 : i32
      %add3A_261 = arith.addi %add3A, %add3A_260 : i32
      %mul3A_262 = arith.constant 2000 : i32
      %mul3A_263 = arith.muli %add3A_261, %mul3A_262 : i32
      %dma_start3A = arith.constant 1 : i32
      %dma_start3A_264 = arith.constant 0 : i32
      %dma_start3A_265 = tpu.memref_slice %arg3[%mul3A_263, %dma_start3A_264] : memref<1000000x16xf32, #tpu.memory_space<hbm>> -> memref<2000x16xf32, #tpu.memory_space<hbm>>
      %dma_start3A_266 = tpu.memref_slice %arg7[%dma_start3A] : memref<2x!tpu.dma_semaphore, #tpu.memory_space<semaphore_mem>> -> memref<1x!tpu.dma_semaphore, #tpu.memory_space<semaphore_mem>>
      %dma_start3A_267 = tpu.memref_squeeze %dma_start3A_266 : memref<1x!tpu.dma_semaphore, #tpu.memory_space<semaphore_mem>> -> memref<!tpu.dma_semaphore, #tpu.memory_space<semaphore_mem>>
      %dma_start3A_268 = arith.constant 0 : i32
      %dma_start3A_269 = tpu.memref_slice %arg3[%mul3A_263, %dma_start3A_268] : memref<1000000x16xf32, #tpu.memory_space<hbm>> -> memref<2000x16xf32, #tpu.memory_space<hbm>>
      tpu.enqueue_dma source(%arg5 : memref<2000x16xf32, #tpu.memory_space<vmem>>) target(%dma_start3A_269 : memref<2000x16xf32, #tpu.memory_space<hbm>>) target_semaphore(%dma_start3A_267 : memref<!tpu.dma_semaphore, #tpu.memory_space<semaphore_mem>>)
    } else {
    }
    %add3A_103 = arith.constant 224 : i32
    %add3A_104 = arith.addi %add3A, %add3A_103 : i32
    %lt3A_105 = arith.constant 500 : i32
    %lt3A_106 = arith.cmpi slt, %add3A_104, %lt3A_105 : i32
    %convert_element_type3A_107 = arith.extui %lt3A_106 : i1 to i32
    %cond3A_108 = arith.constant 0 : i32
    %cond3A_109 = arith.cmpi ne, %convert_element_type3A_107, %cond3A_108 : i32
    scf.if %cond3A_109 {
      %add3A_243 = arith.constant 240 : i32
      %add3A_244 = arith.addi %add3A, %add3A_243 : i32
      %lt3A_245 = arith.constant 500 : i32
      %lt3A_246 = arith.cmpi slt, %add3A_244, %lt3A_245 : i32
      %convert_element_type3A_247 = arith.extui %lt3A_246 : i1 to i32
      %cond3A_248 = arith.constant 0 : i32
      %cond3A_249 = arith.cmpi ne, %convert_element_type3A_247, %cond3A_248 : i32
      scf.if %cond3A_249 {
        %add3A_270 = arith.constant 208 : i32
        %add3A_271 = arith.addi %add3A, %add3A_270 : i32
        %mul3A_272 = arith.constant 2000 : i32
        %mul3A_273 = arith.muli %add3A_271, %mul3A_272 : i32
        %dma_wait3A_274 = arith.constant 1 : i32
        %dma_wait3A_275 = arith.constant 0 : i32
        %dma_wait3A_276 = tpu.memref_slice %arg3[%mul3A_273, %dma_wait3A_275] : memref<1000000x16xf32, #tpu.memory_space<hbm>> -> memref<2000x16xf32, #tpu.memory_space<hbm>>
        %dma_wait3A_277 = tpu.memref_slice %arg7[%dma_wait3A_274] : memref<2x!tpu.dma_semaphore, #tpu.memory_space<semaphore_mem>> -> memref<1x!tpu.dma_semaphore, #tpu.memory_space<semaphore_mem>>
        %dma_wait3A_278 = tpu.memref_squeeze %dma_wait3A_277 : memref<1x!tpu.dma_semaphore, #tpu.memory_space<semaphore_mem>> -> memref<!tpu.dma_semaphore, #tpu.memory_space<semaphore_mem>>
        %dma_wait3A_279 = arith.constant 0 : i32
        %dma_wait3A_280 = tpu.memref_slice %arg3[%mul3A_273, %dma_wait3A_279] : memref<1000000x16xf32, #tpu.memory_space<hbm>> -> memref<2000x16xf32, #tpu.memory_space<hbm>>
        tpu.wait_dma2 semaphore(%dma_wait3A_278 : memref<!tpu.dma_semaphore, #tpu.memory_space<semaphore_mem>>) src(%arg5 : memref<2000x16xf32, #tpu.memory_space<vmem>>) dst(%dma_wait3A_280 : memref<2000x16xf32, #tpu.memory_space<hbm>>)
        %add3A_281 = arith.constant 240 : i32
        %add3A_282 = arith.addi %add3A, %add3A_281 : i32
        %mul3A_283 = arith.constant 2000 : i32
        %mul3A_284 = arith.muli %add3A_282, %mul3A_283 : i32
        %dma_start3A_285 = arith.constant 1 : i32
        %dma_start3A_286 = arith.constant 0 : i32
        %dma_start3A_287 = tpu.memref_slice %arg2[%mul3A_284, %dma_start3A_286] : memref<1000000x16xf32, #tpu.memory_space<hbm>> -> memref<2000x16xf32, #tpu.memory_space<hbm>>
        %dma_start3A_288 = tpu.memref_slice %arg6[%dma_start3A_285] : memref<2x!tpu.dma_semaphore, #tpu.memory_space<semaphore_mem>> -> memref<1x!tpu.dma_semaphore, #tpu.memory_space<semaphore_mem>>
        %dma_start3A_289 = tpu.memref_squeeze %dma_start3A_288 : memref<1x!tpu.dma_semaphore, #tpu.memory_space<semaphore_mem>> -> memref<!tpu.dma_semaphore, #tpu.memory_space<semaphore_mem>>
        %dma_start3A_290 = arith.constant 0 : i32
        %dma_start3A_291 = tpu.memref_slice %arg2[%mul3A_284, %dma_start3A_290] : memref<1000000x16xf32, #tpu.memory_space<hbm>> -> memref<2000x16xf32, #tpu.memory_space<hbm>>
        tpu.enqueue_dma source(%dma_start3A_291 : memref<2000x16xf32, #tpu.memory_space<hbm>>) target(%arg5 : memref<2000x16xf32, #tpu.memory_space<vmem>>) target_semaphore(%dma_start3A_289 : memref<!tpu.dma_semaphore, #tpu.memory_space<semaphore_mem>>)
      } else {
      }
      %add3A_250 = arith.constant 224 : i32
      %add3A_251 = arith.addi %add3A, %add3A_250 : i32
      %mul3A_252 = arith.constant 2000 : i32
      %mul3A_253 = arith.muli %add3A_251, %mul3A_252 : i32
      %dma_wait3A = arith.constant 0 : i32
      %dma_wait3A_254 = arith.constant 0 : i32
      %dma_wait3A_255 = tpu.memref_slice %arg2[%mul3A_253, %dma_wait3A_254] : memref<1000000x16xf32, #tpu.memory_space<hbm>> -> memref<2000x16xf32, #tpu.memory_space<hbm>>
      %dma_wait3A_256 = tpu.memref_slice %arg6[%dma_wait3A] : memref<2x!tpu.dma_semaphore, #tpu.memory_space<semaphore_mem>> -> memref<1x!tpu.dma_semaphore, #tpu.memory_space<semaphore_mem>>
      %dma_wait3A_257 = tpu.memref_squeeze %dma_wait3A_256 : memref<1x!tpu.dma_semaphore, #tpu.memory_space<semaphore_mem>> -> memref<!tpu.dma_semaphore, #tpu.memory_space<semaphore_mem>>
      %dma_wait3A_258 = arith.constant 0 : i32
      %dma_wait3A_259 = tpu.memref_slice %arg2[%mul3A_253, %dma_wait3A_258] : memref<1000000x16xf32, #tpu.memory_space<hbm>> -> memref<2000x16xf32, #tpu.memory_space<hbm>>
      tpu.wait_dma2 semaphore(%dma_wait3A_257 : memref<!tpu.dma_semaphore, #tpu.memory_space<semaphore_mem>>) src(%dma_wait3A_259 : memref<2000x16xf32, #tpu.memory_space<hbm>>) dst(%arg4 : memref<2000x16xf32, #tpu.memory_space<vmem>>)
      %add3A_260 = arith.constant 224 : i32
      %add3A_261 = arith.addi %add3A, %add3A_260 : i32
      %mul3A_262 = arith.constant 2000 : i32
      %mul3A_263 = arith.muli %add3A_261, %mul3A_262 : i32
      %dma_start3A = arith.constant 0 : i32
      %dma_start3A_264 = arith.constant 0 : i32
      %dma_start3A_265 = tpu.memref_slice %arg3[%mul3A_263, %dma_start3A_264] : memref<1000000x16xf32, #tpu.memory_space<hbm>> -> memref<2000x16xf32, #tpu.memory_space<hbm>>
      %dma_start3A_266 = tpu.memref_slice %arg7[%dma_start3A] : memref<2x!tpu.dma_semaphore, #tpu.memory_space<semaphore_mem>> -> memref<1x!tpu.dma_semaphore, #tpu.memory_space<semaphore_mem>>
      %dma_start3A_267 = tpu.memref_squeeze %dma_start3A_266 : memref<1x!tpu.dma_semaphore, #tpu.memory_space<semaphore_mem>> -> memref<!tpu.dma_semaphore, #tpu.memory_space<semaphore_mem>>
      %dma_start3A_268 = arith.constant 0 : i32
      %dma_start3A_269 = tpu.memref_slice %arg3[%mul3A_263, %dma_start3A_268] : memref<1000000x16xf32, #tpu.memory_space<hbm>> -> memref<2000x16xf32, #tpu.memory_space<hbm>>
      tpu.enqueue_dma source(%arg4 : memref<2000x16xf32, #tpu.memory_space<vmem>>) target(%dma_start3A_269 : memref<2000x16xf32, #tpu.memory_space<hbm>>) target_semaphore(%dma_start3A_267 : memref<!tpu.dma_semaphore, #tpu.memory_space<semaphore_mem>>)
    } else {
    }
    %add3A_110 = arith.constant 240 : i32
    %add3A_111 = arith.addi %add3A, %add3A_110 : i32
    %lt3A_112 = arith.constant 500 : i32
    %lt3A_113 = arith.cmpi slt, %add3A_111, %lt3A_112 : i32
    %convert_element_type3A_114 = arith.extui %lt3A_113 : i1 to i32
    %cond3A_115 = arith.constant 0 : i32
    %cond3A_116 = arith.cmpi ne, %convert_element_type3A_114, %cond3A_115 : i32
    scf.if %cond3A_116 {
      %add3A_243 = arith.constant 256 : i32
      %add3A_244 = arith.addi %add3A, %add3A_243 : i32
      %lt3A_245 = arith.constant 500 : i32
      %lt3A_246 = arith.cmpi slt, %add3A_244, %lt3A_245 : i32
      %convert_element_type3A_247 = arith.extui %lt3A_246 : i1 to i32
      %cond3A_248 = arith.constant 0 : i32
      %cond3A_249 = arith.cmpi ne, %convert_element_type3A_247, %cond3A_248 : i32
      scf.if %cond3A_249 {
        %add3A_270 = arith.constant 224 : i32
        %add3A_271 = arith.addi %add3A, %add3A_270 : i32
        %mul3A_272 = arith.constant 2000 : i32
        %mul3A_273 = arith.muli %add3A_271, %mul3A_272 : i32
        %dma_wait3A_274 = arith.constant 0 : i32
        %dma_wait3A_275 = arith.constant 0 : i32
        %dma_wait3A_276 = tpu.memref_slice %arg3[%mul3A_273, %dma_wait3A_275] : memref<1000000x16xf32, #tpu.memory_space<hbm>> -> memref<2000x16xf32, #tpu.memory_space<hbm>>
        %dma_wait3A_277 = tpu.memref_slice %arg7[%dma_wait3A_274] : memref<2x!tpu.dma_semaphore, #tpu.memory_space<semaphore_mem>> -> memref<1x!tpu.dma_semaphore, #tpu.memory_space<semaphore_mem>>
        %dma_wait3A_278 = tpu.memref_squeeze %dma_wait3A_277 : memref<1x!tpu.dma_semaphore, #tpu.memory_space<semaphore_mem>> -> memref<!tpu.dma_semaphore, #tpu.memory_space<semaphore_mem>>
        %dma_wait3A_279 = arith.constant 0 : i32
        %dma_wait3A_280 = tpu.memref_slice %arg3[%mul3A_273, %dma_wait3A_279] : memref<1000000x16xf32, #tpu.memory_space<hbm>> -> memref<2000x16xf32, #tpu.memory_space<hbm>>
        tpu.wait_dma2 semaphore(%dma_wait3A_278 : memref<!tpu.dma_semaphore, #tpu.memory_space<semaphore_mem>>) src(%arg4 : memref<2000x16xf32, #tpu.memory_space<vmem>>) dst(%dma_wait3A_280 : memref<2000x16xf32, #tpu.memory_space<hbm>>)
        %add3A_281 = arith.constant 256 : i32
        %add3A_282 = arith.addi %add3A, %add3A_281 : i32
        %mul3A_283 = arith.constant 2000 : i32
        %mul3A_284 = arith.muli %add3A_282, %mul3A_283 : i32
        %dma_start3A_285 = arith.constant 0 : i32
        %dma_start3A_286 = arith.constant 0 : i32
        %dma_start3A_287 = tpu.memref_slice %arg2[%mul3A_284, %dma_start3A_286] : memref<1000000x16xf32, #tpu.memory_space<hbm>> -> memref<2000x16xf32, #tpu.memory_space<hbm>>
        %dma_start3A_288 = tpu.memref_slice %arg6[%dma_start3A_285] : memref<2x!tpu.dma_semaphore, #tpu.memory_space<semaphore_mem>> -> memref<1x!tpu.dma_semaphore, #tpu.memory_space<semaphore_mem>>
        %dma_start3A_289 = tpu.memref_squeeze %dma_start3A_288 : memref<1x!tpu.dma_semaphore, #tpu.memory_space<semaphore_mem>> -> memref<!tpu.dma_semaphore, #tpu.memory_space<semaphore_mem>>
        %dma_start3A_290 = arith.constant 0 : i32
        %dma_start3A_291 = tpu.memref_slice %arg2[%mul3A_284, %dma_start3A_290] : memref<1000000x16xf32, #tpu.memory_space<hbm>> -> memref<2000x16xf32, #tpu.memory_space<hbm>>
        tpu.enqueue_dma source(%dma_start3A_291 : memref<2000x16xf32, #tpu.memory_space<hbm>>) target(%arg4 : memref<2000x16xf32, #tpu.memory_space<vmem>>) target_semaphore(%dma_start3A_289 : memref<!tpu.dma_semaphore, #tpu.memory_space<semaphore_mem>>)
      } else {
      }
      %add3A_250 = arith.constant 240 : i32
      %add3A_251 = arith.addi %add3A, %add3A_250 : i32
      %mul3A_252 = arith.constant 2000 : i32
      %mul3A_253 = arith.muli %add3A_251, %mul3A_252 : i32
      %dma_wait3A = arith.constant 1 : i32
      %dma_wait3A_254 = arith.constant 0 : i32
      %dma_wait3A_255 = tpu.memref_slice %arg2[%mul3A_253, %dma_wait3A_254] : memref<1000000x16xf32, #tpu.memory_space<hbm>> -> memref<2000x16xf32, #tpu.memory_space<hbm>>
      %dma_wait3A_256 = tpu.memref_slice %arg6[%dma_wait3A] : memref<2x!tpu.dma_semaphore, #tpu.memory_space<semaphore_mem>> -> memref<1x!tpu.dma_semaphore, #tpu.memory_space<semaphore_mem>>
      %dma_wait3A_257 = tpu.memref_squeeze %dma_wait3A_256 : memref<1x!tpu.dma_semaphore, #tpu.memory_space<semaphore_mem>> -> memref<!tpu.dma_semaphore, #tpu.memory_space<semaphore_mem>>
      %dma_wait3A_258 = arith.constant 0 : i32
      %dma_wait3A_259 = tpu.memref_slice %arg2[%mul3A_253, %dma_wait3A_258] : memref<1000000x16xf32, #tpu.memory_space<hbm>> -> memref<2000x16xf32, #tpu.memory_space<hbm>>
      tpu.wait_dma2 semaphore(%dma_wait3A_257 : memref<!tpu.dma_semaphore, #tpu.memory_space<semaphore_mem>>) src(%dma_wait3A_259 : memref<2000x16xf32, #tpu.memory_space<hbm>>) dst(%arg5 : memref<2000x16xf32, #tpu.memory_space<vmem>>)
      %add3A_260 = arith.constant 240 : i32
      %add3A_261 = arith.addi %add3A, %add3A_260 : i32
      %mul3A_262 = arith.constant 2000 : i32
      %mul3A_263 = arith.muli %add3A_261, %mul3A_262 : i32
      %dma_start3A = arith.constant 1 : i32
      %dma_start3A_264 = arith.constant 0 : i32
      %dma_start3A_265 = tpu.memref_slice %arg3[%mul3A_263, %dma_start3A_264] : memref<1000000x16xf32, #tpu.memory_space<hbm>> -> memref<2000x16xf32, #tpu.memory_space<hbm>>
      %dma_start3A_266 = tpu.memref_slice %arg7[%dma_start3A] : memref<2x!tpu.dma_semaphore, #tpu.memory_space<semaphore_mem>> -> memref<1x!tpu.dma_semaphore, #tpu.memory_space<semaphore_mem>>
      %dma_start3A_267 = tpu.memref_squeeze %dma_start3A_266 : memref<1x!tpu.dma_semaphore, #tpu.memory_space<semaphore_mem>> -> memref<!tpu.dma_semaphore, #tpu.memory_space<semaphore_mem>>
      %dma_start3A_268 = arith.constant 0 : i32
      %dma_start3A_269 = tpu.memref_slice %arg3[%mul3A_263, %dma_start3A_268] : memref<1000000x16xf32, #tpu.memory_space<hbm>> -> memref<2000x16xf32, #tpu.memory_space<hbm>>
      tpu.enqueue_dma source(%arg5 : memref<2000x16xf32, #tpu.memory_space<vmem>>) target(%dma_start3A_269 : memref<2000x16xf32, #tpu.memory_space<hbm>>) target_semaphore(%dma_start3A_267 : memref<!tpu.dma_semaphore, #tpu.memory_space<semaphore_mem>>)
    } else {
    }
    %add3A_117 = arith.constant 256 : i32
    %add3A_118 = arith.addi %add3A, %add3A_117 : i32
    %lt3A_119 = arith.constant 500 : i32
    %lt3A_120 = arith.cmpi slt, %add3A_118, %lt3A_119 : i32
    %convert_element_type3A_121 = arith.extui %lt3A_120 : i1 to i32
    %cond3A_122 = arith.constant 0 : i32
    %cond3A_123 = arith.cmpi ne, %convert_element_type3A_121, %cond3A_122 : i32
    scf.if %cond3A_123 {
      %add3A_243 = arith.constant 272 : i32
      %add3A_244 = arith.addi %add3A, %add3A_243 : i32
      %lt3A_245 = arith.constant 500 : i32
      %lt3A_246 = arith.cmpi slt, %add3A_244, %lt3A_245 : i32
      %convert_element_type3A_247 = arith.extui %lt3A_246 : i1 to i32
      %cond3A_248 = arith.constant 0 : i32
      %cond3A_249 = arith.cmpi ne, %convert_element_type3A_247, %cond3A_248 : i32
      scf.if %cond3A_249 {
        %add3A_270 = arith.constant 240 : i32
        %add3A_271 = arith.addi %add3A, %add3A_270 : i32
        %mul3A_272 = arith.constant 2000 : i32
        %mul3A_273 = arith.muli %add3A_271, %mul3A_272 : i32
        %dma_wait3A_274 = arith.constant 1 : i32
        %dma_wait3A_275 = arith.constant 0 : i32
        %dma_wait3A_276 = tpu.memref_slice %arg3[%mul3A_273, %dma_wait3A_275] : memref<1000000x16xf32, #tpu.memory_space<hbm>> -> memref<2000x16xf32, #tpu.memory_space<hbm>>
        %dma_wait3A_277 = tpu.memref_slice %arg7[%dma_wait3A_274] : memref<2x!tpu.dma_semaphore, #tpu.memory_space<semaphore_mem>> -> memref<1x!tpu.dma_semaphore, #tpu.memory_space<semaphore_mem>>
        %dma_wait3A_278 = tpu.memref_squeeze %dma_wait3A_277 : memref<1x!tpu.dma_semaphore, #tpu.memory_space<semaphore_mem>> -> memref<!tpu.dma_semaphore, #tpu.memory_space<semaphore_mem>>
        %dma_wait3A_279 = arith.constant 0 : i32
        %dma_wait3A_280 = tpu.memref_slice %arg3[%mul3A_273, %dma_wait3A_279] : memref<1000000x16xf32, #tpu.memory_space<hbm>> -> memref<2000x16xf32, #tpu.memory_space<hbm>>
        tpu.wait_dma2 semaphore(%dma_wait3A_278 : memref<!tpu.dma_semaphore, #tpu.memory_space<semaphore_mem>>) src(%arg5 : memref<2000x16xf32, #tpu.memory_space<vmem>>) dst(%dma_wait3A_280 : memref<2000x16xf32, #tpu.memory_space<hbm>>)
        %add3A_281 = arith.constant 272 : i32
        %add3A_282 = arith.addi %add3A, %add3A_281 : i32
        %mul3A_283 = arith.constant 2000 : i32
        %mul3A_284 = arith.muli %add3A_282, %mul3A_283 : i32
        %dma_start3A_285 = arith.constant 1 : i32
        %dma_start3A_286 = arith.constant 0 : i32
        %dma_start3A_287 = tpu.memref_slice %arg2[%mul3A_284, %dma_start3A_286] : memref<1000000x16xf32, #tpu.memory_space<hbm>> -> memref<2000x16xf32, #tpu.memory_space<hbm>>
        %dma_start3A_288 = tpu.memref_slice %arg6[%dma_start3A_285] : memref<2x!tpu.dma_semaphore, #tpu.memory_space<semaphore_mem>> -> memref<1x!tpu.dma_semaphore, #tpu.memory_space<semaphore_mem>>
        %dma_start3A_289 = tpu.memref_squeeze %dma_start3A_288 : memref<1x!tpu.dma_semaphore, #tpu.memory_space<semaphore_mem>> -> memref<!tpu.dma_semaphore, #tpu.memory_space<semaphore_mem>>
        %dma_start3A_290 = arith.constant 0 : i32
        %dma_start3A_291 = tpu.memref_slice %arg2[%mul3A_284, %dma_start3A_290] : memref<1000000x16xf32, #tpu.memory_space<hbm>> -> memref<2000x16xf32, #tpu.memory_space<hbm>>
        tpu.enqueue_dma source(%dma_start3A_291 : memref<2000x16xf32, #tpu.memory_space<hbm>>) target(%arg5 : memref<2000x16xf32, #tpu.memory_space<vmem>>) target_semaphore(%dma_start3A_289 : memref<!tpu.dma_semaphore, #tpu.memory_space<semaphore_mem>>)
      } else {
      }
      %add3A_250 = arith.constant 256 : i32
      %add3A_251 = arith.addi %add3A, %add3A_250 : i32
      %mul3A_252 = arith.constant 2000 : i32
      %mul3A_253 = arith.muli %add3A_251, %mul3A_252 : i32
      %dma_wait3A = arith.constant 0 : i32
      %dma_wait3A_254 = arith.constant 0 : i32
      %dma_wait3A_255 = tpu.memref_slice %arg2[%mul3A_253, %dma_wait3A_254] : memref<1000000x16xf32, #tpu.memory_space<hbm>> -> memref<2000x16xf32, #tpu.memory_space<hbm>>
      %dma_wait3A_256 = tpu.memref_slice %arg6[%dma_wait3A] : memref<2x!tpu.dma_semaphore, #tpu.memory_space<semaphore_mem>> -> memref<1x!tpu.dma_semaphore, #tpu.memory_space<semaphore_mem>>
      %dma_wait3A_257 = tpu.memref_squeeze %dma_wait3A_256 : memref<1x!tpu.dma_semaphore, #tpu.memory_space<semaphore_mem>> -> memref<!tpu.dma_semaphore, #tpu.memory_space<semaphore_mem>>
      %dma_wait3A_258 = arith.constant 0 : i32
      %dma_wait3A_259 = tpu.memref_slice %arg2[%mul3A_253, %dma_wait3A_258] : memref<1000000x16xf32, #tpu.memory_space<hbm>> -> memref<2000x16xf32, #tpu.memory_space<hbm>>
      tpu.wait_dma2 semaphore(%dma_wait3A_257 : memref<!tpu.dma_semaphore, #tpu.memory_space<semaphore_mem>>) src(%dma_wait3A_259 : memref<2000x16xf32, #tpu.memory_space<hbm>>) dst(%arg4 : memref<2000x16xf32, #tpu.memory_space<vmem>>)
      %add3A_260 = arith.constant 256 : i32
      %add3A_261 = arith.addi %add3A, %add3A_260 : i32
      %mul3A_262 = arith.constant 2000 : i32
      %mul3A_263 = arith.muli %add3A_261, %mul3A_262 : i32
      %dma_start3A = arith.constant 0 : i32
      %dma_start3A_264 = arith.constant 0 : i32
      %dma_start3A_265 = tpu.memref_slice %arg3[%mul3A_263, %dma_start3A_264] : memref<1000000x16xf32, #tpu.memory_space<hbm>> -> memref<2000x16xf32, #tpu.memory_space<hbm>>
      %dma_start3A_266 = tpu.memref_slice %arg7[%dma_start3A] : memref<2x!tpu.dma_semaphore, #tpu.memory_space<semaphore_mem>> -> memref<1x!tpu.dma_semaphore, #tpu.memory_space<semaphore_mem>>
      %dma_start3A_267 = tpu.memref_squeeze %dma_start3A_266 : memref<1x!tpu.dma_semaphore, #tpu.memory_space<semaphore_mem>> -> memref<!tpu.dma_semaphore, #tpu.memory_space<semaphore_mem>>
      %dma_start3A_268 = arith.constant 0 : i32
      %dma_start3A_269 = tpu.memref_slice %arg3[%mul3A_263, %dma_start3A_268] : memref<1000000x16xf32, #tpu.memory_space<hbm>> -> memref<2000x16xf32, #tpu.memory_space<hbm>>
      tpu.enqueue_dma source(%arg4 : memref<2000x16xf32, #tpu.memory_space<vmem>>) target(%dma_start3A_269 : memref<2000x16xf32, #tpu.memory_space<hbm>>) target_semaphore(%dma_start3A_267 : memref<!tpu.dma_semaphore, #tpu.memory_space<semaphore_mem>>)
    } else {
    }
    %add3A_124 = arith.constant 272 : i32
    %add3A_125 = arith.addi %add3A, %add3A_124 : i32
    %lt3A_126 = arith.constant 500 : i32
    %lt3A_127 = arith.cmpi slt, %add3A_125, %lt3A_126 : i32
    %convert_element_type3A_128 = arith.extui %lt3A_127 : i1 to i32
    %cond3A_129 = arith.constant 0 : i32
    %cond3A_130 = arith.cmpi ne, %convert_element_type3A_128, %cond3A_129 : i32
    scf.if %cond3A_130 {
      %add3A_243 = arith.constant 288 : i32
      %add3A_244 = arith.addi %add3A, %add3A_243 : i32
      %lt3A_245 = arith.constant 500 : i32
      %lt3A_246 = arith.cmpi slt, %add3A_244, %lt3A_245 : i32
      %convert_element_type3A_247 = arith.extui %lt3A_246 : i1 to i32
      %cond3A_248 = arith.constant 0 : i32
      %cond3A_249 = arith.cmpi ne, %convert_element_type3A_247, %cond3A_248 : i32
      scf.if %cond3A_249 {
        %add3A_270 = arith.constant 256 : i32
        %add3A_271 = arith.addi %add3A, %add3A_270 : i32
        %mul3A_272 = arith.constant 2000 : i32
        %mul3A_273 = arith.muli %add3A_271, %mul3A_272 : i32
        %dma_wait3A_274 = arith.constant 0 : i32
        %dma_wait3A_275 = arith.constant 0 : i32
        %dma_wait3A_276 = tpu.memref_slice %arg3[%mul3A_273, %dma_wait3A_275] : memref<1000000x16xf32, #tpu.memory_space<hbm>> -> memref<2000x16xf32, #tpu.memory_space<hbm>>
        %dma_wait3A_277 = tpu.memref_slice %arg7[%dma_wait3A_274] : memref<2x!tpu.dma_semaphore, #tpu.memory_space<semaphore_mem>> -> memref<1x!tpu.dma_semaphore, #tpu.memory_space<semaphore_mem>>
        %dma_wait3A_278 = tpu.memref_squeeze %dma_wait3A_277 : memref<1x!tpu.dma_semaphore, #tpu.memory_space<semaphore_mem>> -> memref<!tpu.dma_semaphore, #tpu.memory_space<semaphore_mem>>
        %dma_wait3A_279 = arith.constant 0 : i32
        %dma_wait3A_280 = tpu.memref_slice %arg3[%mul3A_273, %dma_wait3A_279] : memref<1000000x16xf32, #tpu.memory_space<hbm>> -> memref<2000x16xf32, #tpu.memory_space<hbm>>
        tpu.wait_dma2 semaphore(%dma_wait3A_278 : memref<!tpu.dma_semaphore, #tpu.memory_space<semaphore_mem>>) src(%arg4 : memref<2000x16xf32, #tpu.memory_space<vmem>>) dst(%dma_wait3A_280 : memref<2000x16xf32, #tpu.memory_space<hbm>>)
        %add3A_281 = arith.constant 288 : i32
        %add3A_282 = arith.addi %add3A, %add3A_281 : i32
        %mul3A_283 = arith.constant 2000 : i32
        %mul3A_284 = arith.muli %add3A_282, %mul3A_283 : i32
        %dma_start3A_285 = arith.constant 0 : i32
        %dma_start3A_286 = arith.constant 0 : i32
        %dma_start3A_287 = tpu.memref_slice %arg2[%mul3A_284, %dma_start3A_286] : memref<1000000x16xf32, #tpu.memory_space<hbm>> -> memref<2000x16xf32, #tpu.memory_space<hbm>>
        %dma_start3A_288 = tpu.memref_slice %arg6[%dma_start3A_285] : memref<2x!tpu.dma_semaphore, #tpu.memory_space<semaphore_mem>> -> memref<1x!tpu.dma_semaphore, #tpu.memory_space<semaphore_mem>>
        %dma_start3A_289 = tpu.memref_squeeze %dma_start3A_288 : memref<1x!tpu.dma_semaphore, #tpu.memory_space<semaphore_mem>> -> memref<!tpu.dma_semaphore, #tpu.memory_space<semaphore_mem>>
        %dma_start3A_290 = arith.constant 0 : i32
        %dma_start3A_291 = tpu.memref_slice %arg2[%mul3A_284, %dma_start3A_290] : memref<1000000x16xf32, #tpu.memory_space<hbm>> -> memref<2000x16xf32, #tpu.memory_space<hbm>>
        tpu.enqueue_dma source(%dma_start3A_291 : memref<2000x16xf32, #tpu.memory_space<hbm>>) target(%arg4 : memref<2000x16xf32, #tpu.memory_space<vmem>>) target_semaphore(%dma_start3A_289 : memref<!tpu.dma_semaphore, #tpu.memory_space<semaphore_mem>>)
      } else {
      }
      %add3A_250 = arith.constant 272 : i32
      %add3A_251 = arith.addi %add3A, %add3A_250 : i32
      %mul3A_252 = arith.constant 2000 : i32
      %mul3A_253 = arith.muli %add3A_251, %mul3A_252 : i32
      %dma_wait3A = arith.constant 1 : i32
      %dma_wait3A_254 = arith.constant 0 : i32
      %dma_wait3A_255 = tpu.memref_slice %arg2[%mul3A_253, %dma_wait3A_254] : memref<1000000x16xf32, #tpu.memory_space<hbm>> -> memref<2000x16xf32, #tpu.memory_space<hbm>>
      %dma_wait3A_256 = tpu.memref_slice %arg6[%dma_wait3A] : memref<2x!tpu.dma_semaphore, #tpu.memory_space<semaphore_mem>> -> memref<1x!tpu.dma_semaphore, #tpu.memory_space<semaphore_mem>>
      %dma_wait3A_257 = tpu.memref_squeeze %dma_wait3A_256 : memref<1x!tpu.dma_semaphore, #tpu.memory_space<semaphore_mem>> -> memref<!tpu.dma_semaphore, #tpu.memory_space<semaphore_mem>>
      %dma_wait3A_258 = arith.constant 0 : i32
      %dma_wait3A_259 = tpu.memref_slice %arg2[%mul3A_253, %dma_wait3A_258] : memref<1000000x16xf32, #tpu.memory_space<hbm>> -> memref<2000x16xf32, #tpu.memory_space<hbm>>
      tpu.wait_dma2 semaphore(%dma_wait3A_257 : memref<!tpu.dma_semaphore, #tpu.memory_space<semaphore_mem>>) src(%dma_wait3A_259 : memref<2000x16xf32, #tpu.memory_space<hbm>>) dst(%arg5 : memref<2000x16xf32, #tpu.memory_space<vmem>>)
      %add3A_260 = arith.constant 272 : i32
      %add3A_261 = arith.addi %add3A, %add3A_260 : i32
      %mul3A_262 = arith.constant 2000 : i32
      %mul3A_263 = arith.muli %add3A_261, %mul3A_262 : i32
      %dma_start3A = arith.constant 1 : i32
      %dma_start3A_264 = arith.constant 0 : i32
      %dma_start3A_265 = tpu.memref_slice %arg3[%mul3A_263, %dma_start3A_264] : memref<1000000x16xf32, #tpu.memory_space<hbm>> -> memref<2000x16xf32, #tpu.memory_space<hbm>>
      %dma_start3A_266 = tpu.memref_slice %arg7[%dma_start3A] : memref<2x!tpu.dma_semaphore, #tpu.memory_space<semaphore_mem>> -> memref<1x!tpu.dma_semaphore, #tpu.memory_space<semaphore_mem>>
      %dma_start3A_267 = tpu.memref_squeeze %dma_start3A_266 : memref<1x!tpu.dma_semaphore, #tpu.memory_space<semaphore_mem>> -> memref<!tpu.dma_semaphore, #tpu.memory_space<semaphore_mem>>
      %dma_start3A_268 = arith.constant 0 : i32
      %dma_start3A_269 = tpu.memref_slice %arg3[%mul3A_263, %dma_start3A_268] : memref<1000000x16xf32, #tpu.memory_space<hbm>> -> memref<2000x16xf32, #tpu.memory_space<hbm>>
      tpu.enqueue_dma source(%arg5 : memref<2000x16xf32, #tpu.memory_space<vmem>>) target(%dma_start3A_269 : memref<2000x16xf32, #tpu.memory_space<hbm>>) target_semaphore(%dma_start3A_267 : memref<!tpu.dma_semaphore, #tpu.memory_space<semaphore_mem>>)
    } else {
    }
    %add3A_131 = arith.constant 288 : i32
    %add3A_132 = arith.addi %add3A, %add3A_131 : i32
    %lt3A_133 = arith.constant 500 : i32
    %lt3A_134 = arith.cmpi slt, %add3A_132, %lt3A_133 : i32
    %convert_element_type3A_135 = arith.extui %lt3A_134 : i1 to i32
    %cond3A_136 = arith.constant 0 : i32
    %cond3A_137 = arith.cmpi ne, %convert_element_type3A_135, %cond3A_136 : i32
    scf.if %cond3A_137 {
      %add3A_243 = arith.constant 304 : i32
      %add3A_244 = arith.addi %add3A, %add3A_243 : i32
      %lt3A_245 = arith.constant 500 : i32
      %lt3A_246 = arith.cmpi slt, %add3A_244, %lt3A_245 : i32
      %convert_element_type3A_247 = arith.extui %lt3A_246 : i1 to i32
      %cond3A_248 = arith.constant 0 : i32
      %cond3A_249 = arith.cmpi ne, %convert_element_type3A_247, %cond3A_248 : i32
      scf.if %cond3A_249 {
        %add3A_270 = arith.constant 272 : i32
        %add3A_271 = arith.addi %add3A, %add3A_270 : i32
        %mul3A_272 = arith.constant 2000 : i32
        %mul3A_273 = arith.muli %add3A_271, %mul3A_272 : i32
        %dma_wait3A_274 = arith.constant 1 : i32
        %dma_wait3A_275 = arith.constant 0 : i32
        %dma_wait3A_276 = tpu.memref_slice %arg3[%mul3A_273, %dma_wait3A_275] : memref<1000000x16xf32, #tpu.memory_space<hbm>> -> memref<2000x16xf32, #tpu.memory_space<hbm>>
        %dma_wait3A_277 = tpu.memref_slice %arg7[%dma_wait3A_274] : memref<2x!tpu.dma_semaphore, #tpu.memory_space<semaphore_mem>> -> memref<1x!tpu.dma_semaphore, #tpu.memory_space<semaphore_mem>>
        %dma_wait3A_278 = tpu.memref_squeeze %dma_wait3A_277 : memref<1x!tpu.dma_semaphore, #tpu.memory_space<semaphore_mem>> -> memref<!tpu.dma_semaphore, #tpu.memory_space<semaphore_mem>>
        %dma_wait3A_279 = arith.constant 0 : i32
        %dma_wait3A_280 = tpu.memref_slice %arg3[%mul3A_273, %dma_wait3A_279] : memref<1000000x16xf32, #tpu.memory_space<hbm>> -> memref<2000x16xf32, #tpu.memory_space<hbm>>
        tpu.wait_dma2 semaphore(%dma_wait3A_278 : memref<!tpu.dma_semaphore, #tpu.memory_space<semaphore_mem>>) src(%arg5 : memref<2000x16xf32, #tpu.memory_space<vmem>>) dst(%dma_wait3A_280 : memref<2000x16xf32, #tpu.memory_space<hbm>>)
        %add3A_281 = arith.constant 304 : i32
        %add3A_282 = arith.addi %add3A, %add3A_281 : i32
        %mul3A_283 = arith.constant 2000 : i32
        %mul3A_284 = arith.muli %add3A_282, %mul3A_283 : i32
        %dma_start3A_285 = arith.constant 1 : i32
        %dma_start3A_286 = arith.constant 0 : i32
        %dma_start3A_287 = tpu.memref_slice %arg2[%mul3A_284, %dma_start3A_286] : memref<1000000x16xf32, #tpu.memory_space<hbm>> -> memref<2000x16xf32, #tpu.memory_space<hbm>>
        %dma_start3A_288 = tpu.memref_slice %arg6[%dma_start3A_285] : memref<2x!tpu.dma_semaphore, #tpu.memory_space<semaphore_mem>> -> memref<1x!tpu.dma_semaphore, #tpu.memory_space<semaphore_mem>>
        %dma_start3A_289 = tpu.memref_squeeze %dma_start3A_288 : memref<1x!tpu.dma_semaphore, #tpu.memory_space<semaphore_mem>> -> memref<!tpu.dma_semaphore, #tpu.memory_space<semaphore_mem>>
        %dma_start3A_290 = arith.constant 0 : i32
        %dma_start3A_291 = tpu.memref_slice %arg2[%mul3A_284, %dma_start3A_290] : memref<1000000x16xf32, #tpu.memory_space<hbm>> -> memref<2000x16xf32, #tpu.memory_space<hbm>>
        tpu.enqueue_dma source(%dma_start3A_291 : memref<2000x16xf32, #tpu.memory_space<hbm>>) target(%arg5 : memref<2000x16xf32, #tpu.memory_space<vmem>>) target_semaphore(%dma_start3A_289 : memref<!tpu.dma_semaphore, #tpu.memory_space<semaphore_mem>>)
      } else {
      }
      %add3A_250 = arith.constant 288 : i32
      %add3A_251 = arith.addi %add3A, %add3A_250 : i32
      %mul3A_252 = arith.constant 2000 : i32
      %mul3A_253 = arith.muli %add3A_251, %mul3A_252 : i32
      %dma_wait3A = arith.constant 0 : i32
      %dma_wait3A_254 = arith.constant 0 : i32
      %dma_wait3A_255 = tpu.memref_slice %arg2[%mul3A_253, %dma_wait3A_254] : memref<1000000x16xf32, #tpu.memory_space<hbm>> -> memref<2000x16xf32, #tpu.memory_space<hbm>>
      %dma_wait3A_256 = tpu.memref_slice %arg6[%dma_wait3A] : memref<2x!tpu.dma_semaphore, #tpu.memory_space<semaphore_mem>> -> memref<1x!tpu.dma_semaphore, #tpu.memory_space<semaphore_mem>>
      %dma_wait3A_257 = tpu.memref_squeeze %dma_wait3A_256 : memref<1x!tpu.dma_semaphore, #tpu.memory_space<semaphore_mem>> -> memref<!tpu.dma_semaphore, #tpu.memory_space<semaphore_mem>>
      %dma_wait3A_258 = arith.constant 0 : i32
      %dma_wait3A_259 = tpu.memref_slice %arg2[%mul3A_253, %dma_wait3A_258] : memref<1000000x16xf32, #tpu.memory_space<hbm>> -> memref<2000x16xf32, #tpu.memory_space<hbm>>
      tpu.wait_dma2 semaphore(%dma_wait3A_257 : memref<!tpu.dma_semaphore, #tpu.memory_space<semaphore_mem>>) src(%dma_wait3A_259 : memref<2000x16xf32, #tpu.memory_space<hbm>>) dst(%arg4 : memref<2000x16xf32, #tpu.memory_space<vmem>>)
      %add3A_260 = arith.constant 288 : i32
      %add3A_261 = arith.addi %add3A, %add3A_260 : i32
      %mul3A_262 = arith.constant 2000 : i32
      %mul3A_263 = arith.muli %add3A_261, %mul3A_262 : i32
      %dma_start3A = arith.constant 0 : i32
      %dma_start3A_264 = arith.constant 0 : i32
      %dma_start3A_265 = tpu.memref_slice %arg3[%mul3A_263, %dma_start3A_264] : memref<1000000x16xf32, #tpu.memory_space<hbm>> -> memref<2000x16xf32, #tpu.memory_space<hbm>>
      %dma_start3A_266 = tpu.memref_slice %arg7[%dma_start3A] : memref<2x!tpu.dma_semaphore, #tpu.memory_space<semaphore_mem>> -> memref<1x!tpu.dma_semaphore, #tpu.memory_space<semaphore_mem>>
      %dma_start3A_267 = tpu.memref_squeeze %dma_start3A_266 : memref<1x!tpu.dma_semaphore, #tpu.memory_space<semaphore_mem>> -> memref<!tpu.dma_semaphore, #tpu.memory_space<semaphore_mem>>
      %dma_start3A_268 = arith.constant 0 : i32
      %dma_start3A_269 = tpu.memref_slice %arg3[%mul3A_263, %dma_start3A_268] : memref<1000000x16xf32, #tpu.memory_space<hbm>> -> memref<2000x16xf32, #tpu.memory_space<hbm>>
      tpu.enqueue_dma source(%arg4 : memref<2000x16xf32, #tpu.memory_space<vmem>>) target(%dma_start3A_269 : memref<2000x16xf32, #tpu.memory_space<hbm>>) target_semaphore(%dma_start3A_267 : memref<!tpu.dma_semaphore, #tpu.memory_space<semaphore_mem>>)
    } else {
    }
    %add3A_138 = arith.constant 304 : i32
    %add3A_139 = arith.addi %add3A, %add3A_138 : i32
    %lt3A_140 = arith.constant 500 : i32
    %lt3A_141 = arith.cmpi slt, %add3A_139, %lt3A_140 : i32
    %convert_element_type3A_142 = arith.extui %lt3A_141 : i1 to i32
    %cond3A_143 = arith.constant 0 : i32
    %cond3A_144 = arith.cmpi ne, %convert_element_type3A_142, %cond3A_143 : i32
    scf.if %cond3A_144 {
      %add3A_243 = arith.constant 320 : i32
      %add3A_244 = arith.addi %add3A, %add3A_243 : i32
      %lt3A_245 = arith.constant 500 : i32
      %lt3A_246 = arith.cmpi slt, %add3A_244, %lt3A_245 : i32
      %convert_element_type3A_247 = arith.extui %lt3A_246 : i1 to i32
      %cond3A_248 = arith.constant 0 : i32
      %cond3A_249 = arith.cmpi ne, %convert_element_type3A_247, %cond3A_248 : i32
      scf.if %cond3A_249 {
        %add3A_270 = arith.constant 288 : i32
        %add3A_271 = arith.addi %add3A, %add3A_270 : i32
        %mul3A_272 = arith.constant 2000 : i32
        %mul3A_273 = arith.muli %add3A_271, %mul3A_272 : i32
        %dma_wait3A_274 = arith.constant 0 : i32
        %dma_wait3A_275 = arith.constant 0 : i32
        %dma_wait3A_276 = tpu.memref_slice %arg3[%mul3A_273, %dma_wait3A_275] : memref<1000000x16xf32, #tpu.memory_space<hbm>> -> memref<2000x16xf32, #tpu.memory_space<hbm>>
        %dma_wait3A_277 = tpu.memref_slice %arg7[%dma_wait3A_274] : memref<2x!tpu.dma_semaphore, #tpu.memory_space<semaphore_mem>> -> memref<1x!tpu.dma_semaphore, #tpu.memory_space<semaphore_mem>>
        %dma_wait3A_278 = tpu.memref_squeeze %dma_wait3A_277 : memref<1x!tpu.dma_semaphore, #tpu.memory_space<semaphore_mem>> -> memref<!tpu.dma_semaphore, #tpu.memory_space<semaphore_mem>>
        %dma_wait3A_279 = arith.constant 0 : i32
        %dma_wait3A_280 = tpu.memref_slice %arg3[%mul3A_273, %dma_wait3A_279] : memref<1000000x16xf32, #tpu.memory_space<hbm>> -> memref<2000x16xf32, #tpu.memory_space<hbm>>
        tpu.wait_dma2 semaphore(%dma_wait3A_278 : memref<!tpu.dma_semaphore, #tpu.memory_space<semaphore_mem>>) src(%arg4 : memref<2000x16xf32, #tpu.memory_space<vmem>>) dst(%dma_wait3A_280 : memref<2000x16xf32, #tpu.memory_space<hbm>>)
        %add3A_281 = arith.constant 320 : i32
        %add3A_282 = arith.addi %add3A, %add3A_281 : i32
        %mul3A_283 = arith.constant 2000 : i32
        %mul3A_284 = arith.muli %add3A_282, %mul3A_283 : i32
        %dma_start3A_285 = arith.constant 0 : i32
        %dma_start3A_286 = arith.constant 0 : i32
        %dma_start3A_287 = tpu.memref_slice %arg2[%mul3A_284, %dma_start3A_286] : memref<1000000x16xf32, #tpu.memory_space<hbm>> -> memref<2000x16xf32, #tpu.memory_space<hbm>>
        %dma_start3A_288 = tpu.memref_slice %arg6[%dma_start3A_285] : memref<2x!tpu.dma_semaphore, #tpu.memory_space<semaphore_mem>> -> memref<1x!tpu.dma_semaphore, #tpu.memory_space<semaphore_mem>>
        %dma_start3A_289 = tpu.memref_squeeze %dma_start3A_288 : memref<1x!tpu.dma_semaphore, #tpu.memory_space<semaphore_mem>> -> memref<!tpu.dma_semaphore, #tpu.memory_space<semaphore_mem>>
        %dma_start3A_290 = arith.constant 0 : i32
        %dma_start3A_291 = tpu.memref_slice %arg2[%mul3A_284, %dma_start3A_290] : memref<1000000x16xf32, #tpu.memory_space<hbm>> -> memref<2000x16xf32, #tpu.memory_space<hbm>>
        tpu.enqueue_dma source(%dma_start3A_291 : memref<2000x16xf32, #tpu.memory_space<hbm>>) target(%arg4 : memref<2000x16xf32, #tpu.memory_space<vmem>>) target_semaphore(%dma_start3A_289 : memref<!tpu.dma_semaphore, #tpu.memory_space<semaphore_mem>>)
      } else {
      }
      %add3A_250 = arith.constant 304 : i32
      %add3A_251 = arith.addi %add3A, %add3A_250 : i32
      %mul3A_252 = arith.constant 2000 : i32
      %mul3A_253 = arith.muli %add3A_251, %mul3A_252 : i32
      %dma_wait3A = arith.constant 1 : i32
      %dma_wait3A_254 = arith.constant 0 : i32
      %dma_wait3A_255 = tpu.memref_slice %arg2[%mul3A_253, %dma_wait3A_254] : memref<1000000x16xf32, #tpu.memory_space<hbm>> -> memref<2000x16xf32, #tpu.memory_space<hbm>>
      %dma_wait3A_256 = tpu.memref_slice %arg6[%dma_wait3A] : memref<2x!tpu.dma_semaphore, #tpu.memory_space<semaphore_mem>> -> memref<1x!tpu.dma_semaphore, #tpu.memory_space<semaphore_mem>>
      %dma_wait3A_257 = tpu.memref_squeeze %dma_wait3A_256 : memref<1x!tpu.dma_semaphore, #tpu.memory_space<semaphore_mem>> -> memref<!tpu.dma_semaphore, #tpu.memory_space<semaphore_mem>>
      %dma_wait3A_258 = arith.constant 0 : i32
      %dma_wait3A_259 = tpu.memref_slice %arg2[%mul3A_253, %dma_wait3A_258] : memref<1000000x16xf32, #tpu.memory_space<hbm>> -> memref<2000x16xf32, #tpu.memory_space<hbm>>
      tpu.wait_dma2 semaphore(%dma_wait3A_257 : memref<!tpu.dma_semaphore, #tpu.memory_space<semaphore_mem>>) src(%dma_wait3A_259 : memref<2000x16xf32, #tpu.memory_space<hbm>>) dst(%arg5 : memref<2000x16xf32, #tpu.memory_space<vmem>>)
      %add3A_260 = arith.constant 304 : i32
      %add3A_261 = arith.addi %add3A, %add3A_260 : i32
      %mul3A_262 = arith.constant 2000 : i32
      %mul3A_263 = arith.muli %add3A_261, %mul3A_262 : i32
      %dma_start3A = arith.constant 1 : i32
      %dma_start3A_264 = arith.constant 0 : i32
      %dma_start3A_265 = tpu.memref_slice %arg3[%mul3A_263, %dma_start3A_264] : memref<1000000x16xf32, #tpu.memory_space<hbm>> -> memref<2000x16xf32, #tpu.memory_space<hbm>>
      %dma_start3A_266 = tpu.memref_slice %arg7[%dma_start3A] : memref<2x!tpu.dma_semaphore, #tpu.memory_space<semaphore_mem>> -> memref<1x!tpu.dma_semaphore, #tpu.memory_space<semaphore_mem>>
      %dma_start3A_267 = tpu.memref_squeeze %dma_start3A_266 : memref<1x!tpu.dma_semaphore, #tpu.memory_space<semaphore_mem>> -> memref<!tpu.dma_semaphore, #tpu.memory_space<semaphore_mem>>
      %dma_start3A_268 = arith.constant 0 : i32
      %dma_start3A_269 = tpu.memref_slice %arg3[%mul3A_263, %dma_start3A_268] : memref<1000000x16xf32, #tpu.memory_space<hbm>> -> memref<2000x16xf32, #tpu.memory_space<hbm>>
      tpu.enqueue_dma source(%arg5 : memref<2000x16xf32, #tpu.memory_space<vmem>>) target(%dma_start3A_269 : memref<2000x16xf32, #tpu.memory_space<hbm>>) target_semaphore(%dma_start3A_267 : memref<!tpu.dma_semaphore, #tpu.memory_space<semaphore_mem>>)
    } else {
    }
    %add3A_145 = arith.constant 320 : i32
    %add3A_146 = arith.addi %add3A, %add3A_145 : i32
    %lt3A_147 = arith.constant 500 : i32
    %lt3A_148 = arith.cmpi slt, %add3A_146, %lt3A_147 : i32
    %convert_element_type3A_149 = arith.extui %lt3A_148 : i1 to i32
    %cond3A_150 = arith.constant 0 : i32
    %cond3A_151 = arith.cmpi ne, %convert_element_type3A_149, %cond3A_150 : i32
    scf.if %cond3A_151 {
      %add3A_243 = arith.constant 336 : i32
      %add3A_244 = arith.addi %add3A, %add3A_243 : i32
      %lt3A_245 = arith.constant 500 : i32
      %lt3A_246 = arith.cmpi slt, %add3A_244, %lt3A_245 : i32
      %convert_element_type3A_247 = arith.extui %lt3A_246 : i1 to i32
      %cond3A_248 = arith.constant 0 : i32
      %cond3A_249 = arith.cmpi ne, %convert_element_type3A_247, %cond3A_248 : i32
      scf.if %cond3A_249 {
        %add3A_270 = arith.constant 304 : i32
        %add3A_271 = arith.addi %add3A, %add3A_270 : i32
        %mul3A_272 = arith.constant 2000 : i32
        %mul3A_273 = arith.muli %add3A_271, %mul3A_272 : i32
        %dma_wait3A_274 = arith.constant 1 : i32
        %dma_wait3A_275 = arith.constant 0 : i32
        %dma_wait3A_276 = tpu.memref_slice %arg3[%mul3A_273, %dma_wait3A_275] : memref<1000000x16xf32, #tpu.memory_space<hbm>> -> memref<2000x16xf32, #tpu.memory_space<hbm>>
        %dma_wait3A_277 = tpu.memref_slice %arg7[%dma_wait3A_274] : memref<2x!tpu.dma_semaphore, #tpu.memory_space<semaphore_mem>> -> memref<1x!tpu.dma_semaphore, #tpu.memory_space<semaphore_mem>>
        %dma_wait3A_278 = tpu.memref_squeeze %dma_wait3A_277 : memref<1x!tpu.dma_semaphore, #tpu.memory_space<semaphore_mem>> -> memref<!tpu.dma_semaphore, #tpu.memory_space<semaphore_mem>>
        %dma_wait3A_279 = arith.constant 0 : i32
        %dma_wait3A_280 = tpu.memref_slice %arg3[%mul3A_273, %dma_wait3A_279] : memref<1000000x16xf32, #tpu.memory_space<hbm>> -> memref<2000x16xf32, #tpu.memory_space<hbm>>
        tpu.wait_dma2 semaphore(%dma_wait3A_278 : memref<!tpu.dma_semaphore, #tpu.memory_space<semaphore_mem>>) src(%arg5 : memref<2000x16xf32, #tpu.memory_space<vmem>>) dst(%dma_wait3A_280 : memref<2000x16xf32, #tpu.memory_space<hbm>>)
        %add3A_281 = arith.constant 336 : i32
        %add3A_282 = arith.addi %add3A, %add3A_281 : i32
        %mul3A_283 = arith.constant 2000 : i32
        %mul3A_284 = arith.muli %add3A_282, %mul3A_283 : i32
        %dma_start3A_285 = arith.constant 1 : i32
        %dma_start3A_286 = arith.constant 0 : i32
        %dma_start3A_287 = tpu.memref_slice %arg2[%mul3A_284, %dma_start3A_286] : memref<1000000x16xf32, #tpu.memory_space<hbm>> -> memref<2000x16xf32, #tpu.memory_space<hbm>>
        %dma_start3A_288 = tpu.memref_slice %arg6[%dma_start3A_285] : memref<2x!tpu.dma_semaphore, #tpu.memory_space<semaphore_mem>> -> memref<1x!tpu.dma_semaphore, #tpu.memory_space<semaphore_mem>>
        %dma_start3A_289 = tpu.memref_squeeze %dma_start3A_288 : memref<1x!tpu.dma_semaphore, #tpu.memory_space<semaphore_mem>> -> memref<!tpu.dma_semaphore, #tpu.memory_space<semaphore_mem>>
        %dma_start3A_290 = arith.constant 0 : i32
        %dma_start3A_291 = tpu.memref_slice %arg2[%mul3A_284, %dma_start3A_290] : memref<1000000x16xf32, #tpu.memory_space<hbm>> -> memref<2000x16xf32, #tpu.memory_space<hbm>>
        tpu.enqueue_dma source(%dma_start3A_291 : memref<2000x16xf32, #tpu.memory_space<hbm>>) target(%arg5 : memref<2000x16xf32, #tpu.memory_space<vmem>>) target_semaphore(%dma_start3A_289 : memref<!tpu.dma_semaphore, #tpu.memory_space<semaphore_mem>>)
      } else {
      }
      %add3A_250 = arith.constant 320 : i32
      %add3A_251 = arith.addi %add3A, %add3A_250 : i32
      %mul3A_252 = arith.constant 2000 : i32
      %mul3A_253 = arith.muli %add3A_251, %mul3A_252 : i32
      %dma_wait3A = arith.constant 0 : i32
      %dma_wait3A_254 = arith.constant 0 : i32
      %dma_wait3A_255 = tpu.memref_slice %arg2[%mul3A_253, %dma_wait3A_254] : memref<1000000x16xf32, #tpu.memory_space<hbm>> -> memref<2000x16xf32, #tpu.memory_space<hbm>>
      %dma_wait3A_256 = tpu.memref_slice %arg6[%dma_wait3A] : memref<2x!tpu.dma_semaphore, #tpu.memory_space<semaphore_mem>> -> memref<1x!tpu.dma_semaphore, #tpu.memory_space<semaphore_mem>>
      %dma_wait3A_257 = tpu.memref_squeeze %dma_wait3A_256 : memref<1x!tpu.dma_semaphore, #tpu.memory_space<semaphore_mem>> -> memref<!tpu.dma_semaphore, #tpu.memory_space<semaphore_mem>>
      %dma_wait3A_258 = arith.constant 0 : i32
      %dma_wait3A_259 = tpu.memref_slice %arg2[%mul3A_253, %dma_wait3A_258] : memref<1000000x16xf32, #tpu.memory_space<hbm>> -> memref<2000x16xf32, #tpu.memory_space<hbm>>
      tpu.wait_dma2 semaphore(%dma_wait3A_257 : memref<!tpu.dma_semaphore, #tpu.memory_space<semaphore_mem>>) src(%dma_wait3A_259 : memref<2000x16xf32, #tpu.memory_space<hbm>>) dst(%arg4 : memref<2000x16xf32, #tpu.memory_space<vmem>>)
      %add3A_260 = arith.constant 320 : i32
      %add3A_261 = arith.addi %add3A, %add3A_260 : i32
      %mul3A_262 = arith.constant 2000 : i32
      %mul3A_263 = arith.muli %add3A_261, %mul3A_262 : i32
      %dma_start3A = arith.constant 0 : i32
      %dma_start3A_264 = arith.constant 0 : i32
      %dma_start3A_265 = tpu.memref_slice %arg3[%mul3A_263, %dma_start3A_264] : memref<1000000x16xf32, #tpu.memory_space<hbm>> -> memref<2000x16xf32, #tpu.memory_space<hbm>>
      %dma_start3A_266 = tpu.memref_slice %arg7[%dma_start3A] : memref<2x!tpu.dma_semaphore, #tpu.memory_space<semaphore_mem>> -> memref<1x!tpu.dma_semaphore, #tpu.memory_space<semaphore_mem>>
      %dma_start3A_267 = tpu.memref_squeeze %dma_start3A_266 : memref<1x!tpu.dma_semaphore, #tpu.memory_space<semaphore_mem>> -> memref<!tpu.dma_semaphore, #tpu.memory_space<semaphore_mem>>
      %dma_start3A_268 = arith.constant 0 : i32
      %dma_start3A_269 = tpu.memref_slice %arg3[%mul3A_263, %dma_start3A_268] : memref<1000000x16xf32, #tpu.memory_space<hbm>> -> memref<2000x16xf32, #tpu.memory_space<hbm>>
      tpu.enqueue_dma source(%arg4 : memref<2000x16xf32, #tpu.memory_space<vmem>>) target(%dma_start3A_269 : memref<2000x16xf32, #tpu.memory_space<hbm>>) target_semaphore(%dma_start3A_267 : memref<!tpu.dma_semaphore, #tpu.memory_space<semaphore_mem>>)
    } else {
    }
    %add3A_152 = arith.constant 336 : i32
    %add3A_153 = arith.addi %add3A, %add3A_152 : i32
    %lt3A_154 = arith.constant 500 : i32
    %lt3A_155 = arith.cmpi slt, %add3A_153, %lt3A_154 : i32
    %convert_element_type3A_156 = arith.extui %lt3A_155 : i1 to i32
    %cond3A_157 = arith.constant 0 : i32
    %cond3A_158 = arith.cmpi ne, %convert_element_type3A_156, %cond3A_157 : i32
    scf.if %cond3A_158 {
      %add3A_243 = arith.constant 352 : i32
      %add3A_244 = arith.addi %add3A, %add3A_243 : i32
      %lt3A_245 = arith.constant 500 : i32
      %lt3A_246 = arith.cmpi slt, %add3A_244, %lt3A_245 : i32
      %convert_element_type3A_247 = arith.extui %lt3A_246 : i1 to i32
      %cond3A_248 = arith.constant 0 : i32
      %cond3A_249 = arith.cmpi ne, %convert_element_type3A_247, %cond3A_248 : i32
      scf.if %cond3A_249 {
        %add3A_270 = arith.constant 320 : i32
        %add3A_271 = arith.addi %add3A, %add3A_270 : i32
        %mul3A_272 = arith.constant 2000 : i32
        %mul3A_273 = arith.muli %add3A_271, %mul3A_272 : i32
        %dma_wait3A_274 = arith.constant 0 : i32
        %dma_wait3A_275 = arith.constant 0 : i32
        %dma_wait3A_276 = tpu.memref_slice %arg3[%mul3A_273, %dma_wait3A_275] : memref<1000000x16xf32, #tpu.memory_space<hbm>> -> memref<2000x16xf32, #tpu.memory_space<hbm>>
        %dma_wait3A_277 = tpu.memref_slice %arg7[%dma_wait3A_274] : memref<2x!tpu.dma_semaphore, #tpu.memory_space<semaphore_mem>> -> memref<1x!tpu.dma_semaphore, #tpu.memory_space<semaphore_mem>>
        %dma_wait3A_278 = tpu.memref_squeeze %dma_wait3A_277 : memref<1x!tpu.dma_semaphore, #tpu.memory_space<semaphore_mem>> -> memref<!tpu.dma_semaphore, #tpu.memory_space<semaphore_mem>>
        %dma_wait3A_279 = arith.constant 0 : i32
        %dma_wait3A_280 = tpu.memref_slice %arg3[%mul3A_273, %dma_wait3A_279] : memref<1000000x16xf32, #tpu.memory_space<hbm>> -> memref<2000x16xf32, #tpu.memory_space<hbm>>
        tpu.wait_dma2 semaphore(%dma_wait3A_278 : memref<!tpu.dma_semaphore, #tpu.memory_space<semaphore_mem>>) src(%arg4 : memref<2000x16xf32, #tpu.memory_space<vmem>>) dst(%dma_wait3A_280 : memref<2000x16xf32, #tpu.memory_space<hbm>>)
        %add3A_281 = arith.constant 352 : i32
        %add3A_282 = arith.addi %add3A, %add3A_281 : i32
        %mul3A_283 = arith.constant 2000 : i32
        %mul3A_284 = arith.muli %add3A_282, %mul3A_283 : i32
        %dma_start3A_285 = arith.constant 0 : i32
        %dma_start3A_286 = arith.constant 0 : i32
        %dma_start3A_287 = tpu.memref_slice %arg2[%mul3A_284, %dma_start3A_286] : memref<1000000x16xf32, #tpu.memory_space<hbm>> -> memref<2000x16xf32, #tpu.memory_space<hbm>>
        %dma_start3A_288 = tpu.memref_slice %arg6[%dma_start3A_285] : memref<2x!tpu.dma_semaphore, #tpu.memory_space<semaphore_mem>> -> memref<1x!tpu.dma_semaphore, #tpu.memory_space<semaphore_mem>>
        %dma_start3A_289 = tpu.memref_squeeze %dma_start3A_288 : memref<1x!tpu.dma_semaphore, #tpu.memory_space<semaphore_mem>> -> memref<!tpu.dma_semaphore, #tpu.memory_space<semaphore_mem>>
        %dma_start3A_290 = arith.constant 0 : i32
        %dma_start3A_291 = tpu.memref_slice %arg2[%mul3A_284, %dma_start3A_290] : memref<1000000x16xf32, #tpu.memory_space<hbm>> -> memref<2000x16xf32, #tpu.memory_space<hbm>>
        tpu.enqueue_dma source(%dma_start3A_291 : memref<2000x16xf32, #tpu.memory_space<hbm>>) target(%arg4 : memref<2000x16xf32, #tpu.memory_space<vmem>>) target_semaphore(%dma_start3A_289 : memref<!tpu.dma_semaphore, #tpu.memory_space<semaphore_mem>>)
      } else {
      }
      %add3A_250 = arith.constant 336 : i32
      %add3A_251 = arith.addi %add3A, %add3A_250 : i32
      %mul3A_252 = arith.constant 2000 : i32
      %mul3A_253 = arith.muli %add3A_251, %mul3A_252 : i32
      %dma_wait3A = arith.constant 1 : i32
      %dma_wait3A_254 = arith.constant 0 : i32
      %dma_wait3A_255 = tpu.memref_slice %arg2[%mul3A_253, %dma_wait3A_254] : memref<1000000x16xf32, #tpu.memory_space<hbm>> -> memref<2000x16xf32, #tpu.memory_space<hbm>>
      %dma_wait3A_256 = tpu.memref_slice %arg6[%dma_wait3A] : memref<2x!tpu.dma_semaphore, #tpu.memory_space<semaphore_mem>> -> memref<1x!tpu.dma_semaphore, #tpu.memory_space<semaphore_mem>>
      %dma_wait3A_257 = tpu.memref_squeeze %dma_wait3A_256 : memref<1x!tpu.dma_semaphore, #tpu.memory_space<semaphore_mem>> -> memref<!tpu.dma_semaphore, #tpu.memory_space<semaphore_mem>>
      %dma_wait3A_258 = arith.constant 0 : i32
      %dma_wait3A_259 = tpu.memref_slice %arg2[%mul3A_253, %dma_wait3A_258] : memref<1000000x16xf32, #tpu.memory_space<hbm>> -> memref<2000x16xf32, #tpu.memory_space<hbm>>
      tpu.wait_dma2 semaphore(%dma_wait3A_257 : memref<!tpu.dma_semaphore, #tpu.memory_space<semaphore_mem>>) src(%dma_wait3A_259 : memref<2000x16xf32, #tpu.memory_space<hbm>>) dst(%arg5 : memref<2000x16xf32, #tpu.memory_space<vmem>>)
      %add3A_260 = arith.constant 336 : i32
      %add3A_261 = arith.addi %add3A, %add3A_260 : i32
      %mul3A_262 = arith.constant 2000 : i32
      %mul3A_263 = arith.muli %add3A_261, %mul3A_262 : i32
      %dma_start3A = arith.constant 1 : i32
      %dma_start3A_264 = arith.constant 0 : i32
      %dma_start3A_265 = tpu.memref_slice %arg3[%mul3A_263, %dma_start3A_264] : memref<1000000x16xf32, #tpu.memory_space<hbm>> -> memref<2000x16xf32, #tpu.memory_space<hbm>>
      %dma_start3A_266 = tpu.memref_slice %arg7[%dma_start3A] : memref<2x!tpu.dma_semaphore, #tpu.memory_space<semaphore_mem>> -> memref<1x!tpu.dma_semaphore, #tpu.memory_space<semaphore_mem>>
      %dma_start3A_267 = tpu.memref_squeeze %dma_start3A_266 : memref<1x!tpu.dma_semaphore, #tpu.memory_space<semaphore_mem>> -> memref<!tpu.dma_semaphore, #tpu.memory_space<semaphore_mem>>
      %dma_start3A_268 = arith.constant 0 : i32
      %dma_start3A_269 = tpu.memref_slice %arg3[%mul3A_263, %dma_start3A_268] : memref<1000000x16xf32, #tpu.memory_space<hbm>> -> memref<2000x16xf32, #tpu.memory_space<hbm>>
      tpu.enqueue_dma source(%arg5 : memref<2000x16xf32, #tpu.memory_space<vmem>>) target(%dma_start3A_269 : memref<2000x16xf32, #tpu.memory_space<hbm>>) target_semaphore(%dma_start3A_267 : memref<!tpu.dma_semaphore, #tpu.memory_space<semaphore_mem>>)
    } else {
    }
    %add3A_159 = arith.constant 352 : i32
    %add3A_160 = arith.addi %add3A, %add3A_159 : i32
    %lt3A_161 = arith.constant 500 : i32
    %lt3A_162 = arith.cmpi slt, %add3A_160, %lt3A_161 : i32
    %convert_element_type3A_163 = arith.extui %lt3A_162 : i1 to i32
    %cond3A_164 = arith.constant 0 : i32
    %cond3A_165 = arith.cmpi ne, %convert_element_type3A_163, %cond3A_164 : i32
    scf.if %cond3A_165 {
      %add3A_243 = arith.constant 368 : i32
      %add3A_244 = arith.addi %add3A, %add3A_243 : i32
      %lt3A_245 = arith.constant 500 : i32
      %lt3A_246 = arith.cmpi slt, %add3A_244, %lt3A_245 : i32
      %convert_element_type3A_247 = arith.extui %lt3A_246 : i1 to i32
      %cond3A_248 = arith.constant 0 : i32
      %cond3A_249 = arith.cmpi ne, %convert_element_type3A_247, %cond3A_248 : i32
      scf.if %cond3A_249 {
        %add3A_270 = arith.constant 336 : i32
        %add3A_271 = arith.addi %add3A, %add3A_270 : i32
        %mul3A_272 = arith.constant 2000 : i32
        %mul3A_273 = arith.muli %add3A_271, %mul3A_272 : i32
        %dma_wait3A_274 = arith.constant 1 : i32
        %dma_wait3A_275 = arith.constant 0 : i32
        %dma_wait3A_276 = tpu.memref_slice %arg3[%mul3A_273, %dma_wait3A_275] : memref<1000000x16xf32, #tpu.memory_space<hbm>> -> memref<2000x16xf32, #tpu.memory_space<hbm>>
        %dma_wait3A_277 = tpu.memref_slice %arg7[%dma_wait3A_274] : memref<2x!tpu.dma_semaphore, #tpu.memory_space<semaphore_mem>> -> memref<1x!tpu.dma_semaphore, #tpu.memory_space<semaphore_mem>>
        %dma_wait3A_278 = tpu.memref_squeeze %dma_wait3A_277 : memref<1x!tpu.dma_semaphore, #tpu.memory_space<semaphore_mem>> -> memref<!tpu.dma_semaphore, #tpu.memory_space<semaphore_mem>>
        %dma_wait3A_279 = arith.constant 0 : i32
        %dma_wait3A_280 = tpu.memref_slice %arg3[%mul3A_273, %dma_wait3A_279] : memref<1000000x16xf32, #tpu.memory_space<hbm>> -> memref<2000x16xf32, #tpu.memory_space<hbm>>
        tpu.wait_dma2 semaphore(%dma_wait3A_278 : memref<!tpu.dma_semaphore, #tpu.memory_space<semaphore_mem>>) src(%arg5 : memref<2000x16xf32, #tpu.memory_space<vmem>>) dst(%dma_wait3A_280 : memref<2000x16xf32, #tpu.memory_space<hbm>>)
        %add3A_281 = arith.constant 368 : i32
        %add3A_282 = arith.addi %add3A, %add3A_281 : i32
        %mul3A_283 = arith.constant 2000 : i32
        %mul3A_284 = arith.muli %add3A_282, %mul3A_283 : i32
        %dma_start3A_285 = arith.constant 1 : i32
        %dma_start3A_286 = arith.constant 0 : i32
        %dma_start3A_287 = tpu.memref_slice %arg2[%mul3A_284, %dma_start3A_286] : memref<1000000x16xf32, #tpu.memory_space<hbm>> -> memref<2000x16xf32, #tpu.memory_space<hbm>>
        %dma_start3A_288 = tpu.memref_slice %arg6[%dma_start3A_285] : memref<2x!tpu.dma_semaphore, #tpu.memory_space<semaphore_mem>> -> memref<1x!tpu.dma_semaphore, #tpu.memory_space<semaphore_mem>>
        %dma_start3A_289 = tpu.memref_squeeze %dma_start3A_288 : memref<1x!tpu.dma_semaphore, #tpu.memory_space<semaphore_mem>> -> memref<!tpu.dma_semaphore, #tpu.memory_space<semaphore_mem>>
        %dma_start3A_290 = arith.constant 0 : i32
        %dma_start3A_291 = tpu.memref_slice %arg2[%mul3A_284, %dma_start3A_290] : memref<1000000x16xf32, #tpu.memory_space<hbm>> -> memref<2000x16xf32, #tpu.memory_space<hbm>>
        tpu.enqueue_dma source(%dma_start3A_291 : memref<2000x16xf32, #tpu.memory_space<hbm>>) target(%arg5 : memref<2000x16xf32, #tpu.memory_space<vmem>>) target_semaphore(%dma_start3A_289 : memref<!tpu.dma_semaphore, #tpu.memory_space<semaphore_mem>>)
      } else {
      }
      %add3A_250 = arith.constant 352 : i32
      %add3A_251 = arith.addi %add3A, %add3A_250 : i32
      %mul3A_252 = arith.constant 2000 : i32
      %mul3A_253 = arith.muli %add3A_251, %mul3A_252 : i32
      %dma_wait3A = arith.constant 0 : i32
      %dma_wait3A_254 = arith.constant 0 : i32
      %dma_wait3A_255 = tpu.memref_slice %arg2[%mul3A_253, %dma_wait3A_254] : memref<1000000x16xf32, #tpu.memory_space<hbm>> -> memref<2000x16xf32, #tpu.memory_space<hbm>>
      %dma_wait3A_256 = tpu.memref_slice %arg6[%dma_wait3A] : memref<2x!tpu.dma_semaphore, #tpu.memory_space<semaphore_mem>> -> memref<1x!tpu.dma_semaphore, #tpu.memory_space<semaphore_mem>>
      %dma_wait3A_257 = tpu.memref_squeeze %dma_wait3A_256 : memref<1x!tpu.dma_semaphore, #tpu.memory_space<semaphore_mem>> -> memref<!tpu.dma_semaphore, #tpu.memory_space<semaphore_mem>>
      %dma_wait3A_258 = arith.constant 0 : i32
      %dma_wait3A_259 = tpu.memref_slice %arg2[%mul3A_253, %dma_wait3A_258] : memref<1000000x16xf32, #tpu.memory_space<hbm>> -> memref<2000x16xf32, #tpu.memory_space<hbm>>
      tpu.wait_dma2 semaphore(%dma_wait3A_257 : memref<!tpu.dma_semaphore, #tpu.memory_space<semaphore_mem>>) src(%dma_wait3A_259 : memref<2000x16xf32, #tpu.memory_space<hbm>>) dst(%arg4 : memref<2000x16xf32, #tpu.memory_space<vmem>>)
      %add3A_260 = arith.constant 352 : i32
      %add3A_261 = arith.addi %add3A, %add3A_260 : i32
      %mul3A_262 = arith.constant 2000 : i32
      %mul3A_263 = arith.muli %add3A_261, %mul3A_262 : i32
      %dma_start3A = arith.constant 0 : i32
      %dma_start3A_264 = arith.constant 0 : i32
      %dma_start3A_265 = tpu.memref_slice %arg3[%mul3A_263, %dma_start3A_264] : memref<1000000x16xf32, #tpu.memory_space<hbm>> -> memref<2000x16xf32, #tpu.memory_space<hbm>>
      %dma_start3A_266 = tpu.memref_slice %arg7[%dma_start3A] : memref<2x!tpu.dma_semaphore, #tpu.memory_space<semaphore_mem>> -> memref<1x!tpu.dma_semaphore, #tpu.memory_space<semaphore_mem>>
      %dma_start3A_267 = tpu.memref_squeeze %dma_start3A_266 : memref<1x!tpu.dma_semaphore, #tpu.memory_space<semaphore_mem>> -> memref<!tpu.dma_semaphore, #tpu.memory_space<semaphore_mem>>
      %dma_start3A_268 = arith.constant 0 : i32
      %dma_start3A_269 = tpu.memref_slice %arg3[%mul3A_263, %dma_start3A_268] : memref<1000000x16xf32, #tpu.memory_space<hbm>> -> memref<2000x16xf32, #tpu.memory_space<hbm>>
      tpu.enqueue_dma source(%arg4 : memref<2000x16xf32, #tpu.memory_space<vmem>>) target(%dma_start3A_269 : memref<2000x16xf32, #tpu.memory_space<hbm>>) target_semaphore(%dma_start3A_267 : memref<!tpu.dma_semaphore, #tpu.memory_space<semaphore_mem>>)
    } else {
    }
    %add3A_166 = arith.constant 368 : i32
    %add3A_167 = arith.addi %add3A, %add3A_166 : i32
    %lt3A_168 = arith.constant 500 : i32
    %lt3A_169 = arith.cmpi slt, %add3A_167, %lt3A_168 : i32
    %convert_element_type3A_170 = arith.extui %lt3A_169 : i1 to i32
    %cond3A_171 = arith.constant 0 : i32
    %cond3A_172 = arith.cmpi ne, %convert_element_type3A_170, %cond3A_171 : i32
    scf.if %cond3A_172 {
      %add3A_243 = arith.constant 384 : i32
      %add3A_244 = arith.addi %add3A, %add3A_243 : i32
      %lt3A_245 = arith.constant 500 : i32
      %lt3A_246 = arith.cmpi slt, %add3A_244, %lt3A_245 : i32
      %convert_element_type3A_247 = arith.extui %lt3A_246 : i1 to i32
      %cond3A_248 = arith.constant 0 : i32
      %cond3A_249 = arith.cmpi ne, %convert_element_type3A_247, %cond3A_248 : i32
      scf.if %cond3A_249 {
        %add3A_270 = arith.constant 352 : i32
        %add3A_271 = arith.addi %add3A, %add3A_270 : i32
        %mul3A_272 = arith.constant 2000 : i32
        %mul3A_273 = arith.muli %add3A_271, %mul3A_272 : i32
        %dma_wait3A_274 = arith.constant 0 : i32
        %dma_wait3A_275 = arith.constant 0 : i32
        %dma_wait3A_276 = tpu.memref_slice %arg3[%mul3A_273, %dma_wait3A_275] : memref<1000000x16xf32, #tpu.memory_space<hbm>> -> memref<2000x16xf32, #tpu.memory_space<hbm>>
        %dma_wait3A_277 = tpu.memref_slice %arg7[%dma_wait3A_274] : memref<2x!tpu.dma_semaphore, #tpu.memory_space<semaphore_mem>> -> memref<1x!tpu.dma_semaphore, #tpu.memory_space<semaphore_mem>>
        %dma_wait3A_278 = tpu.memref_squeeze %dma_wait3A_277 : memref<1x!tpu.dma_semaphore, #tpu.memory_space<semaphore_mem>> -> memref<!tpu.dma_semaphore, #tpu.memory_space<semaphore_mem>>
        %dma_wait3A_279 = arith.constant 0 : i32
        %dma_wait3A_280 = tpu.memref_slice %arg3[%mul3A_273, %dma_wait3A_279] : memref<1000000x16xf32, #tpu.memory_space<hbm>> -> memref<2000x16xf32, #tpu.memory_space<hbm>>
        tpu.wait_dma2 semaphore(%dma_wait3A_278 : memref<!tpu.dma_semaphore, #tpu.memory_space<semaphore_mem>>) src(%arg4 : memref<2000x16xf32, #tpu.memory_space<vmem>>) dst(%dma_wait3A_280 : memref<2000x16xf32, #tpu.memory_space<hbm>>)
        %add3A_281 = arith.constant 384 : i32
        %add3A_282 = arith.addi %add3A, %add3A_281 : i32
        %mul3A_283 = arith.constant 2000 : i32
        %mul3A_284 = arith.muli %add3A_282, %mul3A_283 : i32
        %dma_start3A_285 = arith.constant 0 : i32
        %dma_start3A_286 = arith.constant 0 : i32
        %dma_start3A_287 = tpu.memref_slice %arg2[%mul3A_284, %dma_start3A_286] : memref<1000000x16xf32, #tpu.memory_space<hbm>> -> memref<2000x16xf32, #tpu.memory_space<hbm>>
        %dma_start3A_288 = tpu.memref_slice %arg6[%dma_start3A_285] : memref<2x!tpu.dma_semaphore, #tpu.memory_space<semaphore_mem>> -> memref<1x!tpu.dma_semaphore, #tpu.memory_space<semaphore_mem>>
        %dma_start3A_289 = tpu.memref_squeeze %dma_start3A_288 : memref<1x!tpu.dma_semaphore, #tpu.memory_space<semaphore_mem>> -> memref<!tpu.dma_semaphore, #tpu.memory_space<semaphore_mem>>
        %dma_start3A_290 = arith.constant 0 : i32
        %dma_start3A_291 = tpu.memref_slice %arg2[%mul3A_284, %dma_start3A_290] : memref<1000000x16xf32, #tpu.memory_space<hbm>> -> memref<2000x16xf32, #tpu.memory_space<hbm>>
        tpu.enqueue_dma source(%dma_start3A_291 : memref<2000x16xf32, #tpu.memory_space<hbm>>) target(%arg4 : memref<2000x16xf32, #tpu.memory_space<vmem>>) target_semaphore(%dma_start3A_289 : memref<!tpu.dma_semaphore, #tpu.memory_space<semaphore_mem>>)
      } else {
      }
      %add3A_250 = arith.constant 368 : i32
      %add3A_251 = arith.addi %add3A, %add3A_250 : i32
      %mul3A_252 = arith.constant 2000 : i32
      %mul3A_253 = arith.muli %add3A_251, %mul3A_252 : i32
      %dma_wait3A = arith.constant 1 : i32
      %dma_wait3A_254 = arith.constant 0 : i32
      %dma_wait3A_255 = tpu.memref_slice %arg2[%mul3A_253, %dma_wait3A_254] : memref<1000000x16xf32, #tpu.memory_space<hbm>> -> memref<2000x16xf32, #tpu.memory_space<hbm>>
      %dma_wait3A_256 = tpu.memref_slice %arg6[%dma_wait3A] : memref<2x!tpu.dma_semaphore, #tpu.memory_space<semaphore_mem>> -> memref<1x!tpu.dma_semaphore, #tpu.memory_space<semaphore_mem>>
      %dma_wait3A_257 = tpu.memref_squeeze %dma_wait3A_256 : memref<1x!tpu.dma_semaphore, #tpu.memory_space<semaphore_mem>> -> memref<!tpu.dma_semaphore, #tpu.memory_space<semaphore_mem>>
      %dma_wait3A_258 = arith.constant 0 : i32
      %dma_wait3A_259 = tpu.memref_slice %arg2[%mul3A_253, %dma_wait3A_258] : memref<1000000x16xf32, #tpu.memory_space<hbm>> -> memref<2000x16xf32, #tpu.memory_space<hbm>>
      tpu.wait_dma2 semaphore(%dma_wait3A_257 : memref<!tpu.dma_semaphore, #tpu.memory_space<semaphore_mem>>) src(%dma_wait3A_259 : memref<2000x16xf32, #tpu.memory_space<hbm>>) dst(%arg5 : memref<2000x16xf32, #tpu.memory_space<vmem>>)
      %add3A_260 = arith.constant 368 : i32
      %add3A_261 = arith.addi %add3A, %add3A_260 : i32
      %mul3A_262 = arith.constant 2000 : i32
      %mul3A_263 = arith.muli %add3A_261, %mul3A_262 : i32
      %dma_start3A = arith.constant 1 : i32
      %dma_start3A_264 = arith.constant 0 : i32
      %dma_start3A_265 = tpu.memref_slice %arg3[%mul3A_263, %dma_start3A_264] : memref<1000000x16xf32, #tpu.memory_space<hbm>> -> memref<2000x16xf32, #tpu.memory_space<hbm>>
      %dma_start3A_266 = tpu.memref_slice %arg7[%dma_start3A] : memref<2x!tpu.dma_semaphore, #tpu.memory_space<semaphore_mem>> -> memref<1x!tpu.dma_semaphore, #tpu.memory_space<semaphore_mem>>
      %dma_start3A_267 = tpu.memref_squeeze %dma_start3A_266 : memref<1x!tpu.dma_semaphore, #tpu.memory_space<semaphore_mem>> -> memref<!tpu.dma_semaphore, #tpu.memory_space<semaphore_mem>>
      %dma_start3A_268 = arith.constant 0 : i32
      %dma_start3A_269 = tpu.memref_slice %arg3[%mul3A_263, %dma_start3A_268] : memref<1000000x16xf32, #tpu.memory_space<hbm>> -> memref<2000x16xf32, #tpu.memory_space<hbm>>
      tpu.enqueue_dma source(%arg5 : memref<2000x16xf32, #tpu.memory_space<vmem>>) target(%dma_start3A_269 : memref<2000x16xf32, #tpu.memory_space<hbm>>) target_semaphore(%dma_start3A_267 : memref<!tpu.dma_semaphore, #tpu.memory_space<semaphore_mem>>)
    } else {
    }
    %add3A_173 = arith.constant 384 : i32
    %add3A_174 = arith.addi %add3A, %add3A_173 : i32
    %lt3A_175 = arith.constant 500 : i32
    %lt3A_176 = arith.cmpi slt, %add3A_174, %lt3A_175 : i32
    %convert_element_type3A_177 = arith.extui %lt3A_176 : i1 to i32
    %cond3A_178 = arith.constant 0 : i32
    %cond3A_179 = arith.cmpi ne, %convert_element_type3A_177, %cond3A_178 : i32
    scf.if %cond3A_179 {
      %add3A_243 = arith.constant 400 : i32
      %add3A_244 = arith.addi %add3A, %add3A_243 : i32
      %lt3A_245 = arith.constant 500 : i32
      %lt3A_246 = arith.cmpi slt, %add3A_244, %lt3A_245 : i32
      %convert_element_type3A_247 = arith.extui %lt3A_246 : i1 to i32
      %cond3A_248 = arith.constant 0 : i32
      %cond3A_249 = arith.cmpi ne, %convert_element_type3A_247, %cond3A_248 : i32
      scf.if %cond3A_249 {
        %add3A_270 = arith.constant 368 : i32
        %add3A_271 = arith.addi %add3A, %add3A_270 : i32
        %mul3A_272 = arith.constant 2000 : i32
        %mul3A_273 = arith.muli %add3A_271, %mul3A_272 : i32
        %dma_wait3A_274 = arith.constant 1 : i32
        %dma_wait3A_275 = arith.constant 0 : i32
        %dma_wait3A_276 = tpu.memref_slice %arg3[%mul3A_273, %dma_wait3A_275] : memref<1000000x16xf32, #tpu.memory_space<hbm>> -> memref<2000x16xf32, #tpu.memory_space<hbm>>
        %dma_wait3A_277 = tpu.memref_slice %arg7[%dma_wait3A_274] : memref<2x!tpu.dma_semaphore, #tpu.memory_space<semaphore_mem>> -> memref<1x!tpu.dma_semaphore, #tpu.memory_space<semaphore_mem>>
        %dma_wait3A_278 = tpu.memref_squeeze %dma_wait3A_277 : memref<1x!tpu.dma_semaphore, #tpu.memory_space<semaphore_mem>> -> memref<!tpu.dma_semaphore, #tpu.memory_space<semaphore_mem>>
        %dma_wait3A_279 = arith.constant 0 : i32
        %dma_wait3A_280 = tpu.memref_slice %arg3[%mul3A_273, %dma_wait3A_279] : memref<1000000x16xf32, #tpu.memory_space<hbm>> -> memref<2000x16xf32, #tpu.memory_space<hbm>>
        tpu.wait_dma2 semaphore(%dma_wait3A_278 : memref<!tpu.dma_semaphore, #tpu.memory_space<semaphore_mem>>) src(%arg5 : memref<2000x16xf32, #tpu.memory_space<vmem>>) dst(%dma_wait3A_280 : memref<2000x16xf32, #tpu.memory_space<hbm>>)
        %add3A_281 = arith.constant 400 : i32
        %add3A_282 = arith.addi %add3A, %add3A_281 : i32
        %mul3A_283 = arith.constant 2000 : i32
        %mul3A_284 = arith.muli %add3A_282, %mul3A_283 : i32
        %dma_start3A_285 = arith.constant 1 : i32
        %dma_start3A_286 = arith.constant 0 : i32
        %dma_start3A_287 = tpu.memref_slice %arg2[%mul3A_284, %dma_start3A_286] : memref<1000000x16xf32, #tpu.memory_space<hbm>> -> memref<2000x16xf32, #tpu.memory_space<hbm>>
        %dma_start3A_288 = tpu.memref_slice %arg6[%dma_start3A_285] : memref<2x!tpu.dma_semaphore, #tpu.memory_space<semaphore_mem>> -> memref<1x!tpu.dma_semaphore, #tpu.memory_space<semaphore_mem>>
        %dma_start3A_289 = tpu.memref_squeeze %dma_start3A_288 : memref<1x!tpu.dma_semaphore, #tpu.memory_space<semaphore_mem>> -> memref<!tpu.dma_semaphore, #tpu.memory_space<semaphore_mem>>
        %dma_start3A_290 = arith.constant 0 : i32
        %dma_start3A_291 = tpu.memref_slice %arg2[%mul3A_284, %dma_start3A_290] : memref<1000000x16xf32, #tpu.memory_space<hbm>> -> memref<2000x16xf32, #tpu.memory_space<hbm>>
        tpu.enqueue_dma source(%dma_start3A_291 : memref<2000x16xf32, #tpu.memory_space<hbm>>) target(%arg5 : memref<2000x16xf32, #tpu.memory_space<vmem>>) target_semaphore(%dma_start3A_289 : memref<!tpu.dma_semaphore, #tpu.memory_space<semaphore_mem>>)
      } else {
      }
      %add3A_250 = arith.constant 384 : i32
      %add3A_251 = arith.addi %add3A, %add3A_250 : i32
      %mul3A_252 = arith.constant 2000 : i32
      %mul3A_253 = arith.muli %add3A_251, %mul3A_252 : i32
      %dma_wait3A = arith.constant 0 : i32
      %dma_wait3A_254 = arith.constant 0 : i32
      %dma_wait3A_255 = tpu.memref_slice %arg2[%mul3A_253, %dma_wait3A_254] : memref<1000000x16xf32, #tpu.memory_space<hbm>> -> memref<2000x16xf32, #tpu.memory_space<hbm>>
      %dma_wait3A_256 = tpu.memref_slice %arg6[%dma_wait3A] : memref<2x!tpu.dma_semaphore, #tpu.memory_space<semaphore_mem>> -> memref<1x!tpu.dma_semaphore, #tpu.memory_space<semaphore_mem>>
      %dma_wait3A_257 = tpu.memref_squeeze %dma_wait3A_256 : memref<1x!tpu.dma_semaphore, #tpu.memory_space<semaphore_mem>> -> memref<!tpu.dma_semaphore, #tpu.memory_space<semaphore_mem>>
      %dma_wait3A_258 = arith.constant 0 : i32
      %dma_wait3A_259 = tpu.memref_slice %arg2[%mul3A_253, %dma_wait3A_258] : memref<1000000x16xf32, #tpu.memory_space<hbm>> -> memref<2000x16xf32, #tpu.memory_space<hbm>>
      tpu.wait_dma2 semaphore(%dma_wait3A_257 : memref<!tpu.dma_semaphore, #tpu.memory_space<semaphore_mem>>) src(%dma_wait3A_259 : memref<2000x16xf32, #tpu.memory_space<hbm>>) dst(%arg4 : memref<2000x16xf32, #tpu.memory_space<vmem>>)
      %add3A_260 = arith.constant 384 : i32
      %add3A_261 = arith.addi %add3A, %add3A_260 : i32
      %mul3A_262 = arith.constant 2000 : i32
      %mul3A_263 = arith.muli %add3A_261, %mul3A_262 : i32
      %dma_start3A = arith.constant 0 : i32
      %dma_start3A_264 = arith.constant 0 : i32
      %dma_start3A_265 = tpu.memref_slice %arg3[%mul3A_263, %dma_start3A_264] : memref<1000000x16xf32, #tpu.memory_space<hbm>> -> memref<2000x16xf32, #tpu.memory_space<hbm>>
      %dma_start3A_266 = tpu.memref_slice %arg7[%dma_start3A] : memref<2x!tpu.dma_semaphore, #tpu.memory_space<semaphore_mem>> -> memref<1x!tpu.dma_semaphore, #tpu.memory_space<semaphore_mem>>
      %dma_start3A_267 = tpu.memref_squeeze %dma_start3A_266 : memref<1x!tpu.dma_semaphore, #tpu.memory_space<semaphore_mem>> -> memref<!tpu.dma_semaphore, #tpu.memory_space<semaphore_mem>>
      %dma_start3A_268 = arith.constant 0 : i32
      %dma_start3A_269 = tpu.memref_slice %arg3[%mul3A_263, %dma_start3A_268] : memref<1000000x16xf32, #tpu.memory_space<hbm>> -> memref<2000x16xf32, #tpu.memory_space<hbm>>
      tpu.enqueue_dma source(%arg4 : memref<2000x16xf32, #tpu.memory_space<vmem>>) target(%dma_start3A_269 : memref<2000x16xf32, #tpu.memory_space<hbm>>) target_semaphore(%dma_start3A_267 : memref<!tpu.dma_semaphore, #tpu.memory_space<semaphore_mem>>)
    } else {
    }
    %add3A_180 = arith.constant 400 : i32
    %add3A_181 = arith.addi %add3A, %add3A_180 : i32
    %lt3A_182 = arith.constant 500 : i32
    %lt3A_183 = arith.cmpi slt, %add3A_181, %lt3A_182 : i32
    %convert_element_type3A_184 = arith.extui %lt3A_183 : i1 to i32
    %cond3A_185 = arith.constant 0 : i32
    %cond3A_186 = arith.cmpi ne, %convert_element_type3A_184, %cond3A_185 : i32
    scf.if %cond3A_186 {
      %add3A_243 = arith.constant 416 : i32
      %add3A_244 = arith.addi %add3A, %add3A_243 : i32
      %lt3A_245 = arith.constant 500 : i32
      %lt3A_246 = arith.cmpi slt, %add3A_244, %lt3A_245 : i32
      %convert_element_type3A_247 = arith.extui %lt3A_246 : i1 to i32
      %cond3A_248 = arith.constant 0 : i32
      %cond3A_249 = arith.cmpi ne, %convert_element_type3A_247, %cond3A_248 : i32
      scf.if %cond3A_249 {
        %add3A_270 = arith.constant 384 : i32
        %add3A_271 = arith.addi %add3A, %add3A_270 : i32
        %mul3A_272 = arith.constant 2000 : i32
        %mul3A_273 = arith.muli %add3A_271, %mul3A_272 : i32
        %dma_wait3A_274 = arith.constant 0 : i32
        %dma_wait3A_275 = arith.constant 0 : i32
        %dma_wait3A_276 = tpu.memref_slice %arg3[%mul3A_273, %dma_wait3A_275] : memref<1000000x16xf32, #tpu.memory_space<hbm>> -> memref<2000x16xf32, #tpu.memory_space<hbm>>
        %dma_wait3A_277 = tpu.memref_slice %arg7[%dma_wait3A_274] : memref<2x!tpu.dma_semaphore, #tpu.memory_space<semaphore_mem>> -> memref<1x!tpu.dma_semaphore, #tpu.memory_space<semaphore_mem>>
        %dma_wait3A_278 = tpu.memref_squeeze %dma_wait3A_277 : memref<1x!tpu.dma_semaphore, #tpu.memory_space<semaphore_mem>> -> memref<!tpu.dma_semaphore, #tpu.memory_space<semaphore_mem>>
        %dma_wait3A_279 = arith.constant 0 : i32
        %dma_wait3A_280 = tpu.memref_slice %arg3[%mul3A_273, %dma_wait3A_279] : memref<1000000x16xf32, #tpu.memory_space<hbm>> -> memref<2000x16xf32, #tpu.memory_space<hbm>>
        tpu.wait_dma2 semaphore(%dma_wait3A_278 : memref<!tpu.dma_semaphore, #tpu.memory_space<semaphore_mem>>) src(%arg4 : memref<2000x16xf32, #tpu.memory_space<vmem>>) dst(%dma_wait3A_280 : memref<2000x16xf32, #tpu.memory_space<hbm>>)
        %add3A_281 = arith.constant 416 : i32
        %add3A_282 = arith.addi %add3A, %add3A_281 : i32
        %mul3A_283 = arith.constant 2000 : i32
        %mul3A_284 = arith.muli %add3A_282, %mul3A_283 : i32
        %dma_start3A_285 = arith.constant 0 : i32
        %dma_start3A_286 = arith.constant 0 : i32
        %dma_start3A_287 = tpu.memref_slice %arg2[%mul3A_284, %dma_start3A_286] : memref<1000000x16xf32, #tpu.memory_space<hbm>> -> memref<2000x16xf32, #tpu.memory_space<hbm>>
        %dma_start3A_288 = tpu.memref_slice %arg6[%dma_start3A_285] : memref<2x!tpu.dma_semaphore, #tpu.memory_space<semaphore_mem>> -> memref<1x!tpu.dma_semaphore, #tpu.memory_space<semaphore_mem>>
        %dma_start3A_289 = tpu.memref_squeeze %dma_start3A_288 : memref<1x!tpu.dma_semaphore, #tpu.memory_space<semaphore_mem>> -> memref<!tpu.dma_semaphore, #tpu.memory_space<semaphore_mem>>
        %dma_start3A_290 = arith.constant 0 : i32
        %dma_start3A_291 = tpu.memref_slice %arg2[%mul3A_284, %dma_start3A_290] : memref<1000000x16xf32, #tpu.memory_space<hbm>> -> memref<2000x16xf32, #tpu.memory_space<hbm>>
        tpu.enqueue_dma source(%dma_start3A_291 : memref<2000x16xf32, #tpu.memory_space<hbm>>) target(%arg4 : memref<2000x16xf32, #tpu.memory_space<vmem>>) target_semaphore(%dma_start3A_289 : memref<!tpu.dma_semaphore, #tpu.memory_space<semaphore_mem>>)
      } else {
      }
      %add3A_250 = arith.constant 400 : i32
      %add3A_251 = arith.addi %add3A, %add3A_250 : i32
      %mul3A_252 = arith.constant 2000 : i32
      %mul3A_253 = arith.muli %add3A_251, %mul3A_252 : i32
      %dma_wait3A = arith.constant 1 : i32
      %dma_wait3A_254 = arith.constant 0 : i32
      %dma_wait3A_255 = tpu.memref_slice %arg2[%mul3A_253, %dma_wait3A_254] : memref<1000000x16xf32, #tpu.memory_space<hbm>> -> memref<2000x16xf32, #tpu.memory_space<hbm>>
      %dma_wait3A_256 = tpu.memref_slice %arg6[%dma_wait3A] : memref<2x!tpu.dma_semaphore, #tpu.memory_space<semaphore_mem>> -> memref<1x!tpu.dma_semaphore, #tpu.memory_space<semaphore_mem>>
      %dma_wait3A_257 = tpu.memref_squeeze %dma_wait3A_256 : memref<1x!tpu.dma_semaphore, #tpu.memory_space<semaphore_mem>> -> memref<!tpu.dma_semaphore, #tpu.memory_space<semaphore_mem>>
      %dma_wait3A_258 = arith.constant 0 : i32
      %dma_wait3A_259 = tpu.memref_slice %arg2[%mul3A_253, %dma_wait3A_258] : memref<1000000x16xf32, #tpu.memory_space<hbm>> -> memref<2000x16xf32, #tpu.memory_space<hbm>>
      tpu.wait_dma2 semaphore(%dma_wait3A_257 : memref<!tpu.dma_semaphore, #tpu.memory_space<semaphore_mem>>) src(%dma_wait3A_259 : memref<2000x16xf32, #tpu.memory_space<hbm>>) dst(%arg5 : memref<2000x16xf32, #tpu.memory_space<vmem>>)
      %add3A_260 = arith.constant 400 : i32
      %add3A_261 = arith.addi %add3A, %add3A_260 : i32
      %mul3A_262 = arith.constant 2000 : i32
      %mul3A_263 = arith.muli %add3A_261, %mul3A_262 : i32
      %dma_start3A = arith.constant 1 : i32
      %dma_start3A_264 = arith.constant 0 : i32
      %dma_start3A_265 = tpu.memref_slice %arg3[%mul3A_263, %dma_start3A_264] : memref<1000000x16xf32, #tpu.memory_space<hbm>> -> memref<2000x16xf32, #tpu.memory_space<hbm>>
      %dma_start3A_266 = tpu.memref_slice %arg7[%dma_start3A] : memref<2x!tpu.dma_semaphore, #tpu.memory_space<semaphore_mem>> -> memref<1x!tpu.dma_semaphore, #tpu.memory_space<semaphore_mem>>
      %dma_start3A_267 = tpu.memref_squeeze %dma_start3A_266 : memref<1x!tpu.dma_semaphore, #tpu.memory_space<semaphore_mem>> -> memref<!tpu.dma_semaphore, #tpu.memory_space<semaphore_mem>>
      %dma_start3A_268 = arith.constant 0 : i32
      %dma_start3A_269 = tpu.memref_slice %arg3[%mul3A_263, %dma_start3A_268] : memref<1000000x16xf32, #tpu.memory_space<hbm>> -> memref<2000x16xf32, #tpu.memory_space<hbm>>
      tpu.enqueue_dma source(%arg5 : memref<2000x16xf32, #tpu.memory_space<vmem>>) target(%dma_start3A_269 : memref<2000x16xf32, #tpu.memory_space<hbm>>) target_semaphore(%dma_start3A_267 : memref<!tpu.dma_semaphore, #tpu.memory_space<semaphore_mem>>)
    } else {
    }
    %add3A_187 = arith.constant 416 : i32
    %add3A_188 = arith.addi %add3A, %add3A_187 : i32
    %lt3A_189 = arith.constant 500 : i32
    %lt3A_190 = arith.cmpi slt, %add3A_188, %lt3A_189 : i32
    %convert_element_type3A_191 = arith.extui %lt3A_190 : i1 to i32
    %cond3A_192 = arith.constant 0 : i32
    %cond3A_193 = arith.cmpi ne, %convert_element_type3A_191, %cond3A_192 : i32
    scf.if %cond3A_193 {
      %add3A_243 = arith.constant 432 : i32
      %add3A_244 = arith.addi %add3A, %add3A_243 : i32
      %lt3A_245 = arith.constant 500 : i32
      %lt3A_246 = arith.cmpi slt, %add3A_244, %lt3A_245 : i32
      %convert_element_type3A_247 = arith.extui %lt3A_246 : i1 to i32
      %cond3A_248 = arith.constant 0 : i32
      %cond3A_249 = arith.cmpi ne, %convert_element_type3A_247, %cond3A_248 : i32
      scf.if %cond3A_249 {
        %add3A_270 = arith.constant 400 : i32
        %add3A_271 = arith.addi %add3A, %add3A_270 : i32
        %mul3A_272 = arith.constant 2000 : i32
        %mul3A_273 = arith.muli %add3A_271, %mul3A_272 : i32
        %dma_wait3A_274 = arith.constant 1 : i32
        %dma_wait3A_275 = arith.constant 0 : i32
        %dma_wait3A_276 = tpu.memref_slice %arg3[%mul3A_273, %dma_wait3A_275] : memref<1000000x16xf32, #tpu.memory_space<hbm>> -> memref<2000x16xf32, #tpu.memory_space<hbm>>
        %dma_wait3A_277 = tpu.memref_slice %arg7[%dma_wait3A_274] : memref<2x!tpu.dma_semaphore, #tpu.memory_space<semaphore_mem>> -> memref<1x!tpu.dma_semaphore, #tpu.memory_space<semaphore_mem>>
        %dma_wait3A_278 = tpu.memref_squeeze %dma_wait3A_277 : memref<1x!tpu.dma_semaphore, #tpu.memory_space<semaphore_mem>> -> memref<!tpu.dma_semaphore, #tpu.memory_space<semaphore_mem>>
        %dma_wait3A_279 = arith.constant 0 : i32
        %dma_wait3A_280 = tpu.memref_slice %arg3[%mul3A_273, %dma_wait3A_279] : memref<1000000x16xf32, #tpu.memory_space<hbm>> -> memref<2000x16xf32, #tpu.memory_space<hbm>>
        tpu.wait_dma2 semaphore(%dma_wait3A_278 : memref<!tpu.dma_semaphore, #tpu.memory_space<semaphore_mem>>) src(%arg5 : memref<2000x16xf32, #tpu.memory_space<vmem>>) dst(%dma_wait3A_280 : memref<2000x16xf32, #tpu.memory_space<hbm>>)
        %add3A_281 = arith.constant 432 : i32
        %add3A_282 = arith.addi %add3A, %add3A_281 : i32
        %mul3A_283 = arith.constant 2000 : i32
        %mul3A_284 = arith.muli %add3A_282, %mul3A_283 : i32
        %dma_start3A_285 = arith.constant 1 : i32
        %dma_start3A_286 = arith.constant 0 : i32
        %dma_start3A_287 = tpu.memref_slice %arg2[%mul3A_284, %dma_start3A_286] : memref<1000000x16xf32, #tpu.memory_space<hbm>> -> memref<2000x16xf32, #tpu.memory_space<hbm>>
        %dma_start3A_288 = tpu.memref_slice %arg6[%dma_start3A_285] : memref<2x!tpu.dma_semaphore, #tpu.memory_space<semaphore_mem>> -> memref<1x!tpu.dma_semaphore, #tpu.memory_space<semaphore_mem>>
        %dma_start3A_289 = tpu.memref_squeeze %dma_start3A_288 : memref<1x!tpu.dma_semaphore, #tpu.memory_space<semaphore_mem>> -> memref<!tpu.dma_semaphore, #tpu.memory_space<semaphore_mem>>
        %dma_start3A_290 = arith.constant 0 : i32
        %dma_start3A_291 = tpu.memref_slice %arg2[%mul3A_284, %dma_start3A_290] : memref<1000000x16xf32, #tpu.memory_space<hbm>> -> memref<2000x16xf32, #tpu.memory_space<hbm>>
        tpu.enqueue_dma source(%dma_start3A_291 : memref<2000x16xf32, #tpu.memory_space<hbm>>) target(%arg5 : memref<2000x16xf32, #tpu.memory_space<vmem>>) target_semaphore(%dma_start3A_289 : memref<!tpu.dma_semaphore, #tpu.memory_space<semaphore_mem>>)
      } else {
      }
      %add3A_250 = arith.constant 416 : i32
      %add3A_251 = arith.addi %add3A, %add3A_250 : i32
      %mul3A_252 = arith.constant 2000 : i32
      %mul3A_253 = arith.muli %add3A_251, %mul3A_252 : i32
      %dma_wait3A = arith.constant 0 : i32
      %dma_wait3A_254 = arith.constant 0 : i32
      %dma_wait3A_255 = tpu.memref_slice %arg2[%mul3A_253, %dma_wait3A_254] : memref<1000000x16xf32, #tpu.memory_space<hbm>> -> memref<2000x16xf32, #tpu.memory_space<hbm>>
      %dma_wait3A_256 = tpu.memref_slice %arg6[%dma_wait3A] : memref<2x!tpu.dma_semaphore, #tpu.memory_space<semaphore_mem>> -> memref<1x!tpu.dma_semaphore, #tpu.memory_space<semaphore_mem>>
      %dma_wait3A_257 = tpu.memref_squeeze %dma_wait3A_256 : memref<1x!tpu.dma_semaphore, #tpu.memory_space<semaphore_mem>> -> memref<!tpu.dma_semaphore, #tpu.memory_space<semaphore_mem>>
      %dma_wait3A_258 = arith.constant 0 : i32
      %dma_wait3A_259 = tpu.memref_slice %arg2[%mul3A_253, %dma_wait3A_258] : memref<1000000x16xf32, #tpu.memory_space<hbm>> -> memref<2000x16xf32, #tpu.memory_space<hbm>>
      tpu.wait_dma2 semaphore(%dma_wait3A_257 : memref<!tpu.dma_semaphore, #tpu.memory_space<semaphore_mem>>) src(%dma_wait3A_259 : memref<2000x16xf32, #tpu.memory_space<hbm>>) dst(%arg4 : memref<2000x16xf32, #tpu.memory_space<vmem>>)
      %add3A_260 = arith.constant 416 : i32
      %add3A_261 = arith.addi %add3A, %add3A_260 : i32
      %mul3A_262 = arith.constant 2000 : i32
      %mul3A_263 = arith.muli %add3A_261, %mul3A_262 : i32
      %dma_start3A = arith.constant 0 : i32
      %dma_start3A_264 = arith.constant 0 : i32
      %dma_start3A_265 = tpu.memref_slice %arg3[%mul3A_263, %dma_start3A_264] : memref<1000000x16xf32, #tpu.memory_space<hbm>> -> memref<2000x16xf32, #tpu.memory_space<hbm>>
      %dma_start3A_266 = tpu.memref_slice %arg7[%dma_start3A] : memref<2x!tpu.dma_semaphore, #tpu.memory_space<semaphore_mem>> -> memref<1x!tpu.dma_semaphore, #tpu.memory_space<semaphore_mem>>
      %dma_start3A_267 = tpu.memref_squeeze %dma_start3A_266 : memref<1x!tpu.dma_semaphore, #tpu.memory_space<semaphore_mem>> -> memref<!tpu.dma_semaphore, #tpu.memory_space<semaphore_mem>>
      %dma_start3A_268 = arith.constant 0 : i32
      %dma_start3A_269 = tpu.memref_slice %arg3[%mul3A_263, %dma_start3A_268] : memref<1000000x16xf32, #tpu.memory_space<hbm>> -> memref<2000x16xf32, #tpu.memory_space<hbm>>
      tpu.enqueue_dma source(%arg4 : memref<2000x16xf32, #tpu.memory_space<vmem>>) target(%dma_start3A_269 : memref<2000x16xf32, #tpu.memory_space<hbm>>) target_semaphore(%dma_start3A_267 : memref<!tpu.dma_semaphore, #tpu.memory_space<semaphore_mem>>)
    } else {
    }
    %add3A_194 = arith.constant 432 : i32
    %add3A_195 = arith.addi %add3A, %add3A_194 : i32
    %lt3A_196 = arith.constant 500 : i32
    %lt3A_197 = arith.cmpi slt, %add3A_195, %lt3A_196 : i32
    %convert_element_type3A_198 = arith.extui %lt3A_197 : i1 to i32
    %cond3A_199 = arith.constant 0 : i32
    %cond3A_200 = arith.cmpi ne, %convert_element_type3A_198, %cond3A_199 : i32
    scf.if %cond3A_200 {
      %add3A_243 = arith.constant 448 : i32
      %add3A_244 = arith.addi %add3A, %add3A_243 : i32
      %lt3A_245 = arith.constant 500 : i32
      %lt3A_246 = arith.cmpi slt, %add3A_244, %lt3A_245 : i32
      %convert_element_type3A_247 = arith.extui %lt3A_246 : i1 to i32
      %cond3A_248 = arith.constant 0 : i32
      %cond3A_249 = arith.cmpi ne, %convert_element_type3A_247, %cond3A_248 : i32
      scf.if %cond3A_249 {
        %add3A_270 = arith.constant 416 : i32
        %add3A_271 = arith.addi %add3A, %add3A_270 : i32
        %mul3A_272 = arith.constant 2000 : i32
        %mul3A_273 = arith.muli %add3A_271, %mul3A_272 : i32
        %dma_wait3A_274 = arith.constant 0 : i32
        %dma_wait3A_275 = arith.constant 0 : i32
        %dma_wait3A_276 = tpu.memref_slice %arg3[%mul3A_273, %dma_wait3A_275] : memref<1000000x16xf32, #tpu.memory_space<hbm>> -> memref<2000x16xf32, #tpu.memory_space<hbm>>
        %dma_wait3A_277 = tpu.memref_slice %arg7[%dma_wait3A_274] : memref<2x!tpu.dma_semaphore, #tpu.memory_space<semaphore_mem>> -> memref<1x!tpu.dma_semaphore, #tpu.memory_space<semaphore_mem>>
        %dma_wait3A_278 = tpu.memref_squeeze %dma_wait3A_277 : memref<1x!tpu.dma_semaphore, #tpu.memory_space<semaphore_mem>> -> memref<!tpu.dma_semaphore, #tpu.memory_space<semaphore_mem>>
        %dma_wait3A_279 = arith.constant 0 : i32
        %dma_wait3A_280 = tpu.memref_slice %arg3[%mul3A_273, %dma_wait3A_279] : memref<1000000x16xf32, #tpu.memory_space<hbm>> -> memref<2000x16xf32, #tpu.memory_space<hbm>>
        tpu.wait_dma2 semaphore(%dma_wait3A_278 : memref<!tpu.dma_semaphore, #tpu.memory_space<semaphore_mem>>) src(%arg4 : memref<2000x16xf32, #tpu.memory_space<vmem>>) dst(%dma_wait3A_280 : memref<2000x16xf32, #tpu.memory_space<hbm>>)
        %add3A_281 = arith.constant 448 : i32
        %add3A_282 = arith.addi %add3A, %add3A_281 : i32
        %mul3A_283 = arith.constant 2000 : i32
        %mul3A_284 = arith.muli %add3A_282, %mul3A_283 : i32
        %dma_start3A_285 = arith.constant 0 : i32
        %dma_start3A_286 = arith.constant 0 : i32
        %dma_start3A_287 = tpu.memref_slice %arg2[%mul3A_284, %dma_start3A_286] : memref<1000000x16xf32, #tpu.memory_space<hbm>> -> memref<2000x16xf32, #tpu.memory_space<hbm>>
        %dma_start3A_288 = tpu.memref_slice %arg6[%dma_start3A_285] : memref<2x!tpu.dma_semaphore, #tpu.memory_space<semaphore_mem>> -> memref<1x!tpu.dma_semaphore, #tpu.memory_space<semaphore_mem>>
        %dma_start3A_289 = tpu.memref_squeeze %dma_start3A_288 : memref<1x!tpu.dma_semaphore, #tpu.memory_space<semaphore_mem>> -> memref<!tpu.dma_semaphore, #tpu.memory_space<semaphore_mem>>
        %dma_start3A_290 = arith.constant 0 : i32
        %dma_start3A_291 = tpu.memref_slice %arg2[%mul3A_284, %dma_start3A_290] : memref<1000000x16xf32, #tpu.memory_space<hbm>> -> memref<2000x16xf32, #tpu.memory_space<hbm>>
        tpu.enqueue_dma source(%dma_start3A_291 : memref<2000x16xf32, #tpu.memory_space<hbm>>) target(%arg4 : memref<2000x16xf32, #tpu.memory_space<vmem>>) target_semaphore(%dma_start3A_289 : memref<!tpu.dma_semaphore, #tpu.memory_space<semaphore_mem>>)
      } else {
      }
      %add3A_250 = arith.constant 432 : i32
      %add3A_251 = arith.addi %add3A, %add3A_250 : i32
      %mul3A_252 = arith.constant 2000 : i32
      %mul3A_253 = arith.muli %add3A_251, %mul3A_252 : i32
      %dma_wait3A = arith.constant 1 : i32
      %dma_wait3A_254 = arith.constant 0 : i32
      %dma_wait3A_255 = tpu.memref_slice %arg2[%mul3A_253, %dma_wait3A_254] : memref<1000000x16xf32, #tpu.memory_space<hbm>> -> memref<2000x16xf32, #tpu.memory_space<hbm>>
      %dma_wait3A_256 = tpu.memref_slice %arg6[%dma_wait3A] : memref<2x!tpu.dma_semaphore, #tpu.memory_space<semaphore_mem>> -> memref<1x!tpu.dma_semaphore, #tpu.memory_space<semaphore_mem>>
      %dma_wait3A_257 = tpu.memref_squeeze %dma_wait3A_256 : memref<1x!tpu.dma_semaphore, #tpu.memory_space<semaphore_mem>> -> memref<!tpu.dma_semaphore, #tpu.memory_space<semaphore_mem>>
      %dma_wait3A_258 = arith.constant 0 : i32
      %dma_wait3A_259 = tpu.memref_slice %arg2[%mul3A_253, %dma_wait3A_258] : memref<1000000x16xf32, #tpu.memory_space<hbm>> -> memref<2000x16xf32, #tpu.memory_space<hbm>>
      tpu.wait_dma2 semaphore(%dma_wait3A_257 : memref<!tpu.dma_semaphore, #tpu.memory_space<semaphore_mem>>) src(%dma_wait3A_259 : memref<2000x16xf32, #tpu.memory_space<hbm>>) dst(%arg5 : memref<2000x16xf32, #tpu.memory_space<vmem>>)
      %add3A_260 = arith.constant 432 : i32
      %add3A_261 = arith.addi %add3A, %add3A_260 : i32
      %mul3A_262 = arith.constant 2000 : i32
      %mul3A_263 = arith.muli %add3A_261, %mul3A_262 : i32
      %dma_start3A = arith.constant 1 : i32
      %dma_start3A_264 = arith.constant 0 : i32
      %dma_start3A_265 = tpu.memref_slice %arg3[%mul3A_263, %dma_start3A_264] : memref<1000000x16xf32, #tpu.memory_space<hbm>> -> memref<2000x16xf32, #tpu.memory_space<hbm>>
      %dma_start3A_266 = tpu.memref_slice %arg7[%dma_start3A] : memref<2x!tpu.dma_semaphore, #tpu.memory_space<semaphore_mem>> -> memref<1x!tpu.dma_semaphore, #tpu.memory_space<semaphore_mem>>
      %dma_start3A_267 = tpu.memref_squeeze %dma_start3A_266 : memref<1x!tpu.dma_semaphore, #tpu.memory_space<semaphore_mem>> -> memref<!tpu.dma_semaphore, #tpu.memory_space<semaphore_mem>>
      %dma_start3A_268 = arith.constant 0 : i32
      %dma_start3A_269 = tpu.memref_slice %arg3[%mul3A_263, %dma_start3A_268] : memref<1000000x16xf32, #tpu.memory_space<hbm>> -> memref<2000x16xf32, #tpu.memory_space<hbm>>
      tpu.enqueue_dma source(%arg5 : memref<2000x16xf32, #tpu.memory_space<vmem>>) target(%dma_start3A_269 : memref<2000x16xf32, #tpu.memory_space<hbm>>) target_semaphore(%dma_start3A_267 : memref<!tpu.dma_semaphore, #tpu.memory_space<semaphore_mem>>)
    } else {
    }
    %add3A_201 = arith.constant 448 : i32
    %add3A_202 = arith.addi %add3A, %add3A_201 : i32
    %lt3A_203 = arith.constant 500 : i32
    %lt3A_204 = arith.cmpi slt, %add3A_202, %lt3A_203 : i32
    %convert_element_type3A_205 = arith.extui %lt3A_204 : i1 to i32
    %cond3A_206 = arith.constant 0 : i32
    %cond3A_207 = arith.cmpi ne, %convert_element_type3A_205, %cond3A_206 : i32
    scf.if %cond3A_207 {
      %add3A_243 = arith.constant 464 : i32
      %add3A_244 = arith.addi %add3A, %add3A_243 : i32
      %lt3A_245 = arith.constant 500 : i32
      %lt3A_246 = arith.cmpi slt, %add3A_244, %lt3A_245 : i32
      %convert_element_type3A_247 = arith.extui %lt3A_246 : i1 to i32
      %cond3A_248 = arith.constant 0 : i32
      %cond3A_249 = arith.cmpi ne, %convert_element_type3A_247, %cond3A_248 : i32
      scf.if %cond3A_249 {
        %add3A_270 = arith.constant 432 : i32
        %add3A_271 = arith.addi %add3A, %add3A_270 : i32
        %mul3A_272 = arith.constant 2000 : i32
        %mul3A_273 = arith.muli %add3A_271, %mul3A_272 : i32
        %dma_wait3A_274 = arith.constant 1 : i32
        %dma_wait3A_275 = arith.constant 0 : i32
        %dma_wait3A_276 = tpu.memref_slice %arg3[%mul3A_273, %dma_wait3A_275] : memref<1000000x16xf32, #tpu.memory_space<hbm>> -> memref<2000x16xf32, #tpu.memory_space<hbm>>
        %dma_wait3A_277 = tpu.memref_slice %arg7[%dma_wait3A_274] : memref<2x!tpu.dma_semaphore, #tpu.memory_space<semaphore_mem>> -> memref<1x!tpu.dma_semaphore, #tpu.memory_space<semaphore_mem>>
        %dma_wait3A_278 = tpu.memref_squeeze %dma_wait3A_277 : memref<1x!tpu.dma_semaphore, #tpu.memory_space<semaphore_mem>> -> memref<!tpu.dma_semaphore, #tpu.memory_space<semaphore_mem>>
        %dma_wait3A_279 = arith.constant 0 : i32
        %dma_wait3A_280 = tpu.memref_slice %arg3[%mul3A_273, %dma_wait3A_279] : memref<1000000x16xf32, #tpu.memory_space<hbm>> -> memref<2000x16xf32, #tpu.memory_space<hbm>>
        tpu.wait_dma2 semaphore(%dma_wait3A_278 : memref<!tpu.dma_semaphore, #tpu.memory_space<semaphore_mem>>) src(%arg5 : memref<2000x16xf32, #tpu.memory_space<vmem>>) dst(%dma_wait3A_280 : memref<2000x16xf32, #tpu.memory_space<hbm>>)
        %add3A_281 = arith.constant 464 : i32
        %add3A_282 = arith.addi %add3A, %add3A_281 : i32
        %mul3A_283 = arith.constant 2000 : i32
        %mul3A_284 = arith.muli %add3A_282, %mul3A_283 : i32
        %dma_start3A_285 = arith.constant 1 : i32
        %dma_start3A_286 = arith.constant 0 : i32
        %dma_start3A_287 = tpu.memref_slice %arg2[%mul3A_284, %dma_start3A_286] : memref<1000000x16xf32, #tpu.memory_space<hbm>> -> memref<2000x16xf32, #tpu.memory_space<hbm>>
        %dma_start3A_288 = tpu.memref_slice %arg6[%dma_start3A_285] : memref<2x!tpu.dma_semaphore, #tpu.memory_space<semaphore_mem>> -> memref<1x!tpu.dma_semaphore, #tpu.memory_space<semaphore_mem>>
        %dma_start3A_289 = tpu.memref_squeeze %dma_start3A_288 : memref<1x!tpu.dma_semaphore, #tpu.memory_space<semaphore_mem>> -> memref<!tpu.dma_semaphore, #tpu.memory_space<semaphore_mem>>
        %dma_start3A_290 = arith.constant 0 : i32
        %dma_start3A_291 = tpu.memref_slice %arg2[%mul3A_284, %dma_start3A_290] : memref<1000000x16xf32, #tpu.memory_space<hbm>> -> memref<2000x16xf32, #tpu.memory_space<hbm>>
        tpu.enqueue_dma source(%dma_start3A_291 : memref<2000x16xf32, #tpu.memory_space<hbm>>) target(%arg5 : memref<2000x16xf32, #tpu.memory_space<vmem>>) target_semaphore(%dma_start3A_289 : memref<!tpu.dma_semaphore, #tpu.memory_space<semaphore_mem>>)
      } else {
      }
      %add3A_250 = arith.constant 448 : i32
      %add3A_251 = arith.addi %add3A, %add3A_250 : i32
      %mul3A_252 = arith.constant 2000 : i32
      %mul3A_253 = arith.muli %add3A_251, %mul3A_252 : i32
      %dma_wait3A = arith.constant 0 : i32
      %dma_wait3A_254 = arith.constant 0 : i32
      %dma_wait3A_255 = tpu.memref_slice %arg2[%mul3A_253, %dma_wait3A_254] : memref<1000000x16xf32, #tpu.memory_space<hbm>> -> memref<2000x16xf32, #tpu.memory_space<hbm>>
      %dma_wait3A_256 = tpu.memref_slice %arg6[%dma_wait3A] : memref<2x!tpu.dma_semaphore, #tpu.memory_space<semaphore_mem>> -> memref<1x!tpu.dma_semaphore, #tpu.memory_space<semaphore_mem>>
      %dma_wait3A_257 = tpu.memref_squeeze %dma_wait3A_256 : memref<1x!tpu.dma_semaphore, #tpu.memory_space<semaphore_mem>> -> memref<!tpu.dma_semaphore, #tpu.memory_space<semaphore_mem>>
      %dma_wait3A_258 = arith.constant 0 : i32
      %dma_wait3A_259 = tpu.memref_slice %arg2[%mul3A_253, %dma_wait3A_258] : memref<1000000x16xf32, #tpu.memory_space<hbm>> -> memref<2000x16xf32, #tpu.memory_space<hbm>>
      tpu.wait_dma2 semaphore(%dma_wait3A_257 : memref<!tpu.dma_semaphore, #tpu.memory_space<semaphore_mem>>) src(%dma_wait3A_259 : memref<2000x16xf32, #tpu.memory_space<hbm>>) dst(%arg4 : memref<2000x16xf32, #tpu.memory_space<vmem>>)
      %add3A_260 = arith.constant 448 : i32
      %add3A_261 = arith.addi %add3A, %add3A_260 : i32
      %mul3A_262 = arith.constant 2000 : i32
      %mul3A_263 = arith.muli %add3A_261, %mul3A_262 : i32
      %dma_start3A = arith.constant 0 : i32
      %dma_start3A_264 = arith.constant 0 : i32
      %dma_start3A_265 = tpu.memref_slice %arg3[%mul3A_263, %dma_start3A_264] : memref<1000000x16xf32, #tpu.memory_space<hbm>> -> memref<2000x16xf32, #tpu.memory_space<hbm>>
      %dma_start3A_266 = tpu.memref_slice %arg7[%dma_start3A] : memref<2x!tpu.dma_semaphore, #tpu.memory_space<semaphore_mem>> -> memref<1x!tpu.dma_semaphore, #tpu.memory_space<semaphore_mem>>
      %dma_start3A_267 = tpu.memref_squeeze %dma_start3A_266 : memref<1x!tpu.dma_semaphore, #tpu.memory_space<semaphore_mem>> -> memref<!tpu.dma_semaphore, #tpu.memory_space<semaphore_mem>>
      %dma_start3A_268 = arith.constant 0 : i32
      %dma_start3A_269 = tpu.memref_slice %arg3[%mul3A_263, %dma_start3A_268] : memref<1000000x16xf32, #tpu.memory_space<hbm>> -> memref<2000x16xf32, #tpu.memory_space<hbm>>
      tpu.enqueue_dma source(%arg4 : memref<2000x16xf32, #tpu.memory_space<vmem>>) target(%dma_start3A_269 : memref<2000x16xf32, #tpu.memory_space<hbm>>) target_semaphore(%dma_start3A_267 : memref<!tpu.dma_semaphore, #tpu.memory_space<semaphore_mem>>)
    } else {
    }
    %add3A_208 = arith.constant 464 : i32
    %add3A_209 = arith.addi %add3A, %add3A_208 : i32
    %lt3A_210 = arith.constant 500 : i32
    %lt3A_211 = arith.cmpi slt, %add3A_209, %lt3A_210 : i32
    %convert_element_type3A_212 = arith.extui %lt3A_211 : i1 to i32
    %cond3A_213 = arith.constant 0 : i32
    %cond3A_214 = arith.cmpi ne, %convert_element_type3A_212, %cond3A_213 : i32
    scf.if %cond3A_214 {
      %add3A_243 = arith.constant 480 : i32
      %add3A_244 = arith.addi %add3A, %add3A_243 : i32
      %lt3A_245 = arith.constant 500 : i32
      %lt3A_246 = arith.cmpi slt, %add3A_244, %lt3A_245 : i32
      %convert_element_type3A_247 = arith.extui %lt3A_246 : i1 to i32
      %cond3A_248 = arith.constant 0 : i32
      %cond3A_249 = arith.cmpi ne, %convert_element_type3A_247, %cond3A_248 : i32
      scf.if %cond3A_249 {
        %add3A_270 = arith.constant 448 : i32
        %add3A_271 = arith.addi %add3A, %add3A_270 : i32
        %mul3A_272 = arith.constant 2000 : i32
        %mul3A_273 = arith.muli %add3A_271, %mul3A_272 : i32
        %dma_wait3A_274 = arith.constant 0 : i32
        %dma_wait3A_275 = arith.constant 0 : i32
        %dma_wait3A_276 = tpu.memref_slice %arg3[%mul3A_273, %dma_wait3A_275] : memref<1000000x16xf32, #tpu.memory_space<hbm>> -> memref<2000x16xf32, #tpu.memory_space<hbm>>
        %dma_wait3A_277 = tpu.memref_slice %arg7[%dma_wait3A_274] : memref<2x!tpu.dma_semaphore, #tpu.memory_space<semaphore_mem>> -> memref<1x!tpu.dma_semaphore, #tpu.memory_space<semaphore_mem>>
        %dma_wait3A_278 = tpu.memref_squeeze %dma_wait3A_277 : memref<1x!tpu.dma_semaphore, #tpu.memory_space<semaphore_mem>> -> memref<!tpu.dma_semaphore, #tpu.memory_space<semaphore_mem>>
        %dma_wait3A_279 = arith.constant 0 : i32
        %dma_wait3A_280 = tpu.memref_slice %arg3[%mul3A_273, %dma_wait3A_279] : memref<1000000x16xf32, #tpu.memory_space<hbm>> -> memref<2000x16xf32, #tpu.memory_space<hbm>>
        tpu.wait_dma2 semaphore(%dma_wait3A_278 : memref<!tpu.dma_semaphore, #tpu.memory_space<semaphore_mem>>) src(%arg4 : memref<2000x16xf32, #tpu.memory_space<vmem>>) dst(%dma_wait3A_280 : memref<2000x16xf32, #tpu.memory_space<hbm>>)
        %add3A_281 = arith.constant 480 : i32
        %add3A_282 = arith.addi %add3A, %add3A_281 : i32
        %mul3A_283 = arith.constant 2000 : i32
        %mul3A_284 = arith.muli %add3A_282, %mul3A_283 : i32
        %dma_start3A_285 = arith.constant 0 : i32
        %dma_start3A_286 = arith.constant 0 : i32
        %dma_start3A_287 = tpu.memref_slice %arg2[%mul3A_284, %dma_start3A_286] : memref<1000000x16xf32, #tpu.memory_space<hbm>> -> memref<2000x16xf32, #tpu.memory_space<hbm>>
        %dma_start3A_288 = tpu.memref_slice %arg6[%dma_start3A_285] : memref<2x!tpu.dma_semaphore, #tpu.memory_space<semaphore_mem>> -> memref<1x!tpu.dma_semaphore, #tpu.memory_space<semaphore_mem>>
        %dma_start3A_289 = tpu.memref_squeeze %dma_start3A_288 : memref<1x!tpu.dma_semaphore, #tpu.memory_space<semaphore_mem>> -> memref<!tpu.dma_semaphore, #tpu.memory_space<semaphore_mem>>
        %dma_start3A_290 = arith.constant 0 : i32
        %dma_start3A_291 = tpu.memref_slice %arg2[%mul3A_284, %dma_start3A_290] : memref<1000000x16xf32, #tpu.memory_space<hbm>> -> memref<2000x16xf32, #tpu.memory_space<hbm>>
        tpu.enqueue_dma source(%dma_start3A_291 : memref<2000x16xf32, #tpu.memory_space<hbm>>) target(%arg4 : memref<2000x16xf32, #tpu.memory_space<vmem>>) target_semaphore(%dma_start3A_289 : memref<!tpu.dma_semaphore, #tpu.memory_space<semaphore_mem>>)
      } else {
      }
      %add3A_250 = arith.constant 464 : i32
      %add3A_251 = arith.addi %add3A, %add3A_250 : i32
      %mul3A_252 = arith.constant 2000 : i32
      %mul3A_253 = arith.muli %add3A_251, %mul3A_252 : i32
      %dma_wait3A = arith.constant 1 : i32
      %dma_wait3A_254 = arith.constant 0 : i32
      %dma_wait3A_255 = tpu.memref_slice %arg2[%mul3A_253, %dma_wait3A_254] : memref<1000000x16xf32, #tpu.memory_space<hbm>> -> memref<2000x16xf32, #tpu.memory_space<hbm>>
      %dma_wait3A_256 = tpu.memref_slice %arg6[%dma_wait3A] : memref<2x!tpu.dma_semaphore, #tpu.memory_space<semaphore_mem>> -> memref<1x!tpu.dma_semaphore, #tpu.memory_space<semaphore_mem>>
      %dma_wait3A_257 = tpu.memref_squeeze %dma_wait3A_256 : memref<1x!tpu.dma_semaphore, #tpu.memory_space<semaphore_mem>> -> memref<!tpu.dma_semaphore, #tpu.memory_space<semaphore_mem>>
      %dma_wait3A_258 = arith.constant 0 : i32
      %dma_wait3A_259 = tpu.memref_slice %arg2[%mul3A_253, %dma_wait3A_258] : memref<1000000x16xf32, #tpu.memory_space<hbm>> -> memref<2000x16xf32, #tpu.memory_space<hbm>>
      tpu.wait_dma2 semaphore(%dma_wait3A_257 : memref<!tpu.dma_semaphore, #tpu.memory_space<semaphore_mem>>) src(%dma_wait3A_259 : memref<2000x16xf32, #tpu.memory_space<hbm>>) dst(%arg5 : memref<2000x16xf32, #tpu.memory_space<vmem>>)
      %add3A_260 = arith.constant 464 : i32
      %add3A_261 = arith.addi %add3A, %add3A_260 : i32
      %mul3A_262 = arith.constant 2000 : i32
      %mul3A_263 = arith.muli %add3A_261, %mul3A_262 : i32
      %dma_start3A = arith.constant 1 : i32
      %dma_start3A_264 = arith.constant 0 : i32
      %dma_start3A_265 = tpu.memref_slice %arg3[%mul3A_263, %dma_start3A_264] : memref<1000000x16xf32, #tpu.memory_space<hbm>> -> memref<2000x16xf32, #tpu.memory_space<hbm>>
      %dma_start3A_266 = tpu.memref_slice %arg7[%dma_start3A] : memref<2x!tpu.dma_semaphore, #tpu.memory_space<semaphore_mem>> -> memref<1x!tpu.dma_semaphore, #tpu.memory_space<semaphore_mem>>
      %dma_start3A_267 = tpu.memref_squeeze %dma_start3A_266 : memref<1x!tpu.dma_semaphore, #tpu.memory_space<semaphore_mem>> -> memref<!tpu.dma_semaphore, #tpu.memory_space<semaphore_mem>>
      %dma_start3A_268 = arith.constant 0 : i32
      %dma_start3A_269 = tpu.memref_slice %arg3[%mul3A_263, %dma_start3A_268] : memref<1000000x16xf32, #tpu.memory_space<hbm>> -> memref<2000x16xf32, #tpu.memory_space<hbm>>
      tpu.enqueue_dma source(%arg5 : memref<2000x16xf32, #tpu.memory_space<vmem>>) target(%dma_start3A_269 : memref<2000x16xf32, #tpu.memory_space<hbm>>) target_semaphore(%dma_start3A_267 : memref<!tpu.dma_semaphore, #tpu.memory_space<semaphore_mem>>)
    } else {
    }
    %add3A_215 = arith.constant 480 : i32
    %add3A_216 = arith.addi %add3A, %add3A_215 : i32
    %lt3A_217 = arith.constant 500 : i32
    %lt3A_218 = arith.cmpi slt, %add3A_216, %lt3A_217 : i32
    %convert_element_type3A_219 = arith.extui %lt3A_218 : i1 to i32
    %cond3A_220 = arith.constant 0 : i32
    %cond3A_221 = arith.cmpi ne, %convert_element_type3A_219, %cond3A_220 : i32
    scf.if %cond3A_221 {
      %add3A_243 = arith.constant 496 : i32
      %add3A_244 = arith.addi %add3A, %add3A_243 : i32
      %lt3A_245 = arith.constant 500 : i32
      %lt3A_246 = arith.cmpi slt, %add3A_244, %lt3A_245 : i32
      %convert_element_type3A_247 = arith.extui %lt3A_246 : i1 to i32
      %cond3A_248 = arith.constant 0 : i32
      %cond3A_249 = arith.cmpi ne, %convert_element_type3A_247, %cond3A_248 : i32
      scf.if %cond3A_249 {
        %add3A_270 = arith.constant 464 : i32
        %add3A_271 = arith.addi %add3A, %add3A_270 : i32
        %mul3A_272 = arith.constant 2000 : i32
        %mul3A_273 = arith.muli %add3A_271, %mul3A_272 : i32
        %dma_wait3A_274 = arith.constant 1 : i32
        %dma_wait3A_275 = arith.constant 0 : i32
        %dma_wait3A_276 = tpu.memref_slice %arg3[%mul3A_273, %dma_wait3A_275] : memref<1000000x16xf32, #tpu.memory_space<hbm>> -> memref<2000x16xf32, #tpu.memory_space<hbm>>
        %dma_wait3A_277 = tpu.memref_slice %arg7[%dma_wait3A_274] : memref<2x!tpu.dma_semaphore, #tpu.memory_space<semaphore_mem>> -> memref<1x!tpu.dma_semaphore, #tpu.memory_space<semaphore_mem>>
        %dma_wait3A_278 = tpu.memref_squeeze %dma_wait3A_277 : memref<1x!tpu.dma_semaphore, #tpu.memory_space<semaphore_mem>> -> memref<!tpu.dma_semaphore, #tpu.memory_space<semaphore_mem>>
        %dma_wait3A_279 = arith.constant 0 : i32
        %dma_wait3A_280 = tpu.memref_slice %arg3[%mul3A_273, %dma_wait3A_279] : memref<1000000x16xf32, #tpu.memory_space<hbm>> -> memref<2000x16xf32, #tpu.memory_space<hbm>>
        tpu.wait_dma2 semaphore(%dma_wait3A_278 : memref<!tpu.dma_semaphore, #tpu.memory_space<semaphore_mem>>) src(%arg5 : memref<2000x16xf32, #tpu.memory_space<vmem>>) dst(%dma_wait3A_280 : memref<2000x16xf32, #tpu.memory_space<hbm>>)
        %add3A_281 = arith.constant 496 : i32
        %add3A_282 = arith.addi %add3A, %add3A_281 : i32
        %mul3A_283 = arith.constant 2000 : i32
        %mul3A_284 = arith.muli %add3A_282, %mul3A_283 : i32
        %dma_start3A_285 = arith.constant 1 : i32
        %dma_start3A_286 = arith.constant 0 : i32
        %dma_start3A_287 = tpu.memref_slice %arg2[%mul3A_284, %dma_start3A_286] : memref<1000000x16xf32, #tpu.memory_space<hbm>> -> memref<2000x16xf32, #tpu.memory_space<hbm>>
        %dma_start3A_288 = tpu.memref_slice %arg6[%dma_start3A_285] : memref<2x!tpu.dma_semaphore, #tpu.memory_space<semaphore_mem>> -> memref<1x!tpu.dma_semaphore, #tpu.memory_space<semaphore_mem>>
        %dma_start3A_289 = tpu.memref_squeeze %dma_start3A_288 : memref<1x!tpu.dma_semaphore, #tpu.memory_space<semaphore_mem>> -> memref<!tpu.dma_semaphore, #tpu.memory_space<semaphore_mem>>
        %dma_start3A_290 = arith.constant 0 : i32
        %dma_start3A_291 = tpu.memref_slice %arg2[%mul3A_284, %dma_start3A_290] : memref<1000000x16xf32, #tpu.memory_space<hbm>> -> memref<2000x16xf32, #tpu.memory_space<hbm>>
        tpu.enqueue_dma source(%dma_start3A_291 : memref<2000x16xf32, #tpu.memory_space<hbm>>) target(%arg5 : memref<2000x16xf32, #tpu.memory_space<vmem>>) target_semaphore(%dma_start3A_289 : memref<!tpu.dma_semaphore, #tpu.memory_space<semaphore_mem>>)
      } else {
      }
      %add3A_250 = arith.constant 480 : i32
      %add3A_251 = arith.addi %add3A, %add3A_250 : i32
      %mul3A_252 = arith.constant 2000 : i32
      %mul3A_253 = arith.muli %add3A_251, %mul3A_252 : i32
      %dma_wait3A = arith.constant 0 : i32
      %dma_wait3A_254 = arith.constant 0 : i32
      %dma_wait3A_255 = tpu.memref_slice %arg2[%mul3A_253, %dma_wait3A_254] : memref<1000000x16xf32, #tpu.memory_space<hbm>> -> memref<2000x16xf32, #tpu.memory_space<hbm>>
      %dma_wait3A_256 = tpu.memref_slice %arg6[%dma_wait3A] : memref<2x!tpu.dma_semaphore, #tpu.memory_space<semaphore_mem>> -> memref<1x!tpu.dma_semaphore, #tpu.memory_space<semaphore_mem>>
      %dma_wait3A_257 = tpu.memref_squeeze %dma_wait3A_256 : memref<1x!tpu.dma_semaphore, #tpu.memory_space<semaphore_mem>> -> memref<!tpu.dma_semaphore, #tpu.memory_space<semaphore_mem>>
      %dma_wait3A_258 = arith.constant 0 : i32
      %dma_wait3A_259 = tpu.memref_slice %arg2[%mul3A_253, %dma_wait3A_258] : memref<1000000x16xf32, #tpu.memory_space<hbm>> -> memref<2000x16xf32, #tpu.memory_space<hbm>>
      tpu.wait_dma2 semaphore(%dma_wait3A_257 : memref<!tpu.dma_semaphore, #tpu.memory_space<semaphore_mem>>) src(%dma_wait3A_259 : memref<2000x16xf32, #tpu.memory_space<hbm>>) dst(%arg4 : memref<2000x16xf32, #tpu.memory_space<vmem>>)
      %add3A_260 = arith.constant 480 : i32
      %add3A_261 = arith.addi %add3A, %add3A_260 : i32
      %mul3A_262 = arith.constant 2000 : i32
      %mul3A_263 = arith.muli %add3A_261, %mul3A_262 : i32
      %dma_start3A = arith.constant 0 : i32
      %dma_start3A_264 = arith.constant 0 : i32
      %dma_start3A_265 = tpu.memref_slice %arg3[%mul3A_263, %dma_start3A_264] : memref<1000000x16xf32, #tpu.memory_space<hbm>> -> memref<2000x16xf32, #tpu.memory_space<hbm>>
      %dma_start3A_266 = tpu.memref_slice %arg7[%dma_start3A] : memref<2x!tpu.dma_semaphore, #tpu.memory_space<semaphore_mem>> -> memref<1x!tpu.dma_semaphore, #tpu.memory_space<semaphore_mem>>
      %dma_start3A_267 = tpu.memref_squeeze %dma_start3A_266 : memref<1x!tpu.dma_semaphore, #tpu.memory_space<semaphore_mem>> -> memref<!tpu.dma_semaphore, #tpu.memory_space<semaphore_mem>>
      %dma_start3A_268 = arith.constant 0 : i32
      %dma_start3A_269 = tpu.memref_slice %arg3[%mul3A_263, %dma_start3A_268] : memref<1000000x16xf32, #tpu.memory_space<hbm>> -> memref<2000x16xf32, #tpu.memory_space<hbm>>
      tpu.enqueue_dma source(%arg4 : memref<2000x16xf32, #tpu.memory_space<vmem>>) target(%dma_start3A_269 : memref<2000x16xf32, #tpu.memory_space<hbm>>) target_semaphore(%dma_start3A_267 : memref<!tpu.dma_semaphore, #tpu.memory_space<semaphore_mem>>)
    } else {
    }
    %add3A_222 = arith.constant 496 : i32
    %add3A_223 = arith.addi %add3A, %add3A_222 : i32
    %lt3A_224 = arith.constant 500 : i32
    %lt3A_225 = arith.cmpi slt, %add3A_223, %lt3A_224 : i32
    %convert_element_type3A_226 = arith.extui %lt3A_225 : i1 to i32
    %cond3A_227 = arith.constant 0 : i32
    %cond3A_228 = arith.cmpi ne, %convert_element_type3A_226, %cond3A_227 : i32
    scf.if %cond3A_228 {
      %add3A_243 = arith.constant 496 : i32
      %add3A_244 = arith.addi %add3A, %add3A_243 : i32
      %mul3A_245 = arith.constant 2000 : i32
      %mul3A_246 = arith.muli %add3A_244, %mul3A_245 : i32
      %dma_wait3A = arith.constant 1 : i32
      %dma_wait3A_247 = arith.constant 0 : i32
      %dma_wait3A_248 = tpu.memref_slice %arg2[%mul3A_246, %dma_wait3A_247] : memref<1000000x16xf32, #tpu.memory_space<hbm>> -> memref<2000x16xf32, #tpu.memory_space<hbm>>
      %dma_wait3A_249 = tpu.memref_slice %arg6[%dma_wait3A] : memref<2x!tpu.dma_semaphore, #tpu.memory_space<semaphore_mem>> -> memref<1x!tpu.dma_semaphore, #tpu.memory_space<semaphore_mem>>
      %dma_wait3A_250 = tpu.memref_squeeze %dma_wait3A_249 : memref<1x!tpu.dma_semaphore, #tpu.memory_space<semaphore_mem>> -> memref<!tpu.dma_semaphore, #tpu.memory_space<semaphore_mem>>
      %dma_wait3A_251 = arith.constant 0 : i32
      %dma_wait3A_252 = tpu.memref_slice %arg2[%mul3A_246, %dma_wait3A_251] : memref<1000000x16xf32, #tpu.memory_space<hbm>> -> memref<2000x16xf32, #tpu.memory_space<hbm>>
      tpu.wait_dma2 semaphore(%dma_wait3A_250 : memref<!tpu.dma_semaphore, #tpu.memory_space<semaphore_mem>>) src(%dma_wait3A_252 : memref<2000x16xf32, #tpu.memory_space<hbm>>) dst(%arg5 : memref<2000x16xf32, #tpu.memory_space<vmem>>)
      %add3A_253 = arith.constant 496 : i32
      %add3A_254 = arith.addi %add3A, %add3A_253 : i32
      %mul3A_255 = arith.constant 2000 : i32
      %mul3A_256 = arith.muli %add3A_254, %mul3A_255 : i32
      %dma_start3A = arith.constant 1 : i32
      %dma_start3A_257 = arith.constant 0 : i32
      %dma_start3A_258 = tpu.memref_slice %arg3[%mul3A_256, %dma_start3A_257] : memref<1000000x16xf32, #tpu.memory_space<hbm>> -> memref<2000x16xf32, #tpu.memory_space<hbm>>
      %dma_start3A_259 = tpu.memref_slice %arg7[%dma_start3A] : memref<2x!tpu.dma_semaphore, #tpu.memory_space<semaphore_mem>> -> memref<1x!tpu.dma_semaphore, #tpu.memory_space<semaphore_mem>>
      %dma_start3A_260 = tpu.memref_squeeze %dma_start3A_259 : memref<1x!tpu.dma_semaphore, #tpu.memory_space<semaphore_mem>> -> memref<!tpu.dma_semaphore, #tpu.memory_space<semaphore_mem>>
      %dma_start3A_261 = arith.constant 0 : i32
      %dma_start3A_262 = tpu.memref_slice %arg3[%mul3A_256, %dma_start3A_261] : memref<1000000x16xf32, #tpu.memory_space<hbm>> -> memref<2000x16xf32, #tpu.memory_space<hbm>>
      tpu.enqueue_dma source(%arg5 : memref<2000x16xf32, #tpu.memory_space<vmem>>) target(%dma_start3A_262 : memref<2000x16xf32, #tpu.memory_space<hbm>>) target_semaphore(%dma_start3A_260 : memref<!tpu.dma_semaphore, #tpu.memory_space<semaphore_mem>>)
    } else {
    }
    %add3A_229 = arith.constant 480 : i32
    %add3A_230 = arith.addi %add3A, %add3A_229 : i32
    %lt3A_231 = arith.constant 500 : i32
    %lt3A_232 = arith.cmpi slt, %add3A_230, %lt3A_231 : i32
    %convert_element_type3A_233 = arith.extui %lt3A_232 : i1 to i32
    %cond3A_234 = arith.constant 0 : i32
    %cond3A_235 = arith.cmpi ne, %convert_element_type3A_233, %cond3A_234 : i32
    scf.if %cond3A_235 {
      %add3A_243 = arith.constant 480 : i32
      %add3A_244 = arith.addi %add3A, %add3A_243 : i32
      %mul3A_245 = arith.constant 2000 : i32
      %mul3A_246 = arith.muli %add3A_244, %mul3A_245 : i32
      %dma_wait3A = arith.constant 0 : i32
      %dma_wait3A_247 = arith.constant 0 : i32
      %dma_wait3A_248 = tpu.memref_slice %arg3[%mul3A_246, %dma_wait3A_247] : memref<1000000x16xf32, #tpu.memory_space<hbm>> -> memref<2000x16xf32, #tpu.memory_space<hbm>>
      %dma_wait3A_249 = tpu.memref_slice %arg7[%dma_wait3A] : memref<2x!tpu.dma_semaphore, #tpu.memory_space<semaphore_mem>> -> memref<1x!tpu.dma_semaphore, #tpu.memory_space<semaphore_mem>>
      %dma_wait3A_250 = tpu.memref_squeeze %dma_wait3A_249 : memref<1x!tpu.dma_semaphore, #tpu.memory_space<semaphore_mem>> -> memref<!tpu.dma_semaphore, #tpu.memory_space<semaphore_mem>>
      %dma_wait3A_251 = arith.constant 0 : i32
      %dma_wait3A_252 = tpu.memref_slice %arg3[%mul3A_246, %dma_wait3A_251] : memref<1000000x16xf32, #tpu.memory_space<hbm>> -> memref<2000x16xf32, #tpu.memory_space<hbm>>
      tpu.wait_dma2 semaphore(%dma_wait3A_250 : memref<!tpu.dma_semaphore, #tpu.memory_space<semaphore_mem>>) src(%arg4 : memref<2000x16xf32, #tpu.memory_space<vmem>>) dst(%dma_wait3A_252 : memref<2000x16xf32, #tpu.memory_space<hbm>>)
    } else {
    }
    %add3A_236 = arith.constant 496 : i32
    %add3A_237 = arith.addi %add3A, %add3A_236 : i32
    %lt3A_238 = arith.constant 500 : i32
    %lt3A_239 = arith.cmpi slt, %add3A_237, %lt3A_238 : i32
    %convert_element_type3A_240 = arith.extui %lt3A_239 : i1 to i32
    %cond3A_241 = arith.constant 0 : i32
    %cond3A_242 = arith.cmpi ne, %convert_element_type3A_240, %cond3A_241 : i32
    scf.if %cond3A_242 {
      %add3A_243 = arith.constant 496 : i32
      %add3A_244 = arith.addi %add3A, %add3A_243 : i32
      %mul3A_245 = arith.constant 2000 : i32
      %mul3A_246 = arith.muli %add3A_244, %mul3A_245 : i32
      %dma_wait3A = arith.constant 1 : i32
      %dma_wait3A_247 = arith.constant 0 : i32
      %dma_wait3A_248 = tpu.memref_slice %arg3[%mul3A_246, %dma_wait3A_247] : memref<1000000x16xf32, #tpu.memory_space<hbm>> -> memref<2000x16xf32, #tpu.memory_space<hbm>>
      %dma_wait3A_249 = tpu.memref_slice %arg7[%dma_wait3A] : memref<2x!tpu.dma_semaphore, #tpu.memory_space<semaphore_mem>> -> memref<1x!tpu.dma_semaphore, #tpu.memory_space<semaphore_mem>>
      %dma_wait3A_250 = tpu.memref_squeeze %dma_wait3A_249 : memref<1x!tpu.dma_semaphore, #tpu.memory_space<semaphore_mem>> -> memref<!tpu.dma_semaphore, #tpu.memory_space<semaphore_mem>>
      %dma_wait3A_251 = arith.constant 0 : i32
      %dma_wait3A_252 = tpu.memref_slice %arg3[%mul3A_246, %dma_wait3A_251] : memref<1000000x16xf32, #tpu.memory_space<hbm>> -> memref<2000x16xf32, #tpu.memory_space<hbm>>
      tpu.wait_dma2 semaphore(%dma_wait3A_250 : memref<!tpu.dma_semaphore, #tpu.memory_space<semaphore_mem>>) src(%arg5 : memref<2000x16xf32, #tpu.memory_space<vmem>>) dst(%dma_wait3A_252 : memref<2000x16xf32, #tpu.memory_space<hbm>>)
    } else {
    }
    return
  }
}

</mosaic_0001>

<sc_bundles>
// kernel: kernel.3.cloned.1.call-start
scs
__scs_entry_jumppad:
0x0: {  	(pc) =	sbr.rel $0x88, $3  }
0x1: {  	(tag) =	ssettag $0x0;
	lr =	simm.s32 $0x1  }
0x2: {  	[smem:$0x3FA0] =	sst lr;
	_ =	strace $0xD0000000  }
0x3: {  	_ = 	snop  }
0x4: {  	_ = 	snop  }
0x5: {  	_ = 	snop  }
0x6: {  	_ = 	snop  }
0x7: {  	_ = 	snop  }
__scs_overlays_trampoline_lowered:
0x8: {  	[smem:$0x3FAF] =	sst s0  }
0x9: {  	[smem:$0x3FB0] =	sst s1  }
0xa: {  	[smem:$0x3FB1] =	sst s2  }
0xb: {  	[smem:$0x3FB2] =	sst s3  }
0xc: {  	[smem:$0x3FB3] =	sst s4  }
0xd: {  	[smem:$0x3FB4] =	sst s5  }
0xe: {  	[smem:$0x3FB5] =	sst s6  }
0xf: {  	[smem:$0x3FB6] =	sst s7  }
0x10: {  	[smem:$0x3FB7] =	sst s8  }
0x11: {  	[smem:$0x3FB8] =	sst s9;
	s0 =	simm.s32 @!p0 $0x0  }
0x12: {  	s1 =	sld [smem:$0x3F9E];
	s0 =	simm.s32 @p0 $0x1  }
0x13: {  	[smem:$0x3FB9] =	sst s0;
	s0 =	simm.s32 @!p1 $0x0  }
0x14: {  	s2 =	sld [smem:$0x3F9D];
	s0 =	simm.s32 @p1 $0x1  }
0x15: {  	[smem:$0x3FBA] =	sst s0;
	s0 =	simm.s32 @!p2 $0x0  }
0x16: {  	s3 =	sld [smem:$0x3FDB];
	s0 =	simm.s32 @p2 $0x1  }
0x17: {  	s4 =	simm.s32 $0x1BF5;
	[smem:$0x3FBC] =	sst s0  }
0x18: {  	s0 =	sld [smem:$0x3F9F];
	_ =	swait.ge [sflag:s4], $0x0  }
0x19: {  	s7 =	sld [smem:$0x3FA0]  }
0x1a: {  	s8 =	sadd.s32 $0xFFFFE003, lr  }
0x1b: {  	s9 =	sadd.s32 $0xFFFFFEF7, lr;
	s5 =	simm.s32 $0xFFFFFFFF;
	p2 =	slt.u32 s8, $0xFFFFF086  }
0x1c: {  	p1 =	slt.u32 s9, $0xF7A;
	s5 =	simm.s32 @!p2 $0x0  }
0x1d: {  	s5 =	simm.s32 @p1 $0x1;
	p0 =	seq.s32 s7, s2  }
0x1e: {  	s7 =	smul.u32 @!p0 $0xF7A, s2;
	p2 =	seq.s32 @!p0 s5, $0x0  }
0x1f: {  	s9 =	smul.u32 $0xF7A, s1;
	s8 =	simm.s32 @!p0 $0x1BF5;
	p2 =	por !p2, p0  }
0x20: {  	[sflag:s8] =	ssyncset.s32 @!p0 $0xFFFFF086;
	s6 =	sadd.s32 @!p0 s3, s7;
	s7 =	simm.s32 @!p0 $0x108  }
0x21: {  	s3 =	sadd.s32 s3, s9;
	s6 =	sadd.s32 @!p0 $0x88, s6;
	s7 =	simm.s32 @p2 $0x1082  }
0x22: {  	[simem:s7], [sflag:s8] =	dma.local @!p0 [hbm:s6], $0xF7A  }
0x23: {  	s9 =	sor.u32 $0xD0000000, s2;
	s6 =	simm.s32 $0x108;
	_ =	swait.ge @!p0 [sflag:s8], $0x0  }
0x24: {  	s3 =	sadd.s32 $0x88, s3;
	s6 =	simm.s32 @!p1 $0x1082;
	[sflag:s4] =	ssyncset.s32 $0xFFFFF086  }
0x25: {  	[simem:s6], [sflag:s4] =	dma.local [hbm:s3], $0xF7A  }
0x26: {  	[smem:$0x3FA0] =	sst s1;
	(tag) =	ssettag s2;
	_ =	strace s9  }
0x27: {  	s1 =	sld [smem:$0x3FB0]  }
0x28: {  	s2 =	sld [smem:$0x3FB1]  }
0x29: {  	s4 =	sld [smem:$0x3FB3]  }
0x2a: {  	p0 =	seq.s32 s5, $0x0;
	s5 =	sld [smem:$0x3FB4]  }
0x2b: {  	s6 =	sld [smem:$0x3FB5]  }
0x2c: {  	s7 =	sld [smem:$0x3FB6]  }
0x2d: {  	s3 =	simm.s32 $0x108;
	s8 =	sld [smem:$0x3FB7]  }
0x2e: {  	s3 =	simm.s32 @!p0 $0x1082;
	s9 =	sld [smem:$0x3FB8]  }
0x2f: {  	lr =	sadd.s32 s0, s3;
	s0 =	sld [smem:$0x3FAF]  }
0x30: {  	s3 =	sld [smem:$0x3FB2]  }
0x31: {  	[smem:$0x3FBB] =	sst s10  }
0x32: {  	s10 =	sld [smem:$0x3FB9];
	_ =	sdelay $0x3  }
0x33: {  	p0 =	seq.s32 s10, $0x1;
	s10 =	sld [smem:$0x3FBB];
	_ =	sdelay $0x3  }
0x34: {  	[smem:$0x3FBB] =	sst s10  }
0x35: {  	s10 =	sld [smem:$0x3FBA];
	_ =	sdelay $0x3  }
0x36: {  	p1 =	seq.s32 s10, $0x1;
	s10 =	sld [smem:$0x3FBB];
	_ =	sdelay $0x3  }
0x37: {  	[smem:$0x3FBB] =	sst s10  }
0x38: {  	s10 =	sld [smem:$0x3FBC]  }
0x39: {  	_ = 	snop;
	(pc) =	sbr.ind lr, $3  }
0x3a: {  	_ = 	snop  }
0x3b: {  	_ = 	snop  }
0x3c: {  	p2 =	seq.s32 s10, $0x1;
	s10 =	sld [smem:$0x3FBB]  }
0x3d: {  	_ =	shalt  }
0x3e: {  	_ =	shalt  }
0x3f: {  	_ =	shalt  }
0x40: {  	_ =	shalt  }
0x41: {  	_ =	shalt  }
0x42: {  	_ =	shalt  }
0x43: {  	_ =	shalt  }
0x44: {  	_ =	shalt  }
0x45: {  	_ =	shalt  }
0x46: {  	_ =	shalt  }
0x47: {  	_ =	shalt  }
0x48: {  	_ =	shalt  }
0x49: {  	_ =	shalt  }
0x4a: {  	_ =	shalt  }
0x4b: {  	_ =	shalt  }
0x4c: {  	_ =	shalt  }
0x4d: {  	_ =	shalt  }
0x4e: {  	_ =	shalt  }
0x4f: {  	_ =	shalt  }
0x50: {  	_ =	shalt  }
0x51: {  	_ =	shalt  }
0x52: {  	_ =	shalt  }
0x53: {  	_ =	shalt  }
0x54: {  	_ =	shalt  }
0x55: {  	_ =	shalt  }
0x56: {  	_ =	shalt  }
0x57: {  	_ =	shalt  }
0x58: {  	_ =	shalt  }
0x59: {  	_ =	shalt  }
0x5a: {  	_ =	shalt  }
0x5b: {  	_ =	shalt  }
0x5c: {  	_ =	shalt  }
0x5d: {  	_ =	shalt  }
0x5e: {  	_ =	shalt  }
0x5f: {  	_ =	shalt  }
0x60: {  	_ =	shalt  }
0x61: {  	_ =	shalt  }
0x62: {  	_ =	shalt  }
0x63: {  	_ =	shalt  }
0x64: {  	_ =	shalt  }
0x65: {  	_ =	shalt  }
0x66: {  	_ =	shalt  }
0x67: {  	_ =	shalt  }
0x68: {  	_ =	shalt  }
0x69: {  	_ =	shalt  }
0x6a: {  	_ =	shalt  }
0x6b: {  	_ =	shalt  }
0x6c: {  	_ =	shalt  }
0x6d: {  	_ =	shalt  }
0x6e: {  	_ =	shalt  }
0x6f: {  	_ =	shalt  }
0x70: {  	_ =	shalt  }
0x71: {  	_ =	shalt  }
0x72: {  	_ =	shalt  }
0x73: {  	_ =	shalt  }
0x74: {  	_ =	shalt  }
0x75: {  	_ =	shalt  }
0x76: {  	_ =	shalt  }
0x77: {  	_ =	shalt  }
0x78: {  	_ =	shalt  }
0x79: {  	_ =	shalt  }
0x7a: {  	_ =	shalt  }
0x7b: {  	_ =	shalt  }
0x7c: {  	_ =	shalt  }
0x7d: {  	_ =	shalt  }
0x7e: {  	_ =	shalt  }
0x7f: {  	_ =	shalt  }
0x80: {  	_ =	shalt  }
0x81: {  	_ =	shalt  }
0x82: {  	_ =	shalt  }
0x83: {  	_ =	shalt  }
0x84: {  	_ =	shalt  }
0x85: {  	_ =	shalt  }
0x86: {  	_ =	shalt  }
0x87: {  	_ =	shalt  }
.Lfunc_end0:
.L_simem_size_0:
called_computation.1_lowered:
.L_overlay_start_0:
0x88: {  	s0 =	sld [smem:$0x3FD9]  }
0x89: {  	s1 =	sld [smem:$0x3FFE];
	_ =	sdelay $0x3  }
0x8a: {  	s0 =	sadd.s32 s1, s0  }
0x8b: {  	[smem:$0x3FC7] =	sst s0  }
0x8c: {  	_ = 	snop  }
0x8d: {  	s0 =	sld [smem:$0x3FD0];
	(tm) =	ssettm $0x1  }
0x8e: {  	s16 =	sld [smem:$0x3FFB];
	_ =	sdelay $0x3  }
0x8f: {  	_ =	strace s16  }
0x90: {  	s1 =	sld [smem:$0x3FFC];
	_ =	sdelay $0x3  }
0x91: {  	_ =	strace s1  }
0x92: {  	s1 =	sld [smem:$0x3FFD];
	_ =	sdelay $0x3  }
0x93: {  	_ =	strace s1  }
0x94: {  	_ =	strace $0x8FFFFFFF  }
0x95: {  	s17 =	sld [smem:$0x3FDB];
	_ =	sdelay $0x1  }
0x96: {  	s2 =	simm.s32 $_scs_section_size  }
0x97: {  	s3 =	simm.s32 $_size__tile_overlayer_lowered;
	s4 =	simm.s32 $_tile_overlayer_lowered  }
0x98: {  	s20 =	simm.s32 $0x1BFF;
	s19 =	sshll.u32 s4, $0x1;
	s1 =	sadd.s32 s2, s17  }
0x99: {  	s5 =	simm.s32 $0x0;
	s18 =	sshll.u32 s3, $0x1;
	s3 =	sadd.s32 s19, s1  }
0x9a: {  	[timem:s5], [sflag:s20] =	dma.local [hbm:s3], s18  }
0x9b: {  	_ =	swait.ge [sflag:s20], s18  }
0x9c: {  	s2 =	ssub.s32 $0x0, s18;
	[sflag:s20] =	ssyncset.done $0x0  }
0x9d: {  	[sflag:s20] =	ssyncadd.s32 s2;
	_ =	sdelay $0x1  }
0x9e: {  	s21 =	simm.s32 $0x1B8B  }
0x9f: {  	_ =	swait.ge [sflag:s21], $0x1  }
0xa0: {  	[sflag:s21] =	ssyncset.done $0x0  }
0xa1: {  	s23 =	simm.s32 $0x1B8E;
	s22 =	sld [smem:$0x3FFE];
	[sflag:s21] =	ssyncadd.s32 $0xFFFFFFFF  }
0xa2: {  	s24 =	simm.s32 $execute0_lowered;
	[smem:$0x3FD2] =	sst s23  }
0xa3: {  	s3 =	sshll.u32 s24, $0x1;
	_ =	strace $0x80000046;
	[dreg:$0x1] =	wrdreg $0xFFFFFFFF  }
0xa4: {  	s25 =	simm.s32 $_size_execute0_lowered;
	s1 =	sadd.s32 s1, s3;
	[dreg:$0x0] =	wrdreg $0x0  }
0xa5: {  	s3 =	sshll.u32 s25, $0x1;
	[dreg:$0x2] =	wrdreg s1  }
0xa6: {  	[dreg:$0x3] =	wrdreg s3  }
0xa7: {  	[dreg:$0x4] =	wrdreg $0xC0  }
0xa8: {  	_ =	task [dreg:s5], $0x5FFFF  }
0xa9: {  	[dreg:$0x1] =	wrdreg $0xFFFFFFFF  }
0xaa: {  	[dreg:$0x0] =	wrdreg $0x60  }
0xab: {  	[dreg:$0x2] =	wrdreg s0  }
0xac: {  	[dreg:$0x3] =	wrdreg s22  }
0xad: {  	[dreg:$0x4] =	wrdreg $0x9  }
0xae: {  	_ =	task.clear_ibuf [dreg:s5], $0x5FFFF;
	_ =	strace $0x90000046  }
0xaf: {  	s26 =	simm.s32 $0x9;
	_ =	strace $0x80000048  }
0xb0: {  	_ =	swait.ge [sflag:s26], $0x1  }
0xb1: {  	[sflag:s26] =	ssyncadd.s32 $0xFFFFFFFF  }
0xb2: {  	_ =	strace $0x90000048  }
0xb3: {  	_ =	sfence  }
0xb4: {  	s28 =	sld [smem:$0x0];
	_ =	sdelay $0x1  }
0xb5: {  	s29 =	srdreg.scid  }
0xb6: {  	s30 =	sshll.u32 s29, $0xD;
	s31 =	sshrl.u32 s29, $0x2  }
0xb7: {  	s2 =	sand.u32 $0x4000, s30;
	s1 =	sand.u32 $0x1, s29;
	s0 =	sadd.s32 s31, s28  }
0xb8: {  	s1 =	sor.u32 s2, s1;
	s0 =	sshll.u32 s0, $0x11  }
0xb9: {  	s0 =	sor.u32 s0, s1  }
0xba: {  	s0 =	sadd.s32 $0x8F2B, s0  }
0xbb: {  	[sflag:s0] =	ssyncadd.remote.s32 $0x1  }
0xbc: {  	_ =	sfence.sel $0xFFFF  }
0xbd: {  	[dreg:$0x0] =	wrdreg $0xFFFFFFFF;
	(pc) =	sbr.abs _section_cstart, $3  }
0xbe: {  	[dreg:$0x1] =	wrdreg $0xFFFFFFFF  }
0xbf: {  	_ =	task.clear_ibuf [dreg:s5], $0x2FFFF;
	_ =	strace $0x9FFFFFFF  }
0xc0: {  	(tm) =	ssettm $0x7FFFFFFF  }
0xc1: {  	_ =	shalt  }
tec
execute0_lowered:
.L_overlay_start_1:
0x0: {  	(tag) =	ssettag $0x1  }
0x1: {  	s2 =	rddreg [dreg:$0x0];
	s1 =	stileid.u32  }
0x2: {  	s3 =	rddreg [dreg:$0x1];
	s4 =	smul.u32 $0x7D00, s1  }
0x3: {  	s0 =	rddreg [dreg:$0x2];
	s5 =	simm.s32 $0x0;
	s9 =	smul.u32 $0xFA0, s1  }
0x4: {  	[smem:$0x7FF] =	sst s5;
	s7 =	sshrl.u32 s4, $0x3  }
0x5: {  	_ =	strace $0x80000047;
	s6 =	sadd.s32 s2, s9;
	s11 =	sadd.s32 $0xFA00, s7  }
0x6: {  	[tilespmem:s5], [sflag:$0x1] =	stream.linear.gather [hbm4b:s6+s5], $0x7D00, $0x38;
	[tilespmem:$0xFA00] =	vst v63  }
0x7: {  	s6 =	simm.s32 $0x7D00;
	s8 =	sadd.s32 s2, s11  }
0x8: {  	[tilespmem:s6], [sflag:$0x2] =	stream.linear.gather [hbm4b:s8+s5], $0x7D00, $0x38;
	[tilespmem:$0xFA00] =	vst v63  }
0x9: {  	s8 =	simm.s32 $0x1  }
0xa: {  	_ =	swait.ge [sflag:s8], $0x7D00  }
0xb: {  	s3 =	sadd.s32 $0x800, s3;
	[sflag:s8] =	ssyncset.done $0x0  }
0xc: {  	s9 =	sadd.s32 s3, s9;
	[sflag:s8] =	ssyncadd.s32 $0xFFFF8300  }
0xd: {  	[hbm4b:s9+s5] =	stream.linear.scatter [tilespmem:s5], [sflag:$0x3], $0x7D00, $0x38;
	[tilespmem:$0xFA00] =	vst v63  }
0xe: {  	s9 =	simm.s32 $0x3  }
0xf: {  	_ =	swait.ge [sflag:s9], $0x7D00  }
0x10: {  	s12 =	sadd.s32 $0x1F400, s7;
	[sflag:s9] =	ssyncset.done $0x0  }
0x11: {  	s10 =	sadd.s32 s2, s12;
	[sflag:s9] =	ssyncadd.s32 $0xFFFF8300  }
0x12: {  	[tilespmem:s5], [sflag:$0x1] =	stream.linear.gather [hbm4b:s10+s5], $0x7D00, $0x38;
	[tilespmem:$0xFA00] =	vst v63  }
0x13: {  	s10 =	simm.s32 $0x2  }
0x14: {  	_ =	swait.ge [sflag:s10], $0x7D00  }
0x15: {  	[sflag:s10] =	ssyncset.done $0x0  }
0x16: {  	s11 =	sadd.s32 s3, s11;
	[sflag:s10] =	ssyncadd.s32 $0xFFFF8300  }
0x17: {  	[hbm4b:s11+s5] =	stream.linear.scatter [tilespmem:s6], [sflag:$0x4], $0x7D00, $0x38;
	[tilespmem:$0xFA00] =	vst v63  }
0x18: {  	s11 =	simm.s32 $0x4  }
0x19: {  	_ =	swait.ge [sflag:s11], $0x7D00  }
0x1a: {  	s13 =	sadd.s32 $0x2EE00, s7;
	[sflag:s11] =	ssyncset.done $0x0  }
0x1b: {  	s14 =	sadd.s32 s2, s13;
	[sflag:s11] =	ssyncadd.s32 $0xFFFF8300  }
0x1c: {  	[tilespmem:s6], [sflag:$0x2] =	stream.linear.gather [hbm4b:s14+s5], $0x7D00, $0x38;
	[tilespmem:$0xFA00] =	vst v63  }
0x1d: {  	_ =	swait.ge [sflag:s8], $0x7D00  }
0x1e: {  	[sflag:s8] =	ssyncset.done $0x0  }
0x1f: {  	s12 =	sadd.s32 s3, s12;
	[sflag:s8] =	ssyncadd.s32 $0xFFFF8300  }
0x20: {  	[hbm4b:s12+s5] =	stream.linear.scatter [tilespmem:s5], [sflag:$0x3], $0x7D00, $0x38;
	[tilespmem:$0xFA00] =	vst v63  }
0x21: {  	_ =	swait.ge [sflag:s9], $0x7D00  }
0x22: {  	s24 =	sadd.s32 $0x3E800, s7;
	[sflag:s9] =	ssyncset.done $0x0  }
0x23: {  	s25 =	sadd.s32 s2, s24;
	[sflag:s9] =	ssyncadd.s32 $0xFFFF8300  }
0x24: {  	[tilespmem:s5], [sflag:$0x1] =	stream.linear.gather [hbm4b:s25+s5], $0x7D00, $0x38;
	[tilespmem:$0xFA00] =	vst v63  }
0x25: {  	_ =	swait.ge [sflag:s10], $0x7D00  }
0x26: {  	[sflag:s10] =	ssyncset.done $0x0  }
0x27: {  	s13 =	sadd.s32 s3, s13;
	[sflag:s10] =	ssyncadd.s32 $0xFFFF8300  }
0x28: {  	[hbm4b:s13+s5] =	stream.linear.scatter [tilespmem:s6], [sflag:$0x4], $0x7D00, $0x38;
	[tilespmem:$0xFA00] =	vst v63  }
0x29: {  	_ =	swait.ge [sflag:s11], $0x7D00  }
0x2a: {  	s26 =	sadd.s32 $0x4E200, s7;
	[sflag:s11] =	ssyncset.done $0x0  }
0x2b: {  	s28 =	sadd.s32 s2, s26;
	[sflag:s11] =	ssyncadd.s32 $0xFFFF8300  }
0x2c: {  	[tilespmem:s6], [sflag:$0x2] =	stream.linear.gather [hbm4b:s28+s5], $0x7D00, $0x38;
	[tilespmem:$0xFA00] =	vst v63  }
0x2d: {  	_ =	swait.ge [sflag:s8], $0x7D00  }
0x2e: {  	[sflag:s8] =	ssyncset.done $0x0  }
0x2f: {  	s12 =	sadd.s32 s3, s24;
	[sflag:s8] =	ssyncadd.s32 $0xFFFF8300  }
0x30: {  	[hbm4b:s12+s5] =	stream.linear.scatter [tilespmem:s5], [sflag:$0x3], $0x7D00, $0x38;
	[tilespmem:$0xFA00] =	vst v63  }
0x31: {  	_ =	swait.ge [sflag:s9], $0x7D00  }
0x32: {  	s29 =	sadd.s32 $0x5DC00, s7;
	[sflag:s9] =	ssyncset.done $0x0  }
0x33: {  	s30 =	sadd.s32 s2, s29;
	[sflag:s9] =	ssyncadd.s32 $0xFFFF8300  }
0x34: {  	[tilespmem:s5], [sflag:$0x1] =	stream.linear.gather [hbm4b:s30+s5], $0x7D00, $0x38;
	[tilespmem:$0xFA00] =	vst v63  }
0x35: {  	_ =	swait.ge [sflag:s10], $0x7D00  }
0x36: {  	[sflag:s10] =	ssyncset.done $0x0  }
0x37: {  	s13 =	sadd.s32 s3, s26;
	[sflag:s10] =	ssyncadd.s32 $0xFFFF8300  }
0x38: {  	[hbm4b:s13+s5] =	stream.linear.scatter [tilespmem:s6], [sflag:$0x4], $0x7D00, $0x38;
	[tilespmem:$0xFA00] =	vst v63  }
0x39: {  	_ =	swait.ge [sflag:s11], $0x7D00  }
0x3a: {  	s31 =	sadd.s32 $0x6D600, s7;
	[sflag:s11] =	ssyncset.done $0x0  }
0x3b: {  	s15 =	sadd.s32 s2, s31;
	[sflag:s11] =	ssyncadd.s32 $0xFFFF8300  }
0x3c: {  	[tilespmem:s6], [sflag:$0x2] =	stream.linear.gather [hbm4b:s15+s5], $0x7D00, $0x38;
	[tilespmem:$0xFA00] =	vst v63  }
0x3d: {  	_ =	swait.ge [sflag:s8], $0x7D00  }
0x3e: {  	[sflag:s8] =	ssyncset.done $0x0  }
0x3f: {  	s12 =	sadd.s32 s3, s29;
	[sflag:s8] =	ssyncadd.s32 $0xFFFF8300  }
0x40: {  	[hbm4b:s12+s5] =	stream.linear.scatter [tilespmem:s5], [sflag:$0x3], $0x7D00, $0x38;
	[tilespmem:$0xFA00] =	vst v63  }
0x41: {  	_ =	swait.ge [sflag:s9], $0x7D00  }
0x42: {  	s16 =	sadd.s32 $0x7D000, s7;
	[sflag:s9] =	ssyncset.done $0x0  }
0x43: {  	s17 =	sadd.s32 s2, s16;
	[sflag:s9] =	ssyncadd.s32 $0xFFFF8300  }
0x44: {  	[tilespmem:s5], [sflag:$0x1] =	stream.linear.gather [hbm4b:s17+s5], $0x7D00, $0x38;
	[tilespmem:$0xFA00] =	vst v63  }
0x45: {  	_ =	swait.ge [sflag:s10], $0x7D00  }
0x46: {  	[sflag:s10] =	ssyncset.done $0x0  }
0x47: {  	s13 =	sadd.s32 s3, s31;
	[sflag:s10] =	ssyncadd.s32 $0xFFFF8300  }
0x48: {  	[hbm4b:s13+s5] =	stream.linear.scatter [tilespmem:s6], [sflag:$0x4], $0x7D00, $0x38;
	[tilespmem:$0xFA00] =	vst v63  }
0x49: {  	_ =	swait.ge [sflag:s11], $0x7D00  }
0x4a: {  	s18 =	sadd.s32 $0x8CA00, s7;
	[sflag:s11] =	ssyncset.done $0x0  }
0x4b: {  	s19 =	sadd.s32 s2, s18;
	[sflag:s11] =	ssyncadd.s32 $0xFFFF8300  }
0x4c: {  	[tilespmem:s6], [sflag:$0x2] =	stream.linear.gather [hbm4b:s19+s5], $0x7D00, $0x38;
	[tilespmem:$0xFA00] =	vst v63  }
0x4d: {  	_ =	swait.ge [sflag:s8], $0x7D00  }
0x4e: {  	[sflag:s8] =	ssyncset.done $0x0  }
0x4f: {  	s12 =	sadd.s32 s3, s16;
	[sflag:s8] =	ssyncadd.s32 $0xFFFF8300  }
0x50: {  	[hbm4b:s12+s5] =	stream.linear.scatter [tilespmem:s5], [sflag:$0x3], $0x7D00, $0x38;
	[tilespmem:$0xFA00] =	vst v63  }
0x51: {  	_ =	swait.ge [sflag:s9], $0x7D00  }
0x52: {  	s20 =	sadd.s32 $0x9C400, s7;
	[sflag:s9] =	ssyncset.done $0x0  }
0x53: {  	s21 =	sadd.s32 s2, s20;
	[sflag:s9] =	ssyncadd.s32 $0xFFFF8300  }
0x54: {  	[tilespmem:s5], [sflag:$0x1] =	stream.linear.gather [hbm4b:s21+s5], $0x7D00, $0x38;
	[tilespmem:$0xFA00] =	vst v63  }
0x55: {  	_ =	swait.ge [sflag:s10], $0x7D00  }
0x56: {  	[sflag:s10] =	ssyncset.done $0x0  }
0x57: {  	s13 =	sadd.s32 s3, s18;
	[sflag:s10] =	ssyncadd.s32 $0xFFFF8300  }
0x58: {  	[hbm4b:s13+s5] =	stream.linear.scatter [tilespmem:s6], [sflag:$0x4], $0x7D00, $0x38;
	[tilespmem:$0xFA00] =	vst v63  }
0x59: {  	_ =	swait.ge [sflag:s11], $0x7D00  }
0x5a: {  	s22 =	sadd.s32 $0xABE00, s7;
	[sflag:s11] =	ssyncset.done $0x0  }
0x5b: {  	s23 =	sadd.s32 s2, s22;
	[sflag:s11] =	ssyncadd.s32 $0xFFFF8300  }
0x5c: {  	[tilespmem:s6], [sflag:$0x2] =	stream.linear.gather [hbm4b:s23+s5], $0x7D00, $0x38;
	[tilespmem:$0xFA00] =	vst v63  }
0x5d: {  	_ =	swait.ge [sflag:s8], $0x7D00  }
0x5e: {  	[sflag:s8] =	ssyncset.done $0x0  }
0x5f: {  	s12 =	sadd.s32 s3, s20;
	[sflag:s8] =	ssyncadd.s32 $0xFFFF8300  }
0x60: {  	[hbm4b:s12+s5] =	stream.linear.scatter [tilespmem:s5], [sflag:$0x3], $0x7D00, $0x38;
	[tilespmem:$0xFA00] =	vst v63  }
0x61: {  	_ =	swait.ge [sflag:s9], $0x7D00  }
0x62: {  	s24 =	sadd.s32 $0xBB800, s7;
	[sflag:s9] =	ssyncset.done $0x0  }
0x63: {  	s25 =	sadd.s32 s2, s24;
	[sflag:s9] =	ssyncadd.s32 $0xFFFF8300  }
0x64: {  	[tilespmem:s5], [sflag:$0x1] =	stream.linear.gather [hbm4b:s25+s5], $0x7D00, $0x38;
	[tilespmem:$0xFA00] =	vst v63  }
0x65: {  	_ =	swait.ge [sflag:s10], $0x7D00  }
0x66: {  	[sflag:s10] =	ssyncset.done $0x0  }
0x67: {  	s13 =	sadd.s32 s3, s22;
	[sflag:s10] =	ssyncadd.s32 $0xFFFF8300  }
0x68: {  	[hbm4b:s13+s5] =	stream.linear.scatter [tilespmem:s6], [sflag:$0x4], $0x7D00, $0x38;
	[tilespmem:$0xFA00] =	vst v63  }
0x69: {  	_ =	swait.ge [sflag:s11], $0x7D00  }
0x6a: {  	s26 =	sadd.s32 $0xCB200, s7;
	[sflag:s11] =	ssyncset.done $0x0  }
0x6b: {  	s28 =	sadd.s32 s2, s26;
	[sflag:s11] =	ssyncadd.s32 $0xFFFF8300  }
0x6c: {  	[tilespmem:s6], [sflag:$0x2] =	stream.linear.gather [hbm4b:s28+s5], $0x7D00, $0x38;
	[tilespmem:$0xFA00] =	vst v63  }
0x6d: {  	_ =	swait.ge [sflag:s8], $0x7D00  }
0x6e: {  	[sflag:s8] =	ssyncset.done $0x0  }
0x6f: {  	s12 =	sadd.s32 s3, s24;
	[sflag:s8] =	ssyncadd.s32 $0xFFFF8300  }
0x70: {  	[hbm4b:s12+s5] =	stream.linear.scatter [tilespmem:s5], [sflag:$0x3], $0x7D00, $0x38;
	[tilespmem:$0xFA00] =	vst v63  }
0x71: {  	_ =	swait.ge [sflag:s9], $0x7D00  }
0x72: {  	s29 =	sadd.s32 $0xDAC00, s7;
	[sflag:s9] =	ssyncset.done $0x0  }
0x73: {  	s30 =	sadd.s32 s2, s29;
	[sflag:s9] =	ssyncadd.s32 $0xFFFF8300  }
0x74: {  	[tilespmem:s5], [sflag:$0x1] =	stream.linear.gather [hbm4b:s30+s5], $0x7D00, $0x38;
	[tilespmem:$0xFA00] =	vst v63  }
0x75: {  	_ =	swait.ge [sflag:s10], $0x7D00  }
0x76: {  	[sflag:s10] =	ssyncset.done $0x0  }
0x77: {  	s13 =	sadd.s32 s3, s26;
	[sflag:s10] =	ssyncadd.s32 $0xFFFF8300  }
0x78: {  	[hbm4b:s13+s5] =	stream.linear.scatter [tilespmem:s6], [sflag:$0x4], $0x7D00, $0x38;
	[tilespmem:$0xFA00] =	vst v63  }
0x79: {  	_ =	swait.ge [sflag:s11], $0x7D00  }
0x7a: {  	s31 =	sadd.s32 $0xEA600, s7;
	[sflag:s11] =	ssyncset.done $0x0  }
0x7b: {  	s15 =	sadd.s32 s2, s31;
	[sflag:s11] =	ssyncadd.s32 $0xFFFF8300  }
0x7c: {  	[tilespmem:s6], [sflag:$0x2] =	stream.linear.gather [hbm4b:s15+s5], $0x7D00, $0x38;
	[tilespmem:$0xFA00] =	vst v63  }
0x7d: {  	_ =	swait.ge [sflag:s8], $0x7D00  }
0x7e: {  	[sflag:s8] =	ssyncset.done $0x0  }
0x7f: {  	s12 =	sadd.s32 s3, s29;
	[sflag:s8] =	ssyncadd.s32 $0xFFFF8300  }
0x80: {  	[hbm4b:s12+s5] =	stream.linear.scatter [tilespmem:s5], [sflag:$0x3], $0x7D00, $0x38;
	[tilespmem:$0xFA00] =	vst v63  }
0x81: {  	_ =	swait.ge [sflag:s9], $0x7D00  }
0x82: {  	s16 =	sadd.s32 $0xFA000, s7;
	[sflag:s9] =	ssyncset.done $0x0  }
0x83: {  	s17 =	sadd.s32 s2, s16;
	[sflag:s9] =	ssyncadd.s32 $0xFFFF8300  }
0x84: {  	[tilespmem:s5], [sflag:$0x1] =	stream.linear.gather [hbm4b:s17+s5], $0x7D00, $0x38;
	[tilespmem:$0xFA00] =	vst v63  }
0x85: {  	_ =	swait.ge [sflag:s10], $0x7D00  }
0x86: {  	[sflag:s10] =	ssyncset.done $0x0  }
0x87: {  	s13 =	sadd.s32 s3, s31;
	[sflag:s10] =	ssyncadd.s32 $0xFFFF8300  }
0x88: {  	[hbm4b:s13+s5] =	stream.linear.scatter [tilespmem:s6], [sflag:$0x4], $0x7D00, $0x38;
	[tilespmem:$0xFA00] =	vst v63  }
0x89: {  	_ =	swait.ge [sflag:s11], $0x7D00  }
0x8a: {  	s18 =	sadd.s32 $0x109A00, s7;
	[sflag:s11] =	ssyncset.done $0x0  }
0x8b: {  	s19 =	sadd.s32 s2, s18;
	[sflag:s11] =	ssyncadd.s32 $0xFFFF8300  }
0x8c: {  	[tilespmem:s6], [sflag:$0x2] =	stream.linear.gather [hbm4b:s19+s5], $0x7D00, $0x38;
	[tilespmem:$0xFA00] =	vst v63  }
0x8d: {  	_ =	swait.ge [sflag:s8], $0x7D00  }
0x8e: {  	[sflag:s8] =	ssyncset.done $0x0  }
0x8f: {  	s12 =	sadd.s32 s3, s16;
	[sflag:s8] =	ssyncadd.s32 $0xFFFF8300  }
0x90: {  	[hbm4b:s12+s5] =	stream.linear.scatter [tilespmem:s5], [sflag:$0x3], $0x7D00, $0x38;
	[tilespmem:$0xFA00] =	vst v63  }
0x91: {  	_ =	swait.ge [sflag:s9], $0x7D00  }
0x92: {  	s20 =	sadd.s32 $0x119400, s7;
	[sflag:s9] =	ssyncset.done $0x0  }
0x93: {  	s21 =	sadd.s32 s2, s20;
	[sflag:s9] =	ssyncadd.s32 $0xFFFF8300  }
0x94: {  	[tilespmem:s5], [sflag:$0x1] =	stream.linear.gather [hbm4b:s21+s5], $0x7D00, $0x38;
	[tilespmem:$0xFA00] =	vst v63  }
0x95: {  	_ =	swait.ge [sflag:s10], $0x7D00  }
0x96: {  	[sflag:s10] =	ssyncset.done $0x0  }
0x97: {  	s13 =	sadd.s32 s3, s18;
	[sflag:s10] =	ssyncadd.s32 $0xFFFF8300  }
0x98: {  	[hbm4b:s13+s5] =	stream.linear.scatter [tilespmem:s6], [sflag:$0x4], $0x7D00, $0x38;
	[tilespmem:$0xFA00] =	vst v63  }
0x99: {  	_ =	swait.ge [sflag:s11], $0x7D00  }
0x9a: {  	s22 =	sadd.s32 $0x128E00, s7;
	[sflag:s11] =	ssyncset.done $0x0  }
0x9b: {  	s23 =	sadd.s32 s2, s22;
	[sflag:s11] =	ssyncadd.s32 $0xFFFF8300  }
0x9c: {  	[tilespmem:s6], [sflag:$0x2] =	stream.linear.gather [hbm4b:s23+s5], $0x7D00, $0x38;
	[tilespmem:$0xFA00] =	vst v63  }
0x9d: {  	_ =	swait.ge [sflag:s8], $0x7D00  }
0x9e: {  	[sflag:s8] =	ssyncset.done $0x0  }
0x9f: {  	s12 =	sadd.s32 s3, s20;
	[sflag:s8] =	ssyncadd.s32 $0xFFFF8300  }
0xa0: {  	[hbm4b:s12+s5] =	stream.linear.scatter [tilespmem:s5], [sflag:$0x3], $0x7D00, $0x38;
	[tilespmem:$0xFA00] =	vst v63  }
0xa1: {  	_ =	swait.ge [sflag:s9], $0x7D00  }
0xa2: {  	s24 =	sadd.s32 $0x138800, s7;
	[sflag:s9] =	ssyncset.done $0x0  }
0xa3: {  	s25 =	sadd.s32 s2, s24;
	[sflag:s9] =	ssyncadd.s32 $0xFFFF8300  }
0xa4: {  	[tilespmem:s5], [sflag:$0x1] =	stream.linear.gather [hbm4b:s25+s5], $0x7D00, $0x38;
	[tilespmem:$0xFA00] =	vst v63  }
0xa5: {  	_ =	swait.ge [sflag:s10], $0x7D00  }
0xa6: {  	[sflag:s10] =	ssyncset.done $0x0  }
0xa7: {  	s13 =	sadd.s32 s3, s22;
	[sflag:s10] =	ssyncadd.s32 $0xFFFF8300  }
0xa8: {  	[hbm4b:s13+s5] =	stream.linear.scatter [tilespmem:s6], [sflag:$0x4], $0x7D00, $0x38;
	[tilespmem:$0xFA00] =	vst v63  }
0xa9: {  	_ =	swait.ge [sflag:s11], $0x7D00  }
0xaa: {  	s26 =	sadd.s32 $0x148200, s7;
	[sflag:s11] =	ssyncset.done $0x0  }
0xab: {  	s28 =	sadd.s32 s2, s26;
	[sflag:s11] =	ssyncadd.s32 $0xFFFF8300  }
0xac: {  	[tilespmem:s6], [sflag:$0x2] =	stream.linear.gather [hbm4b:s28+s5], $0x7D00, $0x38;
	[tilespmem:$0xFA00] =	vst v63  }
0xad: {  	_ =	swait.ge [sflag:s8], $0x7D00  }
0xae: {  	[sflag:s8] =	ssyncset.done $0x0  }
0xaf: {  	s12 =	sadd.s32 s3, s24;
	[sflag:s8] =	ssyncadd.s32 $0xFFFF8300  }
0xb0: {  	[hbm4b:s12+s5] =	stream.linear.scatter [tilespmem:s5], [sflag:$0x3], $0x7D00, $0x38;
	[tilespmem:$0xFA00] =	vst v63  }
0xb1: {  	_ =	swait.ge [sflag:s9], $0x7D00  }
0xb2: {  	s29 =	sadd.s32 $0x157C00, s7;
	[sflag:s9] =	ssyncset.done $0x0  }
0xb3: {  	s30 =	sadd.s32 s2, s29;
	[sflag:s9] =	ssyncadd.s32 $0xFFFF8300  }
0xb4: {  	[tilespmem:s5], [sflag:$0x1] =	stream.linear.gather [hbm4b:s30+s5], $0x7D00, $0x38;
	[tilespmem:$0xFA00] =	vst v63  }
0xb5: {  	_ =	swait.ge [sflag:s10], $0x7D00  }
0xb6: {  	[sflag:s10] =	ssyncset.done $0x0  }
0xb7: {  	s13 =	sadd.s32 s3, s26;
	[sflag:s10] =	ssyncadd.s32 $0xFFFF8300  }
0xb8: {  	[hbm4b:s13+s5] =	stream.linear.scatter [tilespmem:s6], [sflag:$0x4], $0x7D00, $0x38;
	[tilespmem:$0xFA00] =	vst v63  }
0xb9: {  	_ =	swait.ge [sflag:s11], $0x7D00  }
0xba: {  	s31 =	sadd.s32 $0x167600, s7;
	[sflag:s11] =	ssyncset.done $0x0  }
0xbb: {  	s15 =	sadd.s32 s2, s31;
	[sflag:s11] =	ssyncadd.s32 $0xFFFF8300  }
0xbc: {  	[tilespmem:s6], [sflag:$0x2] =	stream.linear.gather [hbm4b:s15+s5], $0x7D00, $0x38;
	[tilespmem:$0xFA00] =	vst v63  }
0xbd: {  	_ =	swait.ge [sflag:s8], $0x7D00  }
0xbe: {  	[sflag:s8] =	ssyncset.done $0x0  }
0xbf: {  	s12 =	sadd.s32 s3, s29;
	[sflag:s8] =	ssyncadd.s32 $0xFFFF8300  }
0xc0: {  	[hbm4b:s12+s5] =	stream.linear.scatter [tilespmem:s5], [sflag:$0x3], $0x7D00, $0x38;
	[tilespmem:$0xFA00] =	vst v63  }
0xc1: {  	_ =	swait.ge [sflag:s9], $0x7D00  }
0xc2: {  	s16 =	sadd.s32 $0x177000, s7;
	[sflag:s9] =	ssyncset.done $0x0  }
0xc3: {  	s17 =	sadd.s32 s2, s16;
	[sflag:s9] =	ssyncadd.s32 $0xFFFF8300  }
0xc4: {  	[tilespmem:s5], [sflag:$0x1] =	stream.linear.gather [hbm4b:s17+s5], $0x7D00, $0x38;
	[tilespmem:$0xFA00] =	vst v63  }
0xc5: {  	_ =	swait.ge [sflag:s10], $0x7D00  }
0xc6: {  	[sflag:s10] =	ssyncset.done $0x0  }
0xc7: {  	s13 =	sadd.s32 s3, s31;
	[sflag:s10] =	ssyncadd.s32 $0xFFFF8300  }
0xc8: {  	[hbm4b:s13+s5] =	stream.linear.scatter [tilespmem:s6], [sflag:$0x4], $0x7D00, $0x38;
	[tilespmem:$0xFA00] =	vst v63  }
0xc9: {  	_ =	swait.ge [sflag:s11], $0x7D00  }
0xca: {  	s18 =	sadd.s32 $0x186A00, s7;
	[sflag:s11] =	ssyncset.done $0x0  }
0xcb: {  	s19 =	sadd.s32 s2, s18;
	[sflag:s11] =	ssyncadd.s32 $0xFFFF8300  }
0xcc: {  	[tilespmem:s6], [sflag:$0x2] =	stream.linear.gather [hbm4b:s19+s5], $0x7D00, $0x38;
	[tilespmem:$0xFA00] =	vst v63  }
0xcd: {  	_ =	swait.ge [sflag:s8], $0x7D00  }
0xce: {  	[sflag:s8] =	ssyncset.done $0x0  }
0xcf: {  	s12 =	sadd.s32 s3, s16;
	[sflag:s8] =	ssyncadd.s32 $0xFFFF8300  }
0xd0: {  	[hbm4b:s12+s5] =	stream.linear.scatter [tilespmem:s5], [sflag:$0x3], $0x7D00, $0x38;
	[tilespmem:$0xFA00] =	vst v63  }
0xd1: {  	_ =	swait.ge [sflag:s9], $0x7D00  }
0xd2: {  	s20 =	sadd.s32 $0x196400, s7;
	[sflag:s9] =	ssyncset.done $0x0  }
0xd3: {  	s21 =	sadd.s32 s2, s20;
	[sflag:s9] =	ssyncadd.s32 $0xFFFF8300  }
0xd4: {  	[tilespmem:s5], [sflag:$0x1] =	stream.linear.gather [hbm4b:s21+s5], $0x7D00, $0x38;
	[tilespmem:$0xFA00] =	vst v63  }
0xd5: {  	_ =	swait.ge [sflag:s10], $0x7D00  }
0xd6: {  	[sflag:s10] =	ssyncset.done $0x0  }
0xd7: {  	s13 =	sadd.s32 s3, s18;
	[sflag:s10] =	ssyncadd.s32 $0xFFFF8300  }
0xd8: {  	[hbm4b:s13+s5] =	stream.linear.scatter [tilespmem:s6], [sflag:$0x4], $0x7D00, $0x38;
	[tilespmem:$0xFA00] =	vst v63  }
0xd9: {  	_ =	swait.ge [sflag:s11], $0x7D00  }
0xda: {  	s22 =	sadd.s32 $0x1A5E00, s7;
	[sflag:s11] =	ssyncset.done $0x0  }
0xdb: {  	s23 =	sadd.s32 s2, s22;
	[sflag:s11] =	ssyncadd.s32 $0xFFFF8300  }
0xdc: {  	[tilespmem:s6], [sflag:$0x2] =	stream.linear.gather [hbm4b:s23+s5], $0x7D00, $0x38;
	[tilespmem:$0xFA00] =	vst v63  }
0xdd: {  	_ =	swait.ge [sflag:s8], $0x7D00  }
0xde: {  	[sflag:s8] =	ssyncset.done $0x0  }
0xdf: {  	s12 =	sadd.s32 s3, s20;
	[sflag:s8] =	ssyncadd.s32 $0xFFFF8300  }
0xe0: {  	[hbm4b:s12+s5] =	stream.linear.scatter [tilespmem:s5], [sflag:$0x3], $0x7D00, $0x38;
	[tilespmem:$0xFA00] =	vst v63  }
0xe1: {  	_ =	swait.ge [sflag:s9], $0x7D00  }
0xe2: {  	s24 =	sadd.s32 $0x1B5800, s7;
	[sflag:s9] =	ssyncset.done $0x0  }
0xe3: {  	s25 =	sadd.s32 s2, s24;
	[sflag:s9] =	ssyncadd.s32 $0xFFFF8300  }
0xe4: {  	[tilespmem:s5], [sflag:$0x1] =	stream.linear.gather [hbm4b:s25+s5], $0x7D00, $0x38;
	[tilespmem:$0xFA00] =	vst v63  }
0xe5: {  	_ =	swait.ge [sflag:s10], $0x7D00  }
0xe6: {  	[sflag:s10] =	ssyncset.done $0x0  }
0xe7: {  	s13 =	sadd.s32 s3, s22;
	[sflag:s10] =	ssyncadd.s32 $0xFFFF8300  }
0xe8: {  	[hbm4b:s13+s5] =	stream.linear.scatter [tilespmem:s6], [sflag:$0x4], $0x7D00, $0x38;
	[tilespmem:$0xFA00] =	vst v63  }
0xe9: {  	_ =	swait.ge [sflag:s11], $0x7D00  }
0xea: {  	s26 =	sadd.s32 $0x1C5200, s7;
	[sflag:s11] =	ssyncset.done $0x0  }
0xeb: {  	s28 =	sadd.s32 s2, s26;
	[sflag:s11] =	ssyncadd.s32 $0xFFFF8300  }
0xec: {  	[tilespmem:s6], [sflag:$0x2] =	stream.linear.gather [hbm4b:s28+s5], $0x7D00, $0x38;
	[tilespmem:$0xFA00] =	vst v63  }
0xed: {  	_ =	swait.ge [sflag:s8], $0x7D00  }
0xee: {  	[sflag:s8] =	ssyncset.done $0x0  }
0xef: {  	s29 =	sadd.s32 s3, s24;
	[sflag:s8] =	ssyncadd.s32 $0xFFFF8300  }
0xf0: {  	[hbm4b:s29+s5] =	stream.linear.scatter [tilespmem:s5], [sflag:$0x3], $0x7D00, $0x38;
	[tilespmem:$0xFA00] =	vst v63  }
0xf1: {  	_ =	swait.ge [sflag:s9], $0x7D00  }
0xf2: {  	s7 =	sadd.s32 $0x1D4C00, s7;
	[sflag:s9] =	ssyncset.done $0x0  }
0xf3: {  	s30 =	sadd.s32 s2, s7;
	[sflag:s9] =	ssyncadd.s32 $0xFFFF8300  }
0xf4: {  	[tilespmem:s5], [sflag:$0x1] =	stream.linear.gather [hbm4b:s30+s5], $0x7D00, $0x38;
	[tilespmem:$0xFA00] =	vst v63  }
0xf5: {  	_ =	swait.ge [sflag:s10], $0x7D00  }
0xf6: {  	[sflag:s10] =	ssyncset.done $0x0  }
0xf7: {  	p0 =	sgt.u32 s1, $0x3;
	s31 =	sadd.s32 s3, s26;
	[sflag:s10] =	ssyncadd.s32 $0xFFFF8300  }
0xf8: {  	[hbm4b:s31+s5] =	stream.linear.scatter [tilespmem:s6], [sflag:$0x4], $0x7D00, $0x38;
	[tilespmem:$0xFA00] =	vst v63  }
0xf9: {  	s5 =	simm.s32 @p0 $0x1  }
0xfa: {  	_ =	swait.ge @p0 [sflag:s5], $0x7D00  }
0xfb: {  	[sflag:s5] =	ssyncset.done @p0 $0x0  }
0xfc: {  	s6 =	sadd.s32 @p0 s3, s7;
	[sflag:s5] =	ssyncadd.s32 @p0 $0xFFFF8300;
	s5 =	simm.s32 @p0 $0x0  }
0xfd: {  	[hbm4b:s6+s5] =	stream.linear.scatter @p0 [tilespmem:s5], [sflag:$0x3], $0x7D00, $0x38;
	[tilespmem:$0xFA00] =	vst v63  }
0xfe: {  	s4 =	sshrl.u32 @!p0 s4, $0x3;
	s5 =	simm.s32 @!p0 $0x4  }
0xff: {  	s4 =	sadd.s32 @!p0 $0x1E4600, s4;
	_ =	swait.ge @!p0 [sflag:s5], $0x7D00  }
0x100: {  	s2 =	sadd.s32 @!p0 s2, s4;
	[sflag:s5] =	ssyncset.done @!p0 $0x0  }
0x101: {  	s8 =	simm.s32 @!p0 $0x7D00;
	s6 =	simm.s32 @!p0 $0x0;
	[sflag:s5] =	ssyncadd.s32 @!p0 $0xFFFF8300  }
0x102: {  	[tilespmem:s8], [sflag:$0x2] =	stream.linear.gather @!p0 [hbm4b:s2+s6], $0x7D00, $0x38;
	[tilespmem:$0xFA00] =	vst v63  }
0x103: {  	s2 =	simm.s32 @!p0 $0x1  }
0x104: {  	_ =	swait.ge @!p0 [sflag:s2], $0x7D00  }
0x105: {  	[sflag:s2] =	ssyncset.done @!p0 $0x0  }
0x106: {  	[sflag:s2] =	ssyncadd.s32 @!p0 $0xFFFF8300;
	s2 =	sadd.s32 @!p0 s3, s7  }
0x107: {  	[hbm4b:s2+s6] =	stream.linear.scatter @!p0 [tilespmem:s6], [sflag:$0x3], $0x7D00, $0x38;
	[tilespmem:$0xFA00] =	vst v63  }
0x108: {  	s2 =	simm.s32 @!p0 $0x2  }
0x109: {  	_ =	swait.ge @!p0 [sflag:s2], $0x7D00  }
0x10a: {  	[sflag:s2] =	ssyncset.done @!p0 $0x0  }
0x10b: {  	s3 =	sadd.s32 @!p0 s3, s4;
	[sflag:s2] =	ssyncadd.s32 @!p0 $0xFFFF8300;
	s2 =	simm.s32 @!p0 $0x3  }
0x10c: {  	[hbm4b:s3+s6] =	stream.linear.scatter @!p0 [tilespmem:s8], [sflag:$0x4], $0x7D00, $0x38;
	[tilespmem:$0xFA00] =	vst v63  }
0x10d: {  	_ =	swait.ge @!p0 [sflag:s2], $0x7D00  }
0x10e: {  	[sflag:s2] =	ssyncset.done @!p0 $0x0  }
0x10f: {  	s5 =	simm.s32 @p0 $0x3;
	[sflag:s2] =	ssyncadd.s32 @!p0 $0xFFFF8300  }
0x110: {  	_ =	swait.ge [sflag:s5], $0x7D00  }
0x111: {  	[sflag:s5] =	ssyncset.done $0x0  }
0x112: {  	[sflag:s5] =	ssyncadd.s32 $0xFFFF8300  }
0x113: {  	_ =	sfence.sel $0x180000  }
0x114: {  	[bflag:$0x0] =	sbarrier.arrive $0xFFFF  }
0x115: {  	p0 =	sne.s32 s1, $0x0;
	_ =	strace $0x90000047  }
0x116: {  	s0 =	sadd.s32 @!p0 $0x100000, s0;
	[bflag:$0x2] =	sbarrier.arrive $0xFFFF  }
0x117: {  	[sflag:s0] =	ssyncadd.tile.s32 @!p0 $0x1;
	_ =	shalt  }
.Lfunc_end2:
_tile_overlayer_lowered:
.L_overlay_start_2:
0x118: {  	(tag) =	ssettag $0x2  }
0x119: {  	s0 =	rddreg [dreg:$0x0];
	s2 =	stileid.u32  }
0x11a: {  	s1 =	rddreg [dreg:$0x1];
	p0 =	sne.s32 s2, $0x0  }
0x11b: {  	s3 =	rddreg [dreg:$0x2];
	[bflag:$0x3] =	sbarrier.arrive $0xFFFF;
	s2 =	simm.s32 @!p0 $0x1C05  }
0x11c: {  	[timem:s3], [sflag:s2] =	dma.local @!p0 [hbm:s0], s1  }
0x11d: {  	s0 =	simm.s32 @!p0 $0x5  }
0x11e: {  	_ =	swait.ge @!p0 [sflag:s0], s1  }
0x11f: {  	s1 =	ssub.s32 @!p0 $0x0, s1;
	[sflag:s0] =	ssyncset.done @!p0 $0x0  }
0x120: {  	[sflag:s0] =	ssyncadd.s32 @!p0 s1  }
0x121: {  	[bflag:$0x3] =	sbarrier.arrive $0xFFFF  }
0x122: {  	_ =	shalt  }

// kernel: sparse-core-data-format-call.cloned.1.call-start
scs
called_computation_lowered:
.L_overlay_start_0:
0x0: {  	s2 =	sld [smem:$0x3FD9]  }
0x1: {  	s3 =	sld [smem:$0x3FFE];
	_ =	sdelay $0x1  }
0x2: {  	s1 =	srdreg.scid  }
0x3: {  	s0 =	sand.u32 $0x1, s1  }
0x4: {  	s18 =	sshll.u32 s0, $0xA;
	s2 =	sadd.s32 s3, s2  }
0x5: {  	s2 =	sadd.s32 s2, s18  }
0x6: {  	[smem:$0x3FC7] =	sst s2  }
0x7: {  	_ = 	snop  }
0x8: {  	s2 =	sld [smem:$0x3FD0];
	(tm) =	ssettm $0x1  }
0x9: {  	s19 =	sld [smem:$0x3FFB];
	_ =	sdelay $0x3  }
0xa: {  	_ =	strace s19  }
0xb: {  	s3 =	sld [smem:$0x3FFC];
	_ =	sdelay $0x3  }
0xc: {  	_ =	strace s3  }
0xd: {  	s3 =	sld [smem:$0x3FFD];
	_ =	sdelay $0x3  }
0xe: {  	_ =	strace s3  }
0xf: {  	_ =	strace $0x8FFFFFFF  }
0x10: {  	s20 =	sld [smem:$0x3FDB];
	_ =	sdelay $0x1  }
0x11: {  	s4 =	simm.s32 $_scs_section_size  }
0x12: {  	s5 =	simm.s32 $_size__tile_overlayer_lowered;
	s6 =	simm.s32 $_tile_overlayer_lowered  }
0x13: {  	s23 =	simm.s32 $0x1BFF;
	s22 =	sshll.u32 s6, $0x1;
	s3 =	sadd.s32 s4, s20  }
0x14: {  	s7 =	simm.s32 $0x0;
	s21 =	sshll.u32 s5, $0x1;
	s5 =	sadd.s32 s22, s3  }
0x15: {  	[timem:s7], [sflag:s23] =	dma.local [hbm:s5], s21  }
0x16: {  	_ =	swait.ge [sflag:s23], s21  }
0x17: {  	s4 =	ssub.s32 $0x0, s21;
	[sflag:s23] =	ssyncset.done $0x0  }
0x18: {  	[sflag:s23] =	ssyncadd.s32 s4;
	_ =	sdelay $0x1  }
0x19: {  	s24 =	simm.s32 $0x1B8B  }
0x1a: {  	_ =	swait.ge [sflag:s24], $0x1  }
0x1b: {  	[sflag:s24] =	ssyncset.done $0x0  }
0x1c: {  	s26 =	simm.s32 $0x1B8E;
	s25 =	sld [smem:$0x3FFE];
	[sflag:s24] =	ssyncadd.s32 $0xFFFFFFFF  }
0x1d: {  	s27 =	simm.s32 $execute0_lowered;
	[smem:$0x3FD2] =	sst s26  }
0x1e: {  	s5 =	sshll.u32 s27, $0x1;
	_ =	strace $0x80000049;
	[dreg:$0x1] =	wrdreg $0xFFFFFFFF  }
0x1f: {  	s28 =	simm.s32 $_size_execute0_lowered;
	s3 =	sadd.s32 s3, s5;
	[dreg:$0x0] =	wrdreg $0x0  }
0x20: {  	s5 =	sshll.u32 s28, $0x1;
	[dreg:$0x2] =	wrdreg s3  }
0x21: {  	[dreg:$0x3] =	wrdreg s5  }
0x22: {  	[dreg:$0x4] =	wrdreg $0xC0  }
0x23: {  	_ =	task [dreg:s7], $0x5FFFF  }
0x24: {  	[dreg:$0x1] =	wrdreg $0xFFFFFFFF  }
0x25: {  	[dreg:$0x0] =	wrdreg $0x60  }
0x26: {  	[dreg:$0x2] =	wrdreg s25  }
0x27: {  	[dreg:$0x3] =	wrdreg s2  }
0x28: {  	[dreg:$0x4] =	wrdreg $0x9  }
0x29: {  	_ =	task.clear_ibuf [dreg:s7], $0x5FFFF;
	_ =	strace $0x90000049  }
0x2a: {  	s29 =	simm.s32 $0x9;
	_ =	strace $0x8000004B  }
0x2b: {  	_ =	swait.ge [sflag:s29], $0x1  }
0x2c: {  	[sflag:s29] =	ssyncadd.s32 $0xFFFFFFFF  }
0x2d: {  	_ =	strace $0x9000004B  }
0x2e: {  	_ =	sfence  }
0x2f: {  	s30 =	sld [smem:$0x0];
	_ =	sdelay $0x2  }
0x30: {  	s31 =	sshll.u32 s1, $0xD;
	s1 =	sshrl.u32 s1, $0x2  }
0x31: {  	s3 =	sand.u32 $0x4000, s31;
	s1 =	sadd.s32 s1, s30  }
0x32: {  	s0 =	sor.u32 s3, s0;
	s1 =	sshll.u32 s1, $0x11  }
0x33: {  	s0 =	sor.u32 s1, s0  }
0x34: {  	s0 =	sadd.s32 $0x8F2B, s0  }
0x35: {  	[sflag:s0] =	ssyncadd.remote.s32 $0x1  }
0x36: {  	_ =	sfence.sel $0xFFFF  }
0x37: {  	[dreg:$0x0] =	wrdreg $0xFFFFFFFF;
	(pc) =	sbr.abs _section_cstart, $3  }
0x38: {  	[dreg:$0x1] =	wrdreg $0xFFFFFFFF  }
0x39: {  	_ =	task.clear_ibuf [dreg:s7], $0x2FFFF;
	_ =	strace $0x9FFFFFFF  }
0x3a: {  	(tm) =	ssettm $0x7FFFFFFF  }
0x3b: {  	_ =	shalt  }
tec
execute0_lowered:
.L_overlay_start_1:
0x0: {  	(tag) =	ssettag $0x1  }
0x1: {  	s4 =	rddreg [dreg:$0x0]  }
0x2: {  	s0 =	srdreg.scid;
	s2 =	rddreg [dreg:$0x1]  }
0x3: {  	s1 =	stileid.u32;
	s5 =	simm.s32 $0x1;
	s0 =	sshll.u32 s0, $0x4  }
0x4: {  	s7 =	simm.s32 $0x2;
	s11 =	simm.s32 $0x0;
	s3 =	sand.u32 $0x10, s0  }
.Ltmp0:
0x5: {  	p0 =	por $0x0, $0x0;
	s3 =	sor.u32 s1, s3;
	(pc) =	sbr.rel .LBB1_1-.Ltmp0, $4  }
0x6: {  	s8 =	simm.s32 $0x7A1400;
	s10 =	simm.s32 $0x0;
	s3 =	sshll.u32 s3, $0x7  }
0x7: {  	s0 =	rddreg [dreg:$0x2];
	_ =	strace $0x8000004A;
	s6 =	ssub.s32 $0xF4200, s3  }
0x8: {  	s4 =	sadd.s32 $0x1E8E00, s4;
	[sflag:s5] =	ssyncpa.u1 $0x0;
	s6 =	sshrl.u32 s6, $0xC  }
0x9: {  	[sflag:s7] =	ssyncpa.u1 $0x0;
	s9 =	smov.u32 s3;
	s7 =	sadd.s32 $0x2, s6  }
.LBB1_5:
0xa: {  	s13 =	sadd.s32 $0x1000, s9  }
0xb: {  	p2 =	sgt.s32 s13, $0xF423F  }
0xc: {  	s13 =	smov.u32 @p2 s3;
	p2 =	sne.s32 s10, s7  }
.Ltmp1:
0xd: {  	p1 =	slt.u32 s10, $0x2;
	(pc) =	sbr.rel @!p2 .LBB1_6-.Ltmp1, $4  }
0xe: {  	s12 =	simm.s32 @!p1 $0x2  }
0xf: {  	s14 =	sadd.s32 $0x1, s10;
	_ =	swait.ge @!p1 [sflag:s12], $0x800  }
0x10: {  	s11 =	smov.u32 s9;
	p0 =	por !p0, !p0;
	[sflag:s12] =	ssyncset.done @!p1 $0x0  }
0x11: {  	s10 =	smov.u32 s14;
	s9 =	smov.u32 s13;
	[sflag:s12] =	ssyncadd.s32 @!p1 $0xFFFFF800  }
.LBB1_1:
0x12: {  	p1 =	sgt.u32 s10, s6  }
0x13: {  	s13 =	smov.u32 s9;
	p2 =	sgt.s32 @!p1 s9, $0xF41C0  }
0x14: {  	s12 =	sand.u32 @!p1 $0x1FFFFFF, s9;
	s14 =	sshra.s32 @!p1 s9, $0x1F;
	p2 =	por !p2, p1  }
0x15: {  	s15 =	smulhi.u32 @!p1 $0x218DEF5, s12;
	s14 =	sand.u32 @!p1 s14, s9;
	s13 =	simm.s32 @p2 $0xF41C0  }
0x16: {  	s13 =	ssub.s32 @!p1 s13, s14  }
0x17: {  	s14 =	sshrl.u32 @!p1 s15, $0xD;
	s13 =	sadd.s32 @!p1 $0xFFF0BE40, s13  }
0x18: {  	s15 =	sxor.u32 @!p1 $0xFFFFFFFF, s10;
	s14 =	smul.u32 @!p1 $0xF4240, s14;
	s16 =	sshll.u32 @!p1 s13, $0x6  }
0x19: {  	s15 =	sshll.u32 @!p1 s15, $0xB;
	p2 =	sgt.s32 @!p1 s13, $0x7F;
	s13 =	ssub.s32 @!p1 $0x2000, s16  }
0x1a: {  	s12 =	ssub.s32 @!p1 s12, s14;
	p2 =	por !p2, p1;
	s14 =	sand.u32 @!p1 $0x800, s15  }
0x1b: {  	s15 =	simm.s32 @!p1 $0x10;
	s13 =	sshrl.u32 @!p1 s13, $0x2;
	s12 =	sshll.u32 @!p1 s12, $0x4  }
0x1c: {  	s16 =	simm.s32 @!p1 $0x80;
	s13 =	simm.s32 @!p2 $0x0;
	s12 =	sadd.s32 @!p1 s4, s12  }
0x1d: {  	[tilespmem:s14], [sflag:$0x1] =	stream.strided.gather @!p1 [hbm4b:s12+s15], s13, s16, s15, $0x38;
	[tilespmem:$0x2020] =	vst v63  }
0x1e: {  	p1 =	seq.s32 s10, $0x0  }
0x1f: {  	p2 =	sge.u32 @!p1 s10, s7  }
0x20: {  	p1 =	por p1, p2  }
.Ltmp2:
0x21: {  	_ = 	snop;
	(pc) =	sbr.rel @p1 .LBB1_5-.Ltmp2, $1  }
0x22: {  	_ =	sdelay $0x3  }
0x23: {  	p1 =	sgt.s32 s11, $0xF41C0;
	s12 =	smov.u32 s11;
	s13 =	sshra.s32 s11, $0x1F  }
0x24: {  	s12 =	simm.s32 @!p1 $0xF41C0;
	s13 =	sand.u32 s13, s11  }
0x25: {  	s12 =	ssub.s32 s12, s13  }
0x26: {  	s12 =	sadd.s32 $0xFFF0BE40, s12  }
0x27: {  	s29 =	sshll.u32 s12, $0x6  }
0x28: {  	s13 =	ssub.s32 $0x2000, s29  }
0x29: {  	p1 =	sgt.s32 s12, $0x7F;
	s12 =	sshrl.u32 s13, $0x2  }
0x2a: {  	s13 =	simm.s32 $0x1;
	s12 =	simm.s32 @p1 $0x0  }
0x2b: {  	s13 =	simm.s32 @!p0 $0x0;
	_ =	swait.ge [sflag:s5], s12  }
0x2c: {  	s14 =	sshll.u32 s13, $0xB;
	s12 =	ssub.s32 $0x0, s12;
	[sflag:s5] =	ssyncset.done $0x0  }
0x2d: {  	s15 =	sor.u32 $0x40, s14;
	[sflag:s5] =	ssyncadd.s32 s12  }
0x2e: {  	v1 =	vld [tilespmem:s15+$0x30]  }
0x2f: {  	s30 =	smul.u32 $0x2040, s13;
	v4 =	vld [tilespmem:s15+$0xFFFFFFD0]  }
0x30: {  	v5 =	vld [tilespmem:s15+$0xFFFFFFE0]  }
0x31: {  	s31 =	sand.u32 $0x1, s10;
	s12 =	sshrl.u32 s30, $0x2;
	v2 =	vld [tilespmem:s15+$0xFFFFFFF0]  }
0x32: {  	s13 =	smul.u32 $0x2040, s31;
	s12 =	sor.u32 $0x1007, s12;
	v3 =	vld [tilespmem:s15+$0x0]  }
0x33: {  	v0 =	vld [tilespmem:s15+$0x10];
	[tilespmem:s12+$0x0 ss:$0x81] =	vst.msk $0xffff, v1  }
0x34: {  	s13 =	sshrl.u32 s13, $0x2;
	[tilespmem:s12+$0xFFFFFFFA ss:$0x81] =	vst.msk $0xffff, v4;
	v4 =	vld [tilespmem:s15+$0x20]  }
0x35: {  	s14 =	simm.s32 $0x0;
	s13 =	sor.u32 $0x1000, s13;
	v1 =	vld [tilespmem:s15+$0xFFFFFFC0];
	[tilespmem:s12+$0xFFFFFFFB ss:$0x81] =	vst.msk $0xffff, v5;
	s15 =	sadd.s32 $0x80, s15  }
.LBB1_3:
0x36: {  	v5 =	vld [tilespmem:s15+$0x30];
	s14 =	sadd.s32 $0x8, s14;
	[tilespmem:s12+$0xFFFFFFFC ss:$0x81] =	vst.msk $0xffff, v2  }
0x37: {  	v6 =	vld [tilespmem:s15+$0xFFFFFFD0];
	p1 =	slt.u32 s14, $0x78;
	[tilespmem:s12+$0xFFFFFFFD ss:$0x81] =	vst.msk $0xffff, v3  }
0x38: {  	v7 =	vld [tilespmem:s15+$0xFFFFFFE0];
	[tilespmem:s12+$0xFFFFFFFE ss:$0x81] =	vst.msk $0xffff, v0  }
.Ltmp3:
0x39: {  	v2 =	vld [tilespmem:s15+$0xFFFFFFF0];
	[tilespmem:s12+$0xFFFFFFFF ss:$0x81] =	vst.msk $0xffff, v4;
	(pc) =	sbr.rel @p1 .LBB1_3-.Ltmp3, $4  }
0x3a: {  	v3 =	vld [tilespmem:s15+$0x0];
	[tilespmem:s12+$0xFFFFFFF9 ss:$0x81] =	vst.msk $0xffff, v1;
	s12 =	sadd.s32 $0x8, s12  }
0x3b: {  	v0 =	vld [tilespmem:s15+$0x10];
	[tilespmem:s12+$0x0 ss:$0x81] =	vst.msk $0xffff, v5  }
0x3c: {  	[tilespmem:s12+$0xFFFFFFFA ss:$0x81] =	vst.msk $0xffff, v6;
	v4 =	vld [tilespmem:s15+$0x20]  }
0x3d: {  	v1 =	vld [tilespmem:s15+$0xFFFFFFC0];
	[tilespmem:s12+$0xFFFFFFFB ss:$0x81] =	vst.msk $0xffff, v7;
	s15 =	sadd.s32 $0x80, s15  }
0x3e: {  	s14 =	sshll.u32 s11, $0x3  }
0x3f: {  	s30 =	sand.u32 $0x7F, s11;
	s14 =	sand.u32 $0xFFFFFC00, s14  }
0x40: {  	s11 =	sor.u32 s30, s14  }
0x41: {  	s15 =	smulhi.u32 $0x218D6287, s11;
	_ =	sdelay $0x1  }
0x42: {  	s14 =	smulhi.u32 $0x218D6287, s14;
	s15 =	sshrl.u32 s15, $0x11  }
0x43: {  	s15 =	smul.u32 $0xF4280, s15  }
0x44: {  	[tilespmem:s12+$0xFFFFFFFC ss:$0x81] =	vst.msk $0xffff, v2;
	s14 =	sshrl.u32 s14, $0x11  }
.Ltmp4:
0x45: {  	[tilespmem:s12+$0xFFFFFFFD ss:$0x81] =	vst.msk $0xffff, v3;
	s14 =	sand.u32 $0xF, s14;
	s11 =	ssub.s32 s11, s15;
	(pc) =	sbr.rel .LBB1_5-.Ltmp4, $4  }
0x46: {  	[tilespmem:s12+$0xFFFFFFFE ss:$0x81] =	vst.msk $0xffff, v0;
	s14 =	smul.u32 $0x1E850, s14;
	s15 =	sshrl.u32 s11, $0x3;
	s11 =	sand.u32 $0x7, s11  }
0x47: {  	[tilespmem:s12+$0xFFFFFFFF ss:$0x81] =	vst.msk $0xffff, v4;
	s15 =	sadd.s32 s2, s15;
	s11 =	sshll.u32 s11, $0x12  }
0x48: {  	[tilespmem:s12+$0xFFFFFFF9 ss:$0x81] =	vst.msk $0xffff, v1;
	s31 =	sadd.s32 s14, s15;
	s11 =	sor.u32 $0x400, s11  }
0x49: {  	[hbm4b:s31+s11] =	stream.strided.scatter [tilespmem:s13], [sflag:$0x2], $0x800, s8, s11, $0x20;
	[tilespmem:$0x2020] =	vst v63  }
.LBB1_6:
0x4a: {  	_ =	sfence.sel $0x180000  }
0x4b: {  	s2 =	simm.s32 $0x1;
	[bflag:$0x0] =	sbarrier.arrive $0xFFFF  }
0x4c: {  	s31 =	simm.s32 $0x2;
	[sflag:s2] =	ssyncpa.u1 $0x1  }
0x4d: {  	[sflag:s31] =	ssyncpa.u1 $0x1  }
0x4e: {  	p0 =	sne.s32 s1, $0x0;
	_ =	strace $0x9000004A  }
0x4f: {  	s0 =	sadd.s32 @!p0 $0x100000, s0;
	[bflag:$0x2] =	sbarrier.arrive $0xFFFF  }
0x50: {  	[sflag:s0] =	ssyncadd.tile.s32 @!p0 $0x1;
	_ =	shalt  }
.Lfunc_end1:
_tile_overlayer_lowered:
.L_overlay_start_2:
0x51: {  	(tag) =	ssettag $0x2  }
0x52: {  	s0 =	rddreg [dreg:$0x0];
	s2 =	stileid.u32  }
0x53: {  	s1 =	rddreg [dreg:$0x1];
	p0 =	sne.s32 s2, $0x0  }
0x54: {  	s3 =	rddreg [dreg:$0x2];
	[bflag:$0x3] =	sbarrier.arrive $0xFFFF;
	s2 =	simm.s32 @!p0 $0x1C01  }
0x55: {  	[timem:s3], [sflag:s2] =	dma.local @!p0 [hbm:s0], s1  }
0x56: {  	s0 =	simm.s32 @!p0 $0x1  }
0x57: {  	_ =	swait.ge @!p0 [sflag:s0], s1  }
0x58: {  	s1 =	ssub.s32 @!p0 $0x0, s1;
	[sflag:s0] =	ssyncset.done @!p0 $0x0  }
0x59: {  	[sflag:s0] =	ssyncadd.s32 @!p0 s1  }
0x5a: {  	[bflag:$0x3] =	sbarrier.arrive $0xFFFF  }
0x5b: {  	_ =	shalt  }

</sc_bundles>
